<compile_context>
chip_gen: v7x
topology: tpu7x:2x2x1
jax: 0.10.2.dev20260603
libtpu: 0.0.44.dev20260713+nightly
codegen_flags: <defaults>
</compile_context>

<pallas_src>
import jax
import jax.numpy as jnp
from jax import lax
from jax.experimental import pallas as pl
from jax.experimental.pallas import tpu as pltpu
from jax.experimental.pallas import tpu_sc as plsc

N1 = 100000
N2 = 50000
NT = N1 + N2
NTP = 151552
E1 = 1600000
E2 = 800000
NS = 16
CHUNK = 512
KB = 40
CPT = 320
NBLK = CPT // KB
EPAD = NS * CHUNK * CPT
RZ = NTP // NS

BR = 1024
SEG_BD = 2000
SEG = N1 // SEG_BD
NBLKD = NT // SEG_BD


def _deg_body(dst2d, ones_hbm, zeros_hbm, degp, degacc, ones_v, idxbuf):
    s = lax.axis_index("s")
    r0 = s * RZ
    pltpu.sync_copy(zeros_hbm, degacc.at[pl.ds(r0, RZ), :])
    plsc.subcore_barrier()
    pltpu.sync_copy(ones_hbm, ones_v)
    base = s * CPT
    for t in range(NBLK):
        pltpu.sync_copy(dst2d.at[pl.ds(base + t * KB, KB), :], idxbuf)

        def body(j, carry):
            pltpu.sync_copy(ones_v, degacc.at[idxbuf.at[j]], add=True)
            return carry

        lax.fori_loop(0, KB, body, 0)
    plsc.subcore_barrier()
    pltpu.sync_copy(degacc.at[pl.ds(r0, RZ), :], degp.at[pl.ds(r0, RZ), :])


def _agg_body(src2d, dst2d, u_hbm, zeros_hbm, zp, zacc, u_sp, idxs, idxd, gbuf, sem):
    s = lax.axis_index("s")
    r0 = s * RZ
    pltpu.sync_copy(zeros_hbm, zacc.at[pl.ds(r0, RZ), :])
    pltpu.sync_copy(u_hbm.at[pl.ds(r0, RZ), :], u_sp.at[pl.ds(r0, RZ), :])
    plsc.subcore_barrier()
    base = s * CPT
    for t in range(NBLK):
        pltpu.sync_copy(src2d.at[pl.ds(base + t * KB, KB), :], idxs)
        pltpu.sync_copy(dst2d.at[pl.ds(base + t * KB, KB), :], idxd)
        pltpu.async_copy(u_sp.at[idxs.at[0]], gbuf.at[0], sem)

        def body(j, carry):
            b = lax.rem(j, 2)
            pltpu.make_async_copy(u_sp.at[idxs.at[j]], gbuf.at[b], sem).wait()

            @pl.when(j + 1 < KB)
            def _():
                pltpu.async_copy(u_sp.at[idxs.at[j + 1]], gbuf.at[1 - b], sem)

            pltpu.sync_copy(gbuf.at[b], zacc.at[idxd.at[j]], add=True)
            return carry

        lax.fori_loop(0, KB, body, 0)
    plsc.subcore_barrier()
    pltpu.sync_copy(zacc.at[pl.ds(r0, RZ), :], zp.at[pl.ds(r0, RZ), :])


def _prep_body(degp_ref, x_ref, u_ref, dinv_ref):
    deg = degp_ref[:, 0:1] + 1.0
    dinv = lax.rsqrt(deg)
    dinv8 = jnp.broadcast_to(dinv, x_ref.shape)
    u_ref[...] = (x_ref[...] * dinv8).astype(jnp.bfloat16)
    dinv_ref[...] = dinv8


def _head_body(z_ref, u_ref, dinv_ref, w1_ref, b1_ref, w2_ref, b2_ref,
               wa1_ref, ba1_ref, wa2_ref, ba2_ref, wa3_ref, ba3_ref,
               wa4_ref, ba4_ref, wa5_ref, ba5_ref, out_ref, acc1, acc2):
    i = pl.program_id(0)
    y = ((z_ref[...].astype(jnp.float32) + u_ref[...].astype(jnp.float32))
         * dinv_ref[...].astype(jnp.float32))

    @pl.when(i == 0)
    def _():
        acc1[...] = jnp.zeros_like(acc1)

    @pl.when(i == SEG)
    def _():
        acc2[...] = jnp.zeros_like(acc2)

    @pl.when(i < SEG)
    def _():
        h = jnp.dot(y, w1_ref[...], preferred_element_type=jnp.float32)
        h = jnp.maximum(h + b1_ref[...], 0.0)
        acc1[...] += jnp.sum(h, axis=0, keepdims=True)

    @pl.when(i >= SEG)
    def _():
        h = jnp.dot(y, w2_ref[...], preferred_element_type=jnp.float32)
        h = jnp.maximum(h + b2_ref[...], 0.0)
        acc2[...] += jnp.sum(h, axis=0, keepdims=True)

    @pl.when(i == NBLKD - 1)
    def _():
        g1 = acc1[...] * (1.0 / N1)
        g2 = acc2[...] * (1.0 / N2)
        a = (jnp.dot(g1, wa1_ref[0:128, :], preferred_element_type=jnp.float32)
             + jnp.dot(g2, wa1_ref[128:256, :], preferred_element_type=jnp.float32)
             + ba1_ref[...])
        a = jnp.maximum(a, 0.0)
        a = jnp.maximum(jnp.dot(a, wa2_ref[...], preferred_element_type=jnp.float32) + ba2_ref[...], 0.0)
        a = jnp.maximum(jnp.dot(a, wa3_ref[...], preferred_element_type=jnp.float32) + ba3_ref[...], 0.0)
        a = jnp.maximum(jnp.dot(a, wa4_ref[...], preferred_element_type=jnp.float32) + ba4_ref[...], 0.0)
        a = jnp.dot(a, wa5_ref[...], preferred_element_type=jnp.float32) + ba5_ref[...]
        m = jnp.max(a, axis=-1, keepdims=True)
        e = jnp.exp(a - m)
        out_ref[...] = e / jnp.sum(e, axis=-1, keepdims=True)


def kernel(x, edge_index, x_prime, edge_index_prime, W1, b1, W2, b2,
           Wa1, ba1, Wa2, ba2, Wa3, ba3, Wa4, ba4, Wa5, ba5):
    ei = edge_index.astype(jnp.int32)
    ep = edge_index_prime.astype(jnp.int32) + N1
    npad = EPAD - E1 - E2
    pad = NT + jnp.arange(npad, dtype=jnp.int32) % 1024
    src2d = jnp.concatenate([ei[0], ep[0], pad]).reshape(EPAD // CHUNK, CHUNK)
    dst2d = jnp.concatenate([ei[1], ep[1], pad]).reshape(EPAD // CHUNK, CHUNK)

    xc = jnp.concatenate([
        jnp.pad(x, ((0, 0), (0, 3))),
        x_prime,
        jnp.zeros((NTP - NT, 8), jnp.float32),
    ], axis=0)

    ones_hbm = jnp.ones((CHUNK, 8), jnp.float32)
    zeros_hbm = jnp.zeros((RZ, 8), jnp.float32)
    zeros_bf = jnp.zeros((RZ, 8), jnp.bfloat16)

    mesh = plsc.VectorSubcoreMesh(core_axis_name="c", subcore_axis_name="s",
                                  num_cores=1, num_subcores=NS)
    sc_params = pltpu.CompilerParams(use_tc_tiling_on_sc=False)

    degp = pl.kernel(
        _deg_body,
        out_type=jax.ShapeDtypeStruct((NTP, 8), jnp.float32),
        mesh=mesh,
        scratch_types=[
            pltpu.VMEM_SHARED((NTP, 8), jnp.float32),
            pltpu.VMEM((CHUNK, 8), jnp.float32),
            pltpu.VMEM((KB, CHUNK), jnp.int32),
        ],
        compiler_params=sc_params,
    )(dst2d, ones_hbm, zeros_hbm)

    u, dinv8 = pl.pallas_call(
        _prep_body,
        grid=(NTP // BR,),
        in_specs=[
            pl.BlockSpec((BR, 8), lambda i: (i, 0)),
            pl.BlockSpec((BR, 8), lambda i: (i, 0)),
        ],
        out_specs=[
            pl.BlockSpec((BR, 8), lambda i: (i, 0)),
            pl.BlockSpec((BR, 8), lambda i: (i, 0)),
        ],
        out_shape=[
            jax.ShapeDtypeStruct((NTP, 8), jnp.bfloat16),
            jax.ShapeDtypeStruct((NTP, 8), jnp.float32),
        ],
    )(degp, xc)

    zp = pl.kernel(
        _agg_body,
        out_type=jax.ShapeDtypeStruct((NTP, 8), jnp.bfloat16),
        mesh=mesh,
        scratch_types=[
            pltpu.VMEM_SHARED((NTP, 8), jnp.bfloat16),
            pltpu.VMEM_SHARED((NTP, 8), jnp.bfloat16),
            pltpu.VMEM((KB, CHUNK), jnp.int32),
            pltpu.VMEM((KB, CHUNK), jnp.int32),
            pltpu.VMEM((2, CHUNK, 8), jnp.bfloat16),
            pltpu.SemaphoreType.DMA,
        ],
        compiler_params=sc_params,
    )(src2d, dst2d, u, zeros_bf)

    w1p = jnp.pad(W1, ((0, 3), (0, 0)))

    full = lambda shape: pl.BlockSpec(shape, lambda i: tuple(0 for _ in shape))
    out = pl.pallas_call(
        _head_body,
        grid=(NBLKD,),
        in_specs=[
            pl.BlockSpec((SEG_BD, 8), lambda i: (i, 0)),
            pl.BlockSpec((SEG_BD, 8), lambda i: (i, 0)),
            pl.BlockSpec((SEG_BD, 8), lambda i: (i, 0)),
            full((8, 128)), full((1, 128)),
            full((8, 128)), full((1, 128)),
            full((256, 128)), full((1, 128)),
            full((128, 64)), full((1, 64)),
            full((64, 32)), full((1, 32)),
            full((32, 16)), full((1, 16)),
            full((16, 10)), full((1, 10)),
        ],
        out_specs=pl.BlockSpec((1, 10), lambda i: (0, 0)),
        out_shape=jax.ShapeDtypeStruct((1, 10), jnp.float32),
        scratch_shapes=[
            pltpu.VMEM((1, 128), jnp.float32),
            pltpu.VMEM((1, 128), jnp.float32),
        ],
    )(zp, u, dinv8, w1p, b1.reshape(1, 128), W2, b2.reshape(1, 128),
      Wa1, ba1.reshape(1, 128), Wa2, ba2.reshape(1, 64),
      Wa3, ba3.reshape(1, 32), Wa4, ba4.reshape(1, 16),
      Wa5, ba5.reshape(1, 10))
    return out

# --- scband reference (transcript-rebuilt; emitter-appended) ---
"""Pipeline reference for scband-policy-network-52604759441484 (READ-ONLY COPY).

The authoritative reference and input builder live on the scoring server;
editing this copy changes nothing except your own understanding.
"""

import jax, jax.numpy as jnp
import numpy as np


def gcn_conv(x, edge_index, W, b):
    n = x.shape[0]
    h = x @ W
    loop = jnp.arange(n, dtype=edge_index.dtype)
    src = jnp.concatenate([edge_index[0], loop])
    dst = jnp.concatenate([edge_index[1], loop])
    deg = jnp.zeros((n,), h.dtype).at[dst].add(1.0)
    dinv = jax.lax.rsqrt(jnp.maximum(deg, 1e-12))
    norm = dinv[src] * dinv[dst]
    msg = h[src] * norm[:, None]
    out = jnp.zeros_like(h).at[dst].add(msg)
    return out + b


def setup_inputs(seed: int = 0) -> dict:
    key = jax.random.key(seed)
    ks = jax.random.split(key, 20)
    N, E = 100000, 1600000
    NP, EP = 50000, 800000
    inp = {}
    inp['x'] = jax.random.normal(ks[0], (N, 5), dtype=jnp.float32)
    inp['edge_index'] = jax.random.randint(ks[1], (2, E), 0, N, dtype=jnp.int64)
    inp['x_prime'] = jax.random.normal(ks[2], (NP, 8), dtype=jnp.float32)
    inp['edge_index_prime'] = jax.random.randint(ks[3], (2, EP), 0, NP, dtype=jnp.int64)
    inp['W1'] = jax.random.normal(ks[4], (5, 128), dtype=jnp.float32) * 0.1
    inp['b1'] = jnp.zeros((128,), jnp.float32)
    inp['W2'] = jax.random.normal(ks[5], (8, 128), dtype=jnp.float32) * 0.1
    inp['b2'] = jnp.zeros((128,), jnp.float32)
    inp['Wa1'] = jax.random.normal(ks[6], (256, 128), dtype=jnp.float32) * 0.06
    inp['ba1'] = jnp.zeros((128,), jnp.float32)
    inp['Wa2'] = jax.random.normal(ks[7], (128, 64), dtype=jnp.float32) * 0.09
    inp['ba2'] = jnp.zeros((64,), jnp.float32)
    inp['Wa3'] = jax.random.normal(ks[8], (64, 32), dtype=jnp.float32) * 0.12
    inp['ba3'] = jnp.zeros((32,), jnp.float32)
    inp['Wa4'] = jax.random.normal(ks[9], (32, 16), dtype=jnp.float32) * 0.17
    inp['ba4'] = jnp.zeros((16,), jnp.float32)
    inp['Wa5'] = jax.random.normal(ks[10], (16, 10), dtype=jnp.float32) * 0.25
    inp['ba5'] = jnp.zeros((10,), jnp.float32)
    return inp


def reference(x, edge_index, x_prime, edge_index_prime, W1, b1, W2, b2, Wa1, ba1, Wa2, ba2, Wa3, ba3, Wa4, ba4, Wa5, ba5):
    h = jax.nn.relu(gcn_conv(x, edge_index, W1, b1))
    x_global = jnp.mean(h, axis=0, keepdims=True)
    hp = jax.nn.relu(gcn_conv(x_prime, edge_index_prime, W2, b2))
    xp_global = jnp.mean(hp, axis=0, keepdims=True)
    combined = jnp.concatenate([x_global, xp_global], axis=1)
    a1 = jax.nn.relu(combined @ Wa1 + ba1)
    a2 = jax.nn.relu(a1 @ Wa2 + ba2)
    a3 = jax.nn.relu(a2 @ Wa3 + ba3)
    a4 = jax.nn.relu(a3 @ Wa4 + ba4)
    a5 = a4 @ Wa5 + ba5
    return jax.nn.softmax(a5, axis=-1)

if __name__ == "__main__":
    import jax
    _d = setup_inputs()
    print(jax.jit(kernel)(*tuple(_d.values())))

</pallas_src>

<mosaic_0001>
#map = affine_map<(d0, d1) -> (0, 0)>
module attributes {stable_mosaic.version = 14 : i64} {
  func.func @_agg_body(%arg0: i32, %arg1: i32, %arg2: memref<5120x512xi32, #tpu.memory_space<hbm>>, %arg3: memref<5120x512xi32, #tpu.memory_space<hbm>>, %arg4: memref<151552x8xbf16, #tpu.memory_space<hbm>>, %arg5: memref<9472x8xbf16, #tpu.memory_space<hbm>>, %arg6: memref<151552x8xbf16, #tpu.memory_space<hbm>>, %arg7: memref<151552x8xbf16, #tpu.memory_space<vmem_shared>>, %arg8: memref<151552x8xbf16, #tpu.memory_space<vmem_shared>>, %arg9: memref<40x512xi32, #tpu.memory_space<vmem>>, %arg10: memref<40x512xi32, #tpu.memory_space<vmem>>, %arg11: memref<2x512x8xbf16, #tpu.memory_space<vmem>>, %arg12: memref<!tpu.dma_semaphore, #tpu.memory_space<semaphore_mem>>) attributes {dimension_semantics = [#tpu.dimension_semantics<core_parallel>, #tpu.dimension_semantics<subcore_parallel>], iteration_bounds = array<i64: 1, 16>, scalar_prefetch = 0 : i64, scratch_operands = 6 : i64, tpu.core_type = #tpu.core_type<sc_vector_subcore>, window_params = [{transform_indices = #map}, {transform_indices = #map}, {transform_indices = #map}, {transform_indices = #map}, {transform_indices = #map}]} {
    %mul3A = arith.constant 9472 : i32
    %mul3A_0 = arith.muli %arg1, %mul3A : i32
    "tpu.region"() ({
      %run_scoped3A = tpu.sem_alloc : memref<!tpu.dma_semaphore, #tpu.memory_space<semaphore_mem>>
      %dma_start3A_177 = arith.constant 0 : i32
      %dma_start3A_178 = tpu.memref_slice %arg7[%mul3A_0, %dma_start3A_177] : memref<151552x8xbf16, #tpu.memory_space<vmem_shared>> -> memref<9472x8xbf16, #tpu.memory_space<vmem_shared>>
      tpu.enqueue_dma source(%arg5 : memref<9472x8xbf16, #tpu.memory_space<hbm>>) target(%dma_start3A_178 : memref<9472x8xbf16, #tpu.memory_space<vmem_shared>>) target_semaphore(%run_scoped3A : memref<!tpu.dma_semaphore, #tpu.memory_space<semaphore_mem>>)
      %dma_wait3A = arith.constant 0 : i32
      %dma_wait3A_179 = tpu.memref_slice %arg7[%mul3A_0, %dma_wait3A] : memref<151552x8xbf16, #tpu.memory_space<vmem_shared>> -> memref<9472x8xbf16, #tpu.memory_space<vmem_shared>>
      tpu.wait_dma2 semaphore(%run_scoped3A : memref<!tpu.dma_semaphore, #tpu.memory_space<semaphore_mem>>) src(%arg5 : memref<9472x8xbf16, #tpu.memory_space<hbm>>) dst(%dma_wait3A_179 : memref<9472x8xbf16, #tpu.memory_space<vmem_shared>>)
      tpu.yield
    }) : () -> ()
    "tpu.region"() ({
      %run_scoped3A = tpu.sem_alloc : memref<!tpu.dma_semaphore, #tpu.memory_space<semaphore_mem>>
      %dma_start3A_177 = arith.constant 0 : i32
      %dma_start3A_178 = tpu.memref_slice %arg8[%mul3A_0, %dma_start3A_177] : memref<151552x8xbf16, #tpu.memory_space<vmem_shared>> -> memref<9472x8xbf16, #tpu.memory_space<vmem_shared>>
      %dma_start3A_179 = arith.constant 0 : i32
      %dma_start3A_180 = tpu.memref_slice %arg4[%mul3A_0, %dma_start3A_179] : memref<151552x8xbf16, #tpu.memory_space<hbm>> -> memref<9472x8xbf16, #tpu.memory_space<hbm>>
      tpu.enqueue_dma source(%dma_start3A_180 : memref<9472x8xbf16, #tpu.memory_space<hbm>>) target(%dma_start3A_178 : memref<9472x8xbf16, #tpu.memory_space<vmem_shared>>) target_semaphore(%run_scoped3A : memref<!tpu.dma_semaphore, #tpu.memory_space<semaphore_mem>>)
      %dma_wait3A = arith.constant 0 : i32
      %dma_wait3A_181 = tpu.memref_slice %arg8[%mul3A_0, %dma_wait3A] : memref<151552x8xbf16, #tpu.memory_space<vmem_shared>> -> memref<9472x8xbf16, #tpu.memory_space<vmem_shared>>
      %dma_wait3A_182 = arith.constant 0 : i32
      %dma_wait3A_183 = tpu.memref_slice %arg4[%mul3A_0, %dma_wait3A_182] : memref<151552x8xbf16, #tpu.memory_space<hbm>> -> memref<9472x8xbf16, #tpu.memory_space<hbm>>
      tpu.wait_dma2 semaphore(%run_scoped3A : memref<!tpu.dma_semaphore, #tpu.memory_space<semaphore_mem>>) src(%dma_wait3A_183 : memref<9472x8xbf16, #tpu.memory_space<hbm>>) dst(%dma_wait3A_181 : memref<9472x8xbf16, #tpu.memory_space<vmem_shared>>)
      tpu.yield
    }) : () -> ()
    %barrier3A = arith.constant 0 : index
    tpu.barrier barrier_id(%barrier3A)
    %mul3A_1 = arith.constant 320 : i32
    %mul3A_2 = arith.muli %arg1, %mul3A_1 : i32
    %add3A = arith.constant 0 : i32
    %add3A_3 = arith.addi %mul3A_2, %add3A : i32
    "tpu.region"() ({
      %run_scoped3A = tpu.sem_alloc : memref<!tpu.dma_semaphore, #tpu.memory_space<semaphore_mem>>
      %dma_start3A_177 = arith.constant 0 : i32
      %dma_start3A_178 = tpu.memref_slice %arg2[%add3A_3, %dma_start3A_177] : memref<5120x512xi32, #tpu.memory_space<hbm>> -> memref<40x512xi32, #tpu.memory_space<hbm>>
      %dma_start3A_179 = arith.constant 0 : i32
      %dma_start3A_180 = tpu.memref_slice %arg2[%add3A_3, %dma_start3A_179] : memref<5120x512xi32, #tpu.memory_space<hbm>> -> memref<40x512xi32, #tpu.memory_space<hbm>>
      tpu.enqueue_dma source(%dma_start3A_180 : memref<40x512xi32, #tpu.memory_space<hbm>>) target(%arg9 : memref<40x512xi32, #tpu.memory_space<vmem>>) target_semaphore(%run_scoped3A : memref<!tpu.dma_semaphore, #tpu.memory_space<semaphore_mem>>)
      %dma_wait3A = arith.constant 0 : i32
      %dma_wait3A_181 = tpu.memref_slice %arg2[%add3A_3, %dma_wait3A] : memref<5120x512xi32, #tpu.memory_space<hbm>> -> memref<40x512xi32, #tpu.memory_space<hbm>>
      %dma_wait3A_182 = arith.constant 0 : i32
      %dma_wait3A_183 = tpu.memref_slice %arg2[%add3A_3, %dma_wait3A_182] : memref<5120x512xi32, #tpu.memory_space<hbm>> -> memref<40x512xi32, #tpu.memory_space<hbm>>
      tpu.wait_dma2 semaphore(%run_scoped3A : memref<!tpu.dma_semaphore, #tpu.memory_space<semaphore_mem>>) src(%dma_wait3A_183 : memref<40x512xi32, #tpu.memory_space<hbm>>) dst(%arg9 : memref<40x512xi32, #tpu.memory_space<vmem>>)
      tpu.yield
    }) : () -> ()
    %add3A_4 = arith.constant 0 : i32
    %add3A_5 = arith.addi %mul3A_2, %add3A_4 : i32
    "tpu.region"() ({
      %run_scoped3A = tpu.sem_alloc : memref<!tpu.dma_semaphore, #tpu.memory_space<semaphore_mem>>
      %dma_start3A_177 = arith.constant 0 : i32
      %dma_start3A_178 = tpu.memref_slice %arg3[%add3A_5, %dma_start3A_177] : memref<5120x512xi32, #tpu.memory_space<hbm>> -> memref<40x512xi32, #tpu.memory_space<hbm>>
      %dma_start3A_179 = arith.constant 0 : i32
      %dma_start3A_180 = tpu.memref_slice %arg3[%add3A_5, %dma_start3A_179] : memref<5120x512xi32, #tpu.memory_space<hbm>> -> memref<40x512xi32, #tpu.memory_space<hbm>>
      tpu.enqueue_dma source(%dma_start3A_180 : memref<40x512xi32, #tpu.memory_space<hbm>>) target(%arg10 : memref<40x512xi32, #tpu.memory_space<vmem>>) target_semaphore(%run_scoped3A : memref<!tpu.dma_semaphore, #tpu.memory_space<semaphore_mem>>)
      %dma_wait3A = arith.constant 0 : i32
      %dma_wait3A_181 = tpu.memref_slice %arg3[%add3A_5, %dma_wait3A] : memref<5120x512xi32, #tpu.memory_space<hbm>> -> memref<40x512xi32, #tpu.memory_space<hbm>>
      %dma_wait3A_182 = arith.constant 0 : i32
      %dma_wait3A_183 = tpu.memref_slice %arg3[%add3A_5, %dma_wait3A_182] : memref<5120x512xi32, #tpu.memory_space<hbm>> -> memref<40x512xi32, #tpu.memory_space<hbm>>
      tpu.wait_dma2 semaphore(%run_scoped3A : memref<!tpu.dma_semaphore, #tpu.memory_space<semaphore_mem>>) src(%dma_wait3A_183 : memref<40x512xi32, #tpu.memory_space<hbm>>) dst(%arg10 : memref<40x512xi32, #tpu.memory_space<vmem>>)
      tpu.yield
    }) : () -> ()
    %dma_start3A = arith.constant 0 : i32
    %dma_start3A_6 = arith.constant 0 : i32
    %dma_start3A_7 = arith.constant 0 : i32
    %dma_start3A_8 = arith.constant 0 : i32
    %dma_start3A_9 = tpu.memref_slice %arg11[%dma_start3A_6, %dma_start3A_7, %dma_start3A_8] : memref<2x512x8xbf16, #tpu.memory_space<vmem>> -> memref<1x512x8xbf16, #tpu.memory_space<vmem>>
    %dma_start3A_10 = tpu.memref_squeeze %dma_start3A_9 : memref<1x512x8xbf16, #tpu.memory_space<vmem>> -> memref<512x8xbf16, #tpu.memory_space<vmem>>
    %dma_start3A_11 = arith.constant 0 : i32
    %dma_start3A_12 = tpu.memref_slice %arg9[%dma_start3A, %dma_start3A_11] : memref<40x512xi32, #tpu.memory_space<vmem>> -> memref<1x512xi32, #tpu.memory_space<vmem>>
    %dma_start3A_13 = tpu.memref_squeeze %dma_start3A_12 : memref<1x512xi32, #tpu.memory_space<vmem>> -> memref<512xi32, #tpu.memory_space<vmem>>
    %dma_start3A_14 = arith.constant 0 : i32
    %dma_start3A_15 = arith.constant 0 : i32
    %dma_start3A_16 = tpu.memref_slice %arg8[%dma_start3A_14, %dma_start3A_15] : memref<151552x8xbf16, #tpu.memory_space<vmem_shared>> -> memref<151552x8xbf16, #tpu.memory_space<vmem_shared>>
    tpu.enqueue_indirect_dma source(%dma_start3A_16 : memref<151552x8xbf16, #tpu.memory_space<vmem_shared>>) target(%dma_start3A_10 : memref<512x8xbf16, #tpu.memory_space<vmem>>) offsets(%dma_start3A_13 : memref<512xi32, #tpu.memory_space<vmem>>) semaphore(%arg12 : memref<!tpu.dma_semaphore, #tpu.memory_space<semaphore_mem>>)
    %scan3A = arith.constant 0 : i32
    %scan3A_17 = arith.constant 0 : i32
    %scan3A_18 = arith.constant 40 : i32
    %scan3A_19 = arith.addi %scan3A_17, %scan3A_18 : i32
    %scan3A_20 = arith.constant 1 : i32
    scf.for %scan3A_177 = %scan3A_17 to %scan3A_19 step %scan3A_20  : i32 {
      %rem3A = arith.constant 2 : i32
      %rem3A_178 = arith.remsi %scan3A_177, %rem3A : i32
      %dma_wait3A = arith.constant 0 : i32
      %dma_wait3A_179 = arith.constant 0 : i32
      %dma_wait3A_180 = tpu.memref_slice %arg11[%rem3A_178, %dma_wait3A, %dma_wait3A_179] : memref<2x512x8xbf16, #tpu.memory_space<vmem>> -> memref<1x512x8xbf16, #tpu.memory_space<vmem>>
      %dma_wait3A_181 = tpu.memref_squeeze %dma_wait3A_180 : memref<1x512x8xbf16, #tpu.memory_space<vmem>> -> memref<512x8xbf16, #tpu.memory_space<vmem>>
      %dma_wait3A_182 = arith.constant 0 : i32
      %dma_wait3A_183 = tpu.memref_slice %arg9[%scan3A_177, %dma_wait3A_182] : memref<40x512xi32, #tpu.memory_space<vmem>> -> memref<1x512xi32, #tpu.memory_space<vmem>>
      %dma_wait3A_184 = tpu.memref_squeeze %dma_wait3A_183 : memref<1x512xi32, #tpu.memory_space<vmem>> -> memref<512xi32, #tpu.memory_space<vmem>>
      %dma_wait3A_185 = arith.constant 0 : i32
      %dma_wait3A_186 = arith.constant 0 : i32
      %dma_wait3A_187 = tpu.memref_slice %arg8[%dma_wait3A_185, %dma_wait3A_186] : memref<151552x8xbf16, #tpu.memory_space<vmem_shared>> -> memref<151552x8xbf16, #tpu.memory_space<vmem_shared>>
      tpu.wait_indirect_dma semaphore(%arg12 : memref<!tpu.dma_semaphore, #tpu.memory_space<semaphore_mem>>) src(%dma_wait3A_187 : memref<151552x8xbf16, #tpu.memory_space<vmem_shared>>) dst(%dma_wait3A_181 : memref<512x8xbf16, #tpu.memory_space<vmem>>)
      %add3A_188 = arith.constant 1 : i32
      %add3A_189 = arith.addi %scan3A_177, %add3A_188 : i32
      %lt3A = arith.constant 40 : i32
      %lt3A_190 = arith.cmpi slt, %add3A_189, %lt3A : i32
      %convert_element_type3A = arith.extui %lt3A_190 : i1 to i32
      %cond3A = arith.constant 0 : i32
      %cond3A_191 = arith.cmpi ne, %convert_element_type3A, %cond3A : i32
      scf.if %cond3A_191 {
        %add3A_192 = arith.constant 1 : i32
        %add3A_193 = arith.addi %scan3A_177, %add3A_192 : i32
        %sub3A = arith.constant 1 : i32
        %sub3A_194 = arith.subi %sub3A, %rem3A_178 : i32
        %dma_start3A_195 = arith.constant 0 : i32
        %dma_start3A_196 = arith.constant 0 : i32
        %dma_start3A_197 = tpu.memref_slice %arg11[%sub3A_194, %dma_start3A_195, %dma_start3A_196] : memref<2x512x8xbf16, #tpu.memory_space<vmem>> -> memref<1x512x8xbf16, #tpu.memory_space<vmem>>
        %dma_start3A_198 = tpu.memref_squeeze %dma_start3A_197 : memref<1x512x8xbf16, #tpu.memory_space<vmem>> -> memref<512x8xbf16, #tpu.memory_space<vmem>>
        %dma_start3A_199 = arith.constant 0 : i32
        %dma_start3A_200 = tpu.memref_slice %arg9[%add3A_193, %dma_start3A_199] : memref<40x512xi32, #tpu.memory_space<vmem>> -> memref<1x512xi32, #tpu.memory_space<vmem>>
        %dma_start3A_201 = tpu.memref_squeeze %dma_start3A_200 : memref<1x512xi32, #tpu.memory_space<vmem>> -> memref<512xi32, #tpu.memory_space<vmem>>
        %dma_start3A_202 = arith.constant 0 : i32
        %dma_start3A_203 = arith.constant 0 : i32
        %dma_start3A_204 = tpu.memref_slice %arg8[%dma_start3A_202, %dma_start3A_203] : memref<151552x8xbf16, #tpu.memory_space<vmem_shared>> -> memref<151552x8xbf16, #tpu.memory_space<vmem_shared>>
        tpu.enqueue_indirect_dma source(%dma_start3A_204 : memref<151552x8xbf16, #tpu.memory_space<vmem_shared>>) target(%dma_start3A_198 : memref<512x8xbf16, #tpu.memory_space<vmem>>) offsets(%dma_start3A_201 : memref<512xi32, #tpu.memory_space<vmem>>) semaphore(%arg12 : memref<!tpu.dma_semaphore, #tpu.memory_space<semaphore_mem>>)
      } else {
      }
      "tpu.region"() ({
        %run_scoped3A = tpu.sem_alloc : memref<!tpu.dma_semaphore, #tpu.memory_space<semaphore_mem>>
        %dma_start3A_192 = arith.constant 0 : i32
        %dma_start3A_193 = arith.constant 0 : i32
        %dma_start3A_194 = tpu.memref_slice %arg11[%rem3A_178, %dma_start3A_192, %dma_start3A_193] : memref<2x512x8xbf16, #tpu.memory_space<vmem>> -> memref<1x512x8xbf16, #tpu.memory_space<vmem>>
        %dma_start3A_195 = tpu.memref_squeeze %dma_start3A_194 : memref<1x512x8xbf16, #tpu.memory_space<vmem>> -> memref<512x8xbf16, #tpu.memory_space<vmem>>
        %dma_start3A_196 = arith.constant 0 : i32
        %dma_start3A_197 = tpu.memref_slice %arg10[%scan3A_177, %dma_start3A_196] : memref<40x512xi32, #tpu.memory_space<vmem>> -> memref<1x512xi32, #tpu.memory_space<vmem>>
        %dma_start3A_198 = tpu.memref_squeeze %dma_start3A_197 : memref<1x512xi32, #tpu.memory_space<vmem>> -> memref<512xi32, #tpu.memory_space<vmem>>
        %dma_start3A_199 = arith.constant 0 : i32
        %dma_start3A_200 = arith.constant 0 : i32
        %dma_start3A_201 = tpu.memref_slice %arg7[%dma_start3A_199, %dma_start3A_200] : memref<151552x8xbf16, #tpu.memory_space<vmem_shared>> -> memref<151552x8xbf16, #tpu.memory_space<vmem_shared>>
        tpu.enqueue_indirect_dma source(%dma_start3A_195 : memref<512x8xbf16, #tpu.memory_space<vmem>>) target(%dma_start3A_201 : memref<151552x8xbf16, #tpu.memory_space<vmem_shared>>) offsets(%dma_start3A_198 : memref<512xi32, #tpu.memory_space<vmem>>) semaphore(%run_scoped3A : memref<!tpu.dma_semaphore, #tpu.memory_space<semaphore_mem>>) {add = true}
        %dma_wait3A_202 = arith.constant 0 : i32
        %dma_wait3A_203 = arith.constant 0 : i32
        %dma_wait3A_204 = tpu.memref_slice %arg11[%rem3A_178, %dma_wait3A_202, %dma_wait3A_203] : memref<2x512x8xbf16, #tpu.memory_space<vmem>> -> memref<1x512x8xbf16, #tpu.memory_space<vmem>>
        %dma_wait3A_205 = tpu.memref_squeeze %dma_wait3A_204 : memref<1x512x8xbf16, #tpu.memory_space<vmem>> -> memref<512x8xbf16, #tpu.memory_space<vmem>>
        %dma_wait3A_206 = arith.constant 0 : i32
        %dma_wait3A_207 = tpu.memref_slice %arg10[%scan3A_177, %dma_wait3A_206] : memref<40x512xi32, #tpu.memory_space<vmem>> -> memref<1x512xi32, #tpu.memory_space<vmem>>
        %dma_wait3A_208 = tpu.memref_squeeze %dma_wait3A_207 : memref<1x512xi32, #tpu.memory_space<vmem>> -> memref<512xi32, #tpu.memory_space<vmem>>
        %dma_wait3A_209 = arith.constant 0 : i32
        %dma_wait3A_210 = arith.constant 0 : i32
        %dma_wait3A_211 = tpu.memref_slice %arg7[%dma_wait3A_209, %dma_wait3A_210] : memref<151552x8xbf16, #tpu.memory_space<vmem_shared>> -> memref<151552x8xbf16, #tpu.memory_space<vmem_shared>>
        tpu.wait_indirect_dma semaphore(%run_scoped3A : memref<!tpu.dma_semaphore, #tpu.memory_space<semaphore_mem>>) src(%dma_wait3A_205 : memref<512x8xbf16, #tpu.memory_space<vmem>>) dst(%dma_wait3A_211 : memref<151552x8xbf16, #tpu.memory_space<vmem_shared>>)
        tpu.yield
      }) : () -> ()
    }
    %scan3A_21 = arith.constant 40 : i32
    %add3A_22 = arith.constant 40 : i32
    %add3A_23 = arith.addi %mul3A_2, %add3A_22 : i32
    "tpu.region"() ({
      %run_scoped3A = tpu.sem_alloc : memref<!tpu.dma_semaphore, #tpu.memory_space<semaphore_mem>>
      %dma_start3A_177 = arith.constant 0 : i32
      %dma_start3A_178 = tpu.memref_slice %arg2[%add3A_23, %dma_start3A_177] : memref<5120x512xi32, #tpu.memory_space<hbm>> -> memref<40x512xi32, #tpu.memory_space<hbm>>
      %dma_start3A_179 = arith.constant 0 : i32
      %dma_start3A_180 = tpu.memref_slice %arg2[%add3A_23, %dma_start3A_179] : memref<5120x512xi32, #tpu.memory_space<hbm>> -> memref<40x512xi32, #tpu.memory_space<hbm>>
      tpu.enqueue_dma source(%dma_start3A_180 : memref<40x512xi32, #tpu.memory_space<hbm>>) target(%arg9 : memref<40x512xi32, #tpu.memory_space<vmem>>) target_semaphore(%run_scoped3A : memref<!tpu.dma_semaphore, #tpu.memory_space<semaphore_mem>>)
      %dma_wait3A = arith.constant 0 : i32
      %dma_wait3A_181 = tpu.memref_slice %arg2[%add3A_23, %dma_wait3A] : memref<5120x512xi32, #tpu.memory_space<hbm>> -> memref<40x512xi32, #tpu.memory_space<hbm>>
      %dma_wait3A_182 = arith.constant 0 : i32
      %dma_wait3A_183 = tpu.memref_slice %arg2[%add3A_23, %dma_wait3A_182] : memref<5120x512xi32, #tpu.memory_space<hbm>> -> memref<40x512xi32, #tpu.memory_space<hbm>>
      tpu.wait_dma2 semaphore(%run_scoped3A : memref<!tpu.dma_semaphore, #tpu.memory_space<semaphore_mem>>) src(%dma_wait3A_183 : memref<40x512xi32, #tpu.memory_space<hbm>>) dst(%arg9 : memref<40x512xi32, #tpu.memory_space<vmem>>)
      tpu.yield
    }) : () -> ()
    %add3A_24 = arith.constant 40 : i32
    %add3A_25 = arith.addi %mul3A_2, %add3A_24 : i32
    "tpu.region"() ({
      %run_scoped3A = tpu.sem_alloc : memref<!tpu.dma_semaphore, #tpu.memory_space<semaphore_mem>>
      %dma_start3A_177 = arith.constant 0 : i32
      %dma_start3A_178 = tpu.memref_slice %arg3[%add3A_25, %dma_start3A_177] : memref<5120x512xi32, #tpu.memory_space<hbm>> -> memref<40x512xi32, #tpu.memory_space<hbm>>
      %dma_start3A_179 = arith.constant 0 : i32
      %dma_start3A_180 = tpu.memref_slice %arg3[%add3A_25, %dma_start3A_179] : memref<5120x512xi32, #tpu.memory_space<hbm>> -> memref<40x512xi32, #tpu.memory_space<hbm>>
      tpu.enqueue_dma source(%dma_start3A_180 : memref<40x512xi32, #tpu.memory_space<hbm>>) target(%arg10 : memref<40x512xi32, #tpu.memory_space<vmem>>) target_semaphore(%run_scoped3A : memref<!tpu.dma_semaphore, #tpu.memory_space<semaphore_mem>>)
      %dma_wait3A = arith.constant 0 : i32
      %dma_wait3A_181 = tpu.memref_slice %arg3[%add3A_25, %dma_wait3A] : memref<5120x512xi32, #tpu.memory_space<hbm>> -> memref<40x512xi32, #tpu.memory_space<hbm>>
      %dma_wait3A_182 = arith.constant 0 : i32
      %dma_wait3A_183 = tpu.memref_slice %arg3[%add3A_25, %dma_wait3A_182] : memref<5120x512xi32, #tpu.memory_space<hbm>> -> memref<40x512xi32, #tpu.memory_space<hbm>>
      tpu.wait_dma2 semaphore(%run_scoped3A : memref<!tpu.dma_semaphore, #tpu.memory_space<semaphore_mem>>) src(%dma_wait3A_183 : memref<40x512xi32, #tpu.memory_space<hbm>>) dst(%arg10 : memref<40x512xi32, #tpu.memory_space<vmem>>)
      tpu.yield
    }) : () -> ()
    %dma_start3A_26 = arith.constant 0 : i32
    %dma_start3A_27 = arith.constant 0 : i32
    %dma_start3A_28 = arith.constant 0 : i32
    %dma_start3A_29 = arith.constant 0 : i32
    %dma_start3A_30 = tpu.memref_slice %arg11[%dma_start3A_27, %dma_start3A_28, %dma_start3A_29] : memref<2x512x8xbf16, #tpu.memory_space<vmem>> -> memref<1x512x8xbf16, #tpu.memory_space<vmem>>
    %dma_start3A_31 = tpu.memref_squeeze %dma_start3A_30 : memref<1x512x8xbf16, #tpu.memory_space<vmem>> -> memref<512x8xbf16, #tpu.memory_space<vmem>>
    %dma_start3A_32 = arith.constant 0 : i32
    %dma_start3A_33 = tpu.memref_slice %arg9[%dma_start3A_26, %dma_start3A_32] : memref<40x512xi32, #tpu.memory_space<vmem>> -> memref<1x512xi32, #tpu.memory_space<vmem>>
    %dma_start3A_34 = tpu.memref_squeeze %dma_start3A_33 : memref<1x512xi32, #tpu.memory_space<vmem>> -> memref<512xi32, #tpu.memory_space<vmem>>
    %dma_start3A_35 = arith.constant 0 : i32
    %dma_start3A_36 = arith.constant 0 : i32
    %dma_start3A_37 = tpu.memref_slice %arg8[%dma_start3A_35, %dma_start3A_36] : memref<151552x8xbf16, #tpu.memory_space<vmem_shared>> -> memref<151552x8xbf16, #tpu.memory_space<vmem_shared>>
    tpu.enqueue_indirect_dma source(%dma_start3A_37 : memref<151552x8xbf16, #tpu.memory_space<vmem_shared>>) target(%dma_start3A_31 : memref<512x8xbf16, #tpu.memory_space<vmem>>) offsets(%dma_start3A_34 : memref<512xi32, #tpu.memory_space<vmem>>) semaphore(%arg12 : memref<!tpu.dma_semaphore, #tpu.memory_space<semaphore_mem>>)
    %scan3A_38 = arith.constant 0 : i32
    %scan3A_39 = arith.constant 0 : i32
    %scan3A_40 = arith.constant 40 : i32
    %scan3A_41 = arith.addi %scan3A_39, %scan3A_40 : i32
    %scan3A_42 = arith.constant 1 : i32
    scf.for %scan3A_177 = %scan3A_39 to %scan3A_41 step %scan3A_42  : i32 {
      %rem3A = arith.constant 2 : i32
      %rem3A_178 = arith.remsi %scan3A_177, %rem3A : i32
      %dma_wait3A = arith.constant 0 : i32
      %dma_wait3A_179 = arith.constant 0 : i32
      %dma_wait3A_180 = tpu.memref_slice %arg11[%rem3A_178, %dma_wait3A, %dma_wait3A_179] : memref<2x512x8xbf16, #tpu.memory_space<vmem>> -> memref<1x512x8xbf16, #tpu.memory_space<vmem>>
      %dma_wait3A_181 = tpu.memref_squeeze %dma_wait3A_180 : memref<1x512x8xbf16, #tpu.memory_space<vmem>> -> memref<512x8xbf16, #tpu.memory_space<vmem>>
      %dma_wait3A_182 = arith.constant 0 : i32
      %dma_wait3A_183 = tpu.memref_slice %arg9[%scan3A_177, %dma_wait3A_182] : memref<40x512xi32, #tpu.memory_space<vmem>> -> memref<1x512xi32, #tpu.memory_space<vmem>>
      %dma_wait3A_184 = tpu.memref_squeeze %dma_wait3A_183 : memref<1x512xi32, #tpu.memory_space<vmem>> -> memref<512xi32, #tpu.memory_space<vmem>>
      %dma_wait3A_185 = arith.constant 0 : i32
      %dma_wait3A_186 = arith.constant 0 : i32
      %dma_wait3A_187 = tpu.memref_slice %arg8[%dma_wait3A_185, %dma_wait3A_186] : memref<151552x8xbf16, #tpu.memory_space<vmem_shared>> -> memref<151552x8xbf16, #tpu.memory_space<vmem_shared>>
      tpu.wait_indirect_dma semaphore(%arg12 : memref<!tpu.dma_semaphore, #tpu.memory_space<semaphore_mem>>) src(%dma_wait3A_187 : memref<151552x8xbf16, #tpu.memory_space<vmem_shared>>) dst(%dma_wait3A_181 : memref<512x8xbf16, #tpu.memory_space<vmem>>)
      %add3A_188 = arith.constant 1 : i32
      %add3A_189 = arith.addi %scan3A_177, %add3A_188 : i32
      %lt3A = arith.constant 40 : i32
      %lt3A_190 = arith.cmpi slt, %add3A_189, %lt3A : i32
      %convert_element_type3A = arith.extui %lt3A_190 : i1 to i32
      %cond3A = arith.constant 0 : i32
      %cond3A_191 = arith.cmpi ne, %convert_element_type3A, %cond3A : i32
      scf.if %cond3A_191 {
        %add3A_192 = arith.constant 1 : i32
        %add3A_193 = arith.addi %scan3A_177, %add3A_192 : i32
        %sub3A = arith.constant 1 : i32
        %sub3A_194 = arith.subi %sub3A, %rem3A_178 : i32
        %dma_start3A_195 = arith.constant 0 : i32
        %dma_start3A_196 = arith.constant 0 : i32
        %dma_start3A_197 = tpu.memref_slice %arg11[%sub3A_194, %dma_start3A_195, %dma_start3A_196] : memref<2x512x8xbf16, #tpu.memory_space<vmem>> -> memref<1x512x8xbf16, #tpu.memory_space<vmem>>
        %dma_start3A_198 = tpu.memref_squeeze %dma_start3A_197 : memref<1x512x8xbf16, #tpu.memory_space<vmem>> -> memref<512x8xbf16, #tpu.memory_space<vmem>>
        %dma_start3A_199 = arith.constant 0 : i32
        %dma_start3A_200 = tpu.memref_slice %arg9[%add3A_193, %dma_start3A_199] : memref<40x512xi32, #tpu.memory_space<vmem>> -> memref<1x512xi32, #tpu.memory_space<vmem>>
        %dma_start3A_201 = tpu.memref_squeeze %dma_start3A_200 : memref<1x512xi32, #tpu.memory_space<vmem>> -> memref<512xi32, #tpu.memory_space<vmem>>
        %dma_start3A_202 = arith.constant 0 : i32
        %dma_start3A_203 = arith.constant 0 : i32
        %dma_start3A_204 = tpu.memref_slice %arg8[%dma_start3A_202, %dma_start3A_203] : memref<151552x8xbf16, #tpu.memory_space<vmem_shared>> -> memref<151552x8xbf16, #tpu.memory_space<vmem_shared>>
        tpu.enqueue_indirect_dma source(%dma_start3A_204 : memref<151552x8xbf16, #tpu.memory_space<vmem_shared>>) target(%dma_start3A_198 : memref<512x8xbf16, #tpu.memory_space<vmem>>) offsets(%dma_start3A_201 : memref<512xi32, #tpu.memory_space<vmem>>) semaphore(%arg12 : memref<!tpu.dma_semaphore, #tpu.memory_space<semaphore_mem>>)
      } else {
      }
      "tpu.region"() ({
        %run_scoped3A = tpu.sem_alloc : memref<!tpu.dma_semaphore, #tpu.memory_space<semaphore_mem>>
        %dma_start3A_192 = arith.constant 0 : i32
        %dma_start3A_193 = arith.constant 0 : i32
        %dma_start3A_194 = tpu.memref_slice %arg11[%rem3A_178, %dma_start3A_192, %dma_start3A_193] : memref<2x512x8xbf16, #tpu.memory_space<vmem>> -> memref<1x512x8xbf16, #tpu.memory_space<vmem>>
        %dma_start3A_195 = tpu.memref_squeeze %dma_start3A_194 : memref<1x512x8xbf16, #tpu.memory_space<vmem>> -> memref<512x8xbf16, #tpu.memory_space<vmem>>
        %dma_start3A_196 = arith.constant 0 : i32
        %dma_start3A_197 = tpu.memref_slice %arg10[%scan3A_177, %dma_start3A_196] : memref<40x512xi32, #tpu.memory_space<vmem>> -> memref<1x512xi32, #tpu.memory_space<vmem>>
        %dma_start3A_198 = tpu.memref_squeeze %dma_start3A_197 : memref<1x512xi32, #tpu.memory_space<vmem>> -> memref<512xi32, #tpu.memory_space<vmem>>
        %dma_start3A_199 = arith.constant 0 : i32
        %dma_start3A_200 = arith.constant 0 : i32
        %dma_start3A_201 = tpu.memref_slice %arg7[%dma_start3A_199, %dma_start3A_200] : memref<151552x8xbf16, #tpu.memory_space<vmem_shared>> -> memref<151552x8xbf16, #tpu.memory_space<vmem_shared>>
        tpu.enqueue_indirect_dma source(%dma_start3A_195 : memref<512x8xbf16, #tpu.memory_space<vmem>>) target(%dma_start3A_201 : memref<151552x8xbf16, #tpu.memory_space<vmem_shared>>) offsets(%dma_start3A_198 : memref<512xi32, #tpu.memory_space<vmem>>) semaphore(%run_scoped3A : memref<!tpu.dma_semaphore, #tpu.memory_space<semaphore_mem>>) {add = true}
        %dma_wait3A_202 = arith.constant 0 : i32
        %dma_wait3A_203 = arith.constant 0 : i32
        %dma_wait3A_204 = tpu.memref_slice %arg11[%rem3A_178, %dma_wait3A_202, %dma_wait3A_203] : memref<2x512x8xbf16, #tpu.memory_space<vmem>> -> memref<1x512x8xbf16, #tpu.memory_space<vmem>>
        %dma_wait3A_205 = tpu.memref_squeeze %dma_wait3A_204 : memref<1x512x8xbf16, #tpu.memory_space<vmem>> -> memref<512x8xbf16, #tpu.memory_space<vmem>>
        %dma_wait3A_206 = arith.constant 0 : i32
        %dma_wait3A_207 = tpu.memref_slice %arg10[%scan3A_177, %dma_wait3A_206] : memref<40x512xi32, #tpu.memory_space<vmem>> -> memref<1x512xi32, #tpu.memory_space<vmem>>
        %dma_wait3A_208 = tpu.memref_squeeze %dma_wait3A_207 : memref<1x512xi32, #tpu.memory_space<vmem>> -> memref<512xi32, #tpu.memory_space<vmem>>
        %dma_wait3A_209 = arith.constant 0 : i32
        %dma_wait3A_210 = arith.constant 0 : i32
        %dma_wait3A_211 = tpu.memref_slice %arg7[%dma_wait3A_209, %dma_wait3A_210] : memref<151552x8xbf16, #tpu.memory_space<vmem_shared>> -> memref<151552x8xbf16, #tpu.memory_space<vmem_shared>>
        tpu.wait_indirect_dma semaphore(%run_scoped3A : memref<!tpu.dma_semaphore, #tpu.memory_space<semaphore_mem>>) src(%dma_wait3A_205 : memref<512x8xbf16, #tpu.memory_space<vmem>>) dst(%dma_wait3A_211 : memref<151552x8xbf16, #tpu.memory_space<vmem_shared>>)
        tpu.yield
      }) : () -> ()
    }
    %scan3A_43 = arith.constant 40 : i32
    %add3A_44 = arith.constant 80 : i32
    %add3A_45 = arith.addi %mul3A_2, %add3A_44 : i32
    "tpu.region"() ({
      %run_scoped3A = tpu.sem_alloc : memref<!tpu.dma_semaphore, #tpu.memory_space<semaphore_mem>>
      %dma_start3A_177 = arith.constant 0 : i32
      %dma_start3A_178 = tpu.memref_slice %arg2[%add3A_45, %dma_start3A_177] : memref<5120x512xi32, #tpu.memory_space<hbm>> -> memref<40x512xi32, #tpu.memory_space<hbm>>
      %dma_start3A_179 = arith.constant 0 : i32
      %dma_start3A_180 = tpu.memref_slice %arg2[%add3A_45, %dma_start3A_179] : memref<5120x512xi32, #tpu.memory_space<hbm>> -> memref<40x512xi32, #tpu.memory_space<hbm>>
      tpu.enqueue_dma source(%dma_start3A_180 : memref<40x512xi32, #tpu.memory_space<hbm>>) target(%arg9 : memref<40x512xi32, #tpu.memory_space<vmem>>) target_semaphore(%run_scoped3A : memref<!tpu.dma_semaphore, #tpu.memory_space<semaphore_mem>>)
      %dma_wait3A = arith.constant 0 : i32
      %dma_wait3A_181 = tpu.memref_slice %arg2[%add3A_45, %dma_wait3A] : memref<5120x512xi32, #tpu.memory_space<hbm>> -> memref<40x512xi32, #tpu.memory_space<hbm>>
      %dma_wait3A_182 = arith.constant 0 : i32
      %dma_wait3A_183 = tpu.memref_slice %arg2[%add3A_45, %dma_wait3A_182] : memref<5120x512xi32, #tpu.memory_space<hbm>> -> memref<40x512xi32, #tpu.memory_space<hbm>>
      tpu.wait_dma2 semaphore(%run_scoped3A : memref<!tpu.dma_semaphore, #tpu.memory_space<semaphore_mem>>) src(%dma_wait3A_183 : memref<40x512xi32, #tpu.memory_space<hbm>>) dst(%arg9 : memref<40x512xi32, #tpu.memory_space<vmem>>)
      tpu.yield
    }) : () -> ()
    %add3A_46 = arith.constant 80 : i32
    %add3A_47 = arith.addi %mul3A_2, %add3A_46 : i32
    "tpu.region"() ({
      %run_scoped3A = tpu.sem_alloc : memref<!tpu.dma_semaphore, #tpu.memory_space<semaphore_mem>>
      %dma_start3A_177 = arith.constant 0 : i32
      %dma_start3A_178 = tpu.memref_slice %arg3[%add3A_47, %dma_start3A_177] : memref<5120x512xi32, #tpu.memory_space<hbm>> -> memref<40x512xi32, #tpu.memory_space<hbm>>
      %dma_start3A_179 = arith.constant 0 : i32
      %dma_start3A_180 = tpu.memref_slice %arg3[%add3A_47, %dma_start3A_179] : memref<5120x512xi32, #tpu.memory_space<hbm>> -> memref<40x512xi32, #tpu.memory_space<hbm>>
      tpu.enqueue_dma source(%dma_start3A_180 : memref<40x512xi32, #tpu.memory_space<hbm>>) target(%arg10 : memref<40x512xi32, #tpu.memory_space<vmem>>) target_semaphore(%run_scoped3A : memref<!tpu.dma_semaphore, #tpu.memory_space<semaphore_mem>>)
      %dma_wait3A = arith.constant 0 : i32
      %dma_wait3A_181 = tpu.memref_slice %arg3[%add3A_47, %dma_wait3A] : memref<5120x512xi32, #tpu.memory_space<hbm>> -> memref<40x512xi32, #tpu.memory_space<hbm>>
      %dma_wait3A_182 = arith.constant 0 : i32
      %dma_wait3A_183 = tpu.memref_slice %arg3[%add3A_47, %dma_wait3A_182] : memref<5120x512xi32, #tpu.memory_space<hbm>> -> memref<40x512xi32, #tpu.memory_space<hbm>>
      tpu.wait_dma2 semaphore(%run_scoped3A : memref<!tpu.dma_semaphore, #tpu.memory_space<semaphore_mem>>) src(%dma_wait3A_183 : memref<40x512xi32, #tpu.memory_space<hbm>>) dst(%arg10 : memref<40x512xi32, #tpu.memory_space<vmem>>)
      tpu.yield
    }) : () -> ()
    %dma_start3A_48 = arith.constant 0 : i32
    %dma_start3A_49 = arith.constant 0 : i32
    %dma_start3A_50 = arith.constant 0 : i32
    %dma_start3A_51 = arith.constant 0 : i32
    %dma_start3A_52 = tpu.memref_slice %arg11[%dma_start3A_49, %dma_start3A_50, %dma_start3A_51] : memref<2x512x8xbf16, #tpu.memory_space<vmem>> -> memref<1x512x8xbf16, #tpu.memory_space<vmem>>
    %dma_start3A_53 = tpu.memref_squeeze %dma_start3A_52 : memref<1x512x8xbf16, #tpu.memory_space<vmem>> -> memref<512x8xbf16, #tpu.memory_space<vmem>>
    %dma_start3A_54 = arith.constant 0 : i32
    %dma_start3A_55 = tpu.memref_slice %arg9[%dma_start3A_48, %dma_start3A_54] : memref<40x512xi32, #tpu.memory_space<vmem>> -> memref<1x512xi32, #tpu.memory_space<vmem>>
    %dma_start3A_56 = tpu.memref_squeeze %dma_start3A_55 : memref<1x512xi32, #tpu.memory_space<vmem>> -> memref<512xi32, #tpu.memory_space<vmem>>
    %dma_start3A_57 = arith.constant 0 : i32
    %dma_start3A_58 = arith.constant 0 : i32
    %dma_start3A_59 = tpu.memref_slice %arg8[%dma_start3A_57, %dma_start3A_58] : memref<151552x8xbf16, #tpu.memory_space<vmem_shared>> -> memref<151552x8xbf16, #tpu.memory_space<vmem_shared>>
    tpu.enqueue_indirect_dma source(%dma_start3A_59 : memref<151552x8xbf16, #tpu.memory_space<vmem_shared>>) target(%dma_start3A_53 : memref<512x8xbf16, #tpu.memory_space<vmem>>) offsets(%dma_start3A_56 : memref<512xi32, #tpu.memory_space<vmem>>) semaphore(%arg12 : memref<!tpu.dma_semaphore, #tpu.memory_space<semaphore_mem>>)
    %scan3A_60 = arith.constant 0 : i32
    %scan3A_61 = arith.constant 0 : i32
    %scan3A_62 = arith.constant 40 : i32
    %scan3A_63 = arith.addi %scan3A_61, %scan3A_62 : i32
    %scan3A_64 = arith.constant 1 : i32
    scf.for %scan3A_177 = %scan3A_61 to %scan3A_63 step %scan3A_64  : i32 {
      %rem3A = arith.constant 2 : i32
      %rem3A_178 = arith.remsi %scan3A_177, %rem3A : i32
      %dma_wait3A = arith.constant 0 : i32
      %dma_wait3A_179 = arith.constant 0 : i32
      %dma_wait3A_180 = tpu.memref_slice %arg11[%rem3A_178, %dma_wait3A, %dma_wait3A_179] : memref<2x512x8xbf16, #tpu.memory_space<vmem>> -> memref<1x512x8xbf16, #tpu.memory_space<vmem>>
      %dma_wait3A_181 = tpu.memref_squeeze %dma_wait3A_180 : memref<1x512x8xbf16, #tpu.memory_space<vmem>> -> memref<512x8xbf16, #tpu.memory_space<vmem>>
      %dma_wait3A_182 = arith.constant 0 : i32
      %dma_wait3A_183 = tpu.memref_slice %arg9[%scan3A_177, %dma_wait3A_182] : memref<40x512xi32, #tpu.memory_space<vmem>> -> memref<1x512xi32, #tpu.memory_space<vmem>>
      %dma_wait3A_184 = tpu.memref_squeeze %dma_wait3A_183 : memref<1x512xi32, #tpu.memory_space<vmem>> -> memref<512xi32, #tpu.memory_space<vmem>>
      %dma_wait3A_185 = arith.constant 0 : i32
      %dma_wait3A_186 = arith.constant 0 : i32
      %dma_wait3A_187 = tpu.memref_slice %arg8[%dma_wait3A_185, %dma_wait3A_186] : memref<151552x8xbf16, #tpu.memory_space<vmem_shared>> -> memref<151552x8xbf16, #tpu.memory_space<vmem_shared>>
      tpu.wait_indirect_dma semaphore(%arg12 : memref<!tpu.dma_semaphore, #tpu.memory_space<semaphore_mem>>) src(%dma_wait3A_187 : memref<151552x8xbf16, #tpu.memory_space<vmem_shared>>) dst(%dma_wait3A_181 : memref<512x8xbf16, #tpu.memory_space<vmem>>)
      %add3A_188 = arith.constant 1 : i32
      %add3A_189 = arith.addi %scan3A_177, %add3A_188 : i32
      %lt3A = arith.constant 40 : i32
      %lt3A_190 = arith.cmpi slt, %add3A_189, %lt3A : i32
      %convert_element_type3A = arith.extui %lt3A_190 : i1 to i32
      %cond3A = arith.constant 0 : i32
      %cond3A_191 = arith.cmpi ne, %convert_element_type3A, %cond3A : i32
      scf.if %cond3A_191 {
        %add3A_192 = arith.constant 1 : i32
        %add3A_193 = arith.addi %scan3A_177, %add3A_192 : i32
        %sub3A = arith.constant 1 : i32
        %sub3A_194 = arith.subi %sub3A, %rem3A_178 : i32
        %dma_start3A_195 = arith.constant 0 : i32
        %dma_start3A_196 = arith.constant 0 : i32
        %dma_start3A_197 = tpu.memref_slice %arg11[%sub3A_194, %dma_start3A_195, %dma_start3A_196] : memref<2x512x8xbf16, #tpu.memory_space<vmem>> -> memref<1x512x8xbf16, #tpu.memory_space<vmem>>
        %dma_start3A_198 = tpu.memref_squeeze %dma_start3A_197 : memref<1x512x8xbf16, #tpu.memory_space<vmem>> -> memref<512x8xbf16, #tpu.memory_space<vmem>>
        %dma_start3A_199 = arith.constant 0 : i32
        %dma_start3A_200 = tpu.memref_slice %arg9[%add3A_193, %dma_start3A_199] : memref<40x512xi32, #tpu.memory_space<vmem>> -> memref<1x512xi32, #tpu.memory_space<vmem>>
        %dma_start3A_201 = tpu.memref_squeeze %dma_start3A_200 : memref<1x512xi32, #tpu.memory_space<vmem>> -> memref<512xi32, #tpu.memory_space<vmem>>
        %dma_start3A_202 = arith.constant 0 : i32
        %dma_start3A_203 = arith.constant 0 : i32
        %dma_start3A_204 = tpu.memref_slice %arg8[%dma_start3A_202, %dma_start3A_203] : memref<151552x8xbf16, #tpu.memory_space<vmem_shared>> -> memref<151552x8xbf16, #tpu.memory_space<vmem_shared>>
        tpu.enqueue_indirect_dma source(%dma_start3A_204 : memref<151552x8xbf16, #tpu.memory_space<vmem_shared>>) target(%dma_start3A_198 : memref<512x8xbf16, #tpu.memory_space<vmem>>) offsets(%dma_start3A_201 : memref<512xi32, #tpu.memory_space<vmem>>) semaphore(%arg12 : memref<!tpu.dma_semaphore, #tpu.memory_space<semaphore_mem>>)
      } else {
      }
      "tpu.region"() ({
        %run_scoped3A = tpu.sem_alloc : memref<!tpu.dma_semaphore, #tpu.memory_space<semaphore_mem>>
        %dma_start3A_192 = arith.constant 0 : i32
        %dma_start3A_193 = arith.constant 0 : i32
        %dma_start3A_194 = tpu.memref_slice %arg11[%rem3A_178, %dma_start3A_192, %dma_start3A_193] : memref<2x512x8xbf16, #tpu.memory_space<vmem>> -> memref<1x512x8xbf16, #tpu.memory_space<vmem>>
        %dma_start3A_195 = tpu.memref_squeeze %dma_start3A_194 : memref<1x512x8xbf16, #tpu.memory_space<vmem>> -> memref<512x8xbf16, #tpu.memory_space<vmem>>
        %dma_start3A_196 = arith.constant 0 : i32
        %dma_start3A_197 = tpu.memref_slice %arg10[%scan3A_177, %dma_start3A_196] : memref<40x512xi32, #tpu.memory_space<vmem>> -> memref<1x512xi32, #tpu.memory_space<vmem>>
        %dma_start3A_198 = tpu.memref_squeeze %dma_start3A_197 : memref<1x512xi32, #tpu.memory_space<vmem>> -> memref<512xi32, #tpu.memory_space<vmem>>
        %dma_start3A_199 = arith.constant 0 : i32
        %dma_start3A_200 = arith.constant 0 : i32
        %dma_start3A_201 = tpu.memref_slice %arg7[%dma_start3A_199, %dma_start3A_200] : memref<151552x8xbf16, #tpu.memory_space<vmem_shared>> -> memref<151552x8xbf16, #tpu.memory_space<vmem_shared>>
        tpu.enqueue_indirect_dma source(%dma_start3A_195 : memref<512x8xbf16, #tpu.memory_space<vmem>>) target(%dma_start3A_201 : memref<151552x8xbf16, #tpu.memory_space<vmem_shared>>) offsets(%dma_start3A_198 : memref<512xi32, #tpu.memory_space<vmem>>) semaphore(%run_scoped3A : memref<!tpu.dma_semaphore, #tpu.memory_space<semaphore_mem>>) {add = true}
        %dma_wait3A_202 = arith.constant 0 : i32
        %dma_wait3A_203 = arith.constant 0 : i32
        %dma_wait3A_204 = tpu.memref_slice %arg11[%rem3A_178, %dma_wait3A_202, %dma_wait3A_203] : memref<2x512x8xbf16, #tpu.memory_space<vmem>> -> memref<1x512x8xbf16, #tpu.memory_space<vmem>>
        %dma_wait3A_205 = tpu.memref_squeeze %dma_wait3A_204 : memref<1x512x8xbf16, #tpu.memory_space<vmem>> -> memref<512x8xbf16, #tpu.memory_space<vmem>>
        %dma_wait3A_206 = arith.constant 0 : i32
        %dma_wait3A_207 = tpu.memref_slice %arg10[%scan3A_177, %dma_wait3A_206] : memref<40x512xi32, #tpu.memory_space<vmem>> -> memref<1x512xi32, #tpu.memory_space<vmem>>
        %dma_wait3A_208 = tpu.memref_squeeze %dma_wait3A_207 : memref<1x512xi32, #tpu.memory_space<vmem>> -> memref<512xi32, #tpu.memory_space<vmem>>
        %dma_wait3A_209 = arith.constant 0 : i32
        %dma_wait3A_210 = arith.constant 0 : i32
        %dma_wait3A_211 = tpu.memref_slice %arg7[%dma_wait3A_209, %dma_wait3A_210] : memref<151552x8xbf16, #tpu.memory_space<vmem_shared>> -> memref<151552x8xbf16, #tpu.memory_space<vmem_shared>>
        tpu.wait_indirect_dma semaphore(%run_scoped3A : memref<!tpu.dma_semaphore, #tpu.memory_space<semaphore_mem>>) src(%dma_wait3A_205 : memref<512x8xbf16, #tpu.memory_space<vmem>>) dst(%dma_wait3A_211 : memref<151552x8xbf16, #tpu.memory_space<vmem_shared>>)
        tpu.yield
      }) : () -> ()
    }
    %scan3A_65 = arith.constant 40 : i32
    %add3A_66 = arith.constant 120 : i32
    %add3A_67 = arith.addi %mul3A_2, %add3A_66 : i32
    "tpu.region"() ({
      %run_scoped3A = tpu.sem_alloc : memref<!tpu.dma_semaphore, #tpu.memory_space<semaphore_mem>>
      %dma_start3A_177 = arith.constant 0 : i32
      %dma_start3A_178 = tpu.memref_slice %arg2[%add3A_67, %dma_start3A_177] : memref<5120x512xi32, #tpu.memory_space<hbm>> -> memref<40x512xi32, #tpu.memory_space<hbm>>
      %dma_start3A_179 = arith.constant 0 : i32
      %dma_start3A_180 = tpu.memref_slice %arg2[%add3A_67, %dma_start3A_179] : memref<5120x512xi32, #tpu.memory_space<hbm>> -> memref<40x512xi32, #tpu.memory_space<hbm>>
      tpu.enqueue_dma source(%dma_start3A_180 : memref<40x512xi32, #tpu.memory_space<hbm>>) target(%arg9 : memref<40x512xi32, #tpu.memory_space<vmem>>) target_semaphore(%run_scoped3A : memref<!tpu.dma_semaphore, #tpu.memory_space<semaphore_mem>>)
      %dma_wait3A = arith.constant 0 : i32
      %dma_wait3A_181 = tpu.memref_slice %arg2[%add3A_67, %dma_wait3A] : memref<5120x512xi32, #tpu.memory_space<hbm>> -> memref<40x512xi32, #tpu.memory_space<hbm>>
      %dma_wait3A_182 = arith.constant 0 : i32
      %dma_wait3A_183 = tpu.memref_slice %arg2[%add3A_67, %dma_wait3A_182] : memref<5120x512xi32, #tpu.memory_space<hbm>> -> memref<40x512xi32, #tpu.memory_space<hbm>>
      tpu.wait_dma2 semaphore(%run_scoped3A : memref<!tpu.dma_semaphore, #tpu.memory_space<semaphore_mem>>) src(%dma_wait3A_183 : memref<40x512xi32, #tpu.memory_space<hbm>>) dst(%arg9 : memref<40x512xi32, #tpu.memory_space<vmem>>)
      tpu.yield
    }) : () -> ()
    %add3A_68 = arith.constant 120 : i32
    %add3A_69 = arith.addi %mul3A_2, %add3A_68 : i32
    "tpu.region"() ({
      %run_scoped3A = tpu.sem_alloc : memref<!tpu.dma_semaphore, #tpu.memory_space<semaphore_mem>>
      %dma_start3A_177 = arith.constant 0 : i32
      %dma_start3A_178 = tpu.memref_slice %arg3[%add3A_69, %dma_start3A_177] : memref<5120x512xi32, #tpu.memory_space<hbm>> -> memref<40x512xi32, #tpu.memory_space<hbm>>
      %dma_start3A_179 = arith.constant 0 : i32
      %dma_start3A_180 = tpu.memref_slice %arg3[%add3A_69, %dma_start3A_179] : memref<5120x512xi32, #tpu.memory_space<hbm>> -> memref<40x512xi32, #tpu.memory_space<hbm>>
      tpu.enqueue_dma source(%dma_start3A_180 : memref<40x512xi32, #tpu.memory_space<hbm>>) target(%arg10 : memref<40x512xi32, #tpu.memory_space<vmem>>) target_semaphore(%run_scoped3A : memref<!tpu.dma_semaphore, #tpu.memory_space<semaphore_mem>>)
      %dma_wait3A = arith.constant 0 : i32
      %dma_wait3A_181 = tpu.memref_slice %arg3[%add3A_69, %dma_wait3A] : memref<5120x512xi32, #tpu.memory_space<hbm>> -> memref<40x512xi32, #tpu.memory_space<hbm>>
      %dma_wait3A_182 = arith.constant 0 : i32
      %dma_wait3A_183 = tpu.memref_slice %arg3[%add3A_69, %dma_wait3A_182] : memref<5120x512xi32, #tpu.memory_space<hbm>> -> memref<40x512xi32, #tpu.memory_space<hbm>>
      tpu.wait_dma2 semaphore(%run_scoped3A : memref<!tpu.dma_semaphore, #tpu.memory_space<semaphore_mem>>) src(%dma_wait3A_183 : memref<40x512xi32, #tpu.memory_space<hbm>>) dst(%arg10 : memref<40x512xi32, #tpu.memory_space<vmem>>)
      tpu.yield
    }) : () -> ()
    %dma_start3A_70 = arith.constant 0 : i32
    %dma_start3A_71 = arith.constant 0 : i32
    %dma_start3A_72 = arith.constant 0 : i32
    %dma_start3A_73 = arith.constant 0 : i32
    %dma_start3A_74 = tpu.memref_slice %arg11[%dma_start3A_71, %dma_start3A_72, %dma_start3A_73] : memref<2x512x8xbf16, #tpu.memory_space<vmem>> -> memref<1x512x8xbf16, #tpu.memory_space<vmem>>
    %dma_start3A_75 = tpu.memref_squeeze %dma_start3A_74 : memref<1x512x8xbf16, #tpu.memory_space<vmem>> -> memref<512x8xbf16, #tpu.memory_space<vmem>>
    %dma_start3A_76 = arith.constant 0 : i32
    %dma_start3A_77 = tpu.memref_slice %arg9[%dma_start3A_70, %dma_start3A_76] : memref<40x512xi32, #tpu.memory_space<vmem>> -> memref<1x512xi32, #tpu.memory_space<vmem>>
    %dma_start3A_78 = tpu.memref_squeeze %dma_start3A_77 : memref<1x512xi32, #tpu.memory_space<vmem>> -> memref<512xi32, #tpu.memory_space<vmem>>
    %dma_start3A_79 = arith.constant 0 : i32
    %dma_start3A_80 = arith.constant 0 : i32
    %dma_start3A_81 = tpu.memref_slice %arg8[%dma_start3A_79, %dma_start3A_80] : memref<151552x8xbf16, #tpu.memory_space<vmem_shared>> -> memref<151552x8xbf16, #tpu.memory_space<vmem_shared>>
    tpu.enqueue_indirect_dma source(%dma_start3A_81 : memref<151552x8xbf16, #tpu.memory_space<vmem_shared>>) target(%dma_start3A_75 : memref<512x8xbf16, #tpu.memory_space<vmem>>) offsets(%dma_start3A_78 : memref<512xi32, #tpu.memory_space<vmem>>) semaphore(%arg12 : memref<!tpu.dma_semaphore, #tpu.memory_space<semaphore_mem>>)
    %scan3A_82 = arith.constant 0 : i32
    %scan3A_83 = arith.constant 0 : i32
    %scan3A_84 = arith.constant 40 : i32
    %scan3A_85 = arith.addi %scan3A_83, %scan3A_84 : i32
    %scan3A_86 = arith.constant 1 : i32
    scf.for %scan3A_177 = %scan3A_83 to %scan3A_85 step %scan3A_86  : i32 {
      %rem3A = arith.constant 2 : i32
      %rem3A_178 = arith.remsi %scan3A_177, %rem3A : i32
      %dma_wait3A = arith.constant 0 : i32
      %dma_wait3A_179 = arith.constant 0 : i32
      %dma_wait3A_180 = tpu.memref_slice %arg11[%rem3A_178, %dma_wait3A, %dma_wait3A_179] : memref<2x512x8xbf16, #tpu.memory_space<vmem>> -> memref<1x512x8xbf16, #tpu.memory_space<vmem>>
      %dma_wait3A_181 = tpu.memref_squeeze %dma_wait3A_180 : memref<1x512x8xbf16, #tpu.memory_space<vmem>> -> memref<512x8xbf16, #tpu.memory_space<vmem>>
      %dma_wait3A_182 = arith.constant 0 : i32
      %dma_wait3A_183 = tpu.memref_slice %arg9[%scan3A_177, %dma_wait3A_182] : memref<40x512xi32, #tpu.memory_space<vmem>> -> memref<1x512xi32, #tpu.memory_space<vmem>>
      %dma_wait3A_184 = tpu.memref_squeeze %dma_wait3A_183 : memref<1x512xi32, #tpu.memory_space<vmem>> -> memref<512xi32, #tpu.memory_space<vmem>>
      %dma_wait3A_185 = arith.constant 0 : i32
      %dma_wait3A_186 = arith.constant 0 : i32
      %dma_wait3A_187 = tpu.memref_slice %arg8[%dma_wait3A_185, %dma_wait3A_186] : memref<151552x8xbf16, #tpu.memory_space<vmem_shared>> -> memref<151552x8xbf16, #tpu.memory_space<vmem_shared>>
      tpu.wait_indirect_dma semaphore(%arg12 : memref<!tpu.dma_semaphore, #tpu.memory_space<semaphore_mem>>) src(%dma_wait3A_187 : memref<151552x8xbf16, #tpu.memory_space<vmem_shared>>) dst(%dma_wait3A_181 : memref<512x8xbf16, #tpu.memory_space<vmem>>)
      %add3A_188 = arith.constant 1 : i32
      %add3A_189 = arith.addi %scan3A_177, %add3A_188 : i32
      %lt3A = arith.constant 40 : i32
      %lt3A_190 = arith.cmpi slt, %add3A_189, %lt3A : i32
      %convert_element_type3A = arith.extui %lt3A_190 : i1 to i32
      %cond3A = arith.constant 0 : i32
      %cond3A_191 = arith.cmpi ne, %convert_element_type3A, %cond3A : i32
      scf.if %cond3A_191 {
        %add3A_192 = arith.constant 1 : i32
        %add3A_193 = arith.addi %scan3A_177, %add3A_192 : i32
        %sub3A = arith.constant 1 : i32
        %sub3A_194 = arith.subi %sub3A, %rem3A_178 : i32
        %dma_start3A_195 = arith.constant 0 : i32
        %dma_start3A_196 = arith.constant 0 : i32
        %dma_start3A_197 = tpu.memref_slice %arg11[%sub3A_194, %dma_start3A_195, %dma_start3A_196] : memref<2x512x8xbf16, #tpu.memory_space<vmem>> -> memref<1x512x8xbf16, #tpu.memory_space<vmem>>
        %dma_start3A_198 = tpu.memref_squeeze %dma_start3A_197 : memref<1x512x8xbf16, #tpu.memory_space<vmem>> -> memref<512x8xbf16, #tpu.memory_space<vmem>>
        %dma_start3A_199 = arith.constant 0 : i32
        %dma_start3A_200 = tpu.memref_slice %arg9[%add3A_193, %dma_start3A_199] : memref<40x512xi32, #tpu.memory_space<vmem>> -> memref<1x512xi32, #tpu.memory_space<vmem>>
        %dma_start3A_201 = tpu.memref_squeeze %dma_start3A_200 : memref<1x512xi32, #tpu.memory_space<vmem>> -> memref<512xi32, #tpu.memory_space<vmem>>
        %dma_start3A_202 = arith.constant 0 : i32
        %dma_start3A_203 = arith.constant 0 : i32
        %dma_start3A_204 = tpu.memref_slice %arg8[%dma_start3A_202, %dma_start3A_203] : memref<151552x8xbf16, #tpu.memory_space<vmem_shared>> -> memref<151552x8xbf16, #tpu.memory_space<vmem_shared>>
        tpu.enqueue_indirect_dma source(%dma_start3A_204 : memref<151552x8xbf16, #tpu.memory_space<vmem_shared>>) target(%dma_start3A_198 : memref<512x8xbf16, #tpu.memory_space<vmem>>) offsets(%dma_start3A_201 : memref<512xi32, #tpu.memory_space<vmem>>) semaphore(%arg12 : memref<!tpu.dma_semaphore, #tpu.memory_space<semaphore_mem>>)
      } else {
      }
      "tpu.region"() ({
        %run_scoped3A = tpu.sem_alloc : memref<!tpu.dma_semaphore, #tpu.memory_space<semaphore_mem>>
        %dma_start3A_192 = arith.constant 0 : i32
        %dma_start3A_193 = arith.constant 0 : i32
        %dma_start3A_194 = tpu.memref_slice %arg11[%rem3A_178, %dma_start3A_192, %dma_start3A_193] : memref<2x512x8xbf16, #tpu.memory_space<vmem>> -> memref<1x512x8xbf16, #tpu.memory_space<vmem>>
        %dma_start3A_195 = tpu.memref_squeeze %dma_start3A_194 : memref<1x512x8xbf16, #tpu.memory_space<vmem>> -> memref<512x8xbf16, #tpu.memory_space<vmem>>
        %dma_start3A_196 = arith.constant 0 : i32
        %dma_start3A_197 = tpu.memref_slice %arg10[%scan3A_177, %dma_start3A_196] : memref<40x512xi32, #tpu.memory_space<vmem>> -> memref<1x512xi32, #tpu.memory_space<vmem>>
        %dma_start3A_198 = tpu.memref_squeeze %dma_start3A_197 : memref<1x512xi32, #tpu.memory_space<vmem>> -> memref<512xi32, #tpu.memory_space<vmem>>
        %dma_start3A_199 = arith.constant 0 : i32
        %dma_start3A_200 = arith.constant 0 : i32
        %dma_start3A_201 = tpu.memref_slice %arg7[%dma_start3A_199, %dma_start3A_200] : memref<151552x8xbf16, #tpu.memory_space<vmem_shared>> -> memref<151552x8xbf16, #tpu.memory_space<vmem_shared>>
        tpu.enqueue_indirect_dma source(%dma_start3A_195 : memref<512x8xbf16, #tpu.memory_space<vmem>>) target(%dma_start3A_201 : memref<151552x8xbf16, #tpu.memory_space<vmem_shared>>) offsets(%dma_start3A_198 : memref<512xi32, #tpu.memory_space<vmem>>) semaphore(%run_scoped3A : memref<!tpu.dma_semaphore, #tpu.memory_space<semaphore_mem>>) {add = true}
        %dma_wait3A_202 = arith.constant 0 : i32
        %dma_wait3A_203 = arith.constant 0 : i32
        %dma_wait3A_204 = tpu.memref_slice %arg11[%rem3A_178, %dma_wait3A_202, %dma_wait3A_203] : memref<2x512x8xbf16, #tpu.memory_space<vmem>> -> memref<1x512x8xbf16, #tpu.memory_space<vmem>>
        %dma_wait3A_205 = tpu.memref_squeeze %dma_wait3A_204 : memref<1x512x8xbf16, #tpu.memory_space<vmem>> -> memref<512x8xbf16, #tpu.memory_space<vmem>>
        %dma_wait3A_206 = arith.constant 0 : i32
        %dma_wait3A_207 = tpu.memref_slice %arg10[%scan3A_177, %dma_wait3A_206] : memref<40x512xi32, #tpu.memory_space<vmem>> -> memref<1x512xi32, #tpu.memory_space<vmem>>
        %dma_wait3A_208 = tpu.memref_squeeze %dma_wait3A_207 : memref<1x512xi32, #tpu.memory_space<vmem>> -> memref<512xi32, #tpu.memory_space<vmem>>
        %dma_wait3A_209 = arith.constant 0 : i32
        %dma_wait3A_210 = arith.constant 0 : i32
        %dma_wait3A_211 = tpu.memref_slice %arg7[%dma_wait3A_209, %dma_wait3A_210] : memref<151552x8xbf16, #tpu.memory_space<vmem_shared>> -> memref<151552x8xbf16, #tpu.memory_space<vmem_shared>>
        tpu.wait_indirect_dma semaphore(%run_scoped3A : memref<!tpu.dma_semaphore, #tpu.memory_space<semaphore_mem>>) src(%dma_wait3A_205 : memref<512x8xbf16, #tpu.memory_space<vmem>>) dst(%dma_wait3A_211 : memref<151552x8xbf16, #tpu.memory_space<vmem_shared>>)
        tpu.yield
      }) : () -> ()
    }
    %scan3A_87 = arith.constant 40 : i32
    %add3A_88 = arith.constant 160 : i32
    %add3A_89 = arith.addi %mul3A_2, %add3A_88 : i32
    "tpu.region"() ({
      %run_scoped3A = tpu.sem_alloc : memref<!tpu.dma_semaphore, #tpu.memory_space<semaphore_mem>>
      %dma_start3A_177 = arith.constant 0 : i32
      %dma_start3A_178 = tpu.memref_slice %arg2[%add3A_89, %dma_start3A_177] : memref<5120x512xi32, #tpu.memory_space<hbm>> -> memref<40x512xi32, #tpu.memory_space<hbm>>
      %dma_start3A_179 = arith.constant 0 : i32
      %dma_start3A_180 = tpu.memref_slice %arg2[%add3A_89, %dma_start3A_179] : memref<5120x512xi32, #tpu.memory_space<hbm>> -> memref<40x512xi32, #tpu.memory_space<hbm>>
      tpu.enqueue_dma source(%dma_start3A_180 : memref<40x512xi32, #tpu.memory_space<hbm>>) target(%arg9 : memref<40x512xi32, #tpu.memory_space<vmem>>) target_semaphore(%run_scoped3A : memref<!tpu.dma_semaphore, #tpu.memory_space<semaphore_mem>>)
      %dma_wait3A = arith.constant 0 : i32
      %dma_wait3A_181 = tpu.memref_slice %arg2[%add3A_89, %dma_wait3A] : memref<5120x512xi32, #tpu.memory_space<hbm>> -> memref<40x512xi32, #tpu.memory_space<hbm>>
      %dma_wait3A_182 = arith.constant 0 : i32
      %dma_wait3A_183 = tpu.memref_slice %arg2[%add3A_89, %dma_wait3A_182] : memref<5120x512xi32, #tpu.memory_space<hbm>> -> memref<40x512xi32, #tpu.memory_space<hbm>>
      tpu.wait_dma2 semaphore(%run_scoped3A : memref<!tpu.dma_semaphore, #tpu.memory_space<semaphore_mem>>) src(%dma_wait3A_183 : memref<40x512xi32, #tpu.memory_space<hbm>>) dst(%arg9 : memref<40x512xi32, #tpu.memory_space<vmem>>)
      tpu.yield
    }) : () -> ()
    %add3A_90 = arith.constant 160 : i32
    %add3A_91 = arith.addi %mul3A_2, %add3A_90 : i32
    "tpu.region"() ({
      %run_scoped3A = tpu.sem_alloc : memref<!tpu.dma_semaphore, #tpu.memory_space<semaphore_mem>>
      %dma_start3A_177 = arith.constant 0 : i32
      %dma_start3A_178 = tpu.memref_slice %arg3[%add3A_91, %dma_start3A_177] : memref<5120x512xi32, #tpu.memory_space<hbm>> -> memref<40x512xi32, #tpu.memory_space<hbm>>
      %dma_start3A_179 = arith.constant 0 : i32
      %dma_start3A_180 = tpu.memref_slice %arg3[%add3A_91, %dma_start3A_179] : memref<5120x512xi32, #tpu.memory_space<hbm>> -> memref<40x512xi32, #tpu.memory_space<hbm>>
      tpu.enqueue_dma source(%dma_start3A_180 : memref<40x512xi32, #tpu.memory_space<hbm>>) target(%arg10 : memref<40x512xi32, #tpu.memory_space<vmem>>) target_semaphore(%run_scoped3A : memref<!tpu.dma_semaphore, #tpu.memory_space<semaphore_mem>>)
      %dma_wait3A = arith.constant 0 : i32
      %dma_wait3A_181 = tpu.memref_slice %arg3[%add3A_91, %dma_wait3A] : memref<5120x512xi32, #tpu.memory_space<hbm>> -> memref<40x512xi32, #tpu.memory_space<hbm>>
      %dma_wait3A_182 = arith.constant 0 : i32
      %dma_wait3A_183 = tpu.memref_slice %arg3[%add3A_91, %dma_wait3A_182] : memref<5120x512xi32, #tpu.memory_space<hbm>> -> memref<40x512xi32, #tpu.memory_space<hbm>>
      tpu.wait_dma2 semaphore(%run_scoped3A : memref<!tpu.dma_semaphore, #tpu.memory_space<semaphore_mem>>) src(%dma_wait3A_183 : memref<40x512xi32, #tpu.memory_space<hbm>>) dst(%arg10 : memref<40x512xi32, #tpu.memory_space<vmem>>)
      tpu.yield
    }) : () -> ()
    %dma_start3A_92 = arith.constant 0 : i32
    %dma_start3A_93 = arith.constant 0 : i32
    %dma_start3A_94 = arith.constant 0 : i32
    %dma_start3A_95 = arith.constant 0 : i32
    %dma_start3A_96 = tpu.memref_slice %arg11[%dma_start3A_93, %dma_start3A_94, %dma_start3A_95] : memref<2x512x8xbf16, #tpu.memory_space<vmem>> -> memref<1x512x8xbf16, #tpu.memory_space<vmem>>
    %dma_start3A_97 = tpu.memref_squeeze %dma_start3A_96 : memref<1x512x8xbf16, #tpu.memory_space<vmem>> -> memref<512x8xbf16, #tpu.memory_space<vmem>>
    %dma_start3A_98 = arith.constant 0 : i32
    %dma_start3A_99 = tpu.memref_slice %arg9[%dma_start3A_92, %dma_start3A_98] : memref<40x512xi32, #tpu.memory_space<vmem>> -> memref<1x512xi32, #tpu.memory_space<vmem>>
    %dma_start3A_100 = tpu.memref_squeeze %dma_start3A_99 : memref<1x512xi32, #tpu.memory_space<vmem>> -> memref<512xi32, #tpu.memory_space<vmem>>
    %dma_start3A_101 = arith.constant 0 : i32
    %dma_start3A_102 = arith.constant 0 : i32
    %dma_start3A_103 = tpu.memref_slice %arg8[%dma_start3A_101, %dma_start3A_102] : memref<151552x8xbf16, #tpu.memory_space<vmem_shared>> -> memref<151552x8xbf16, #tpu.memory_space<vmem_shared>>
    tpu.enqueue_indirect_dma source(%dma_start3A_103 : memref<151552x8xbf16, #tpu.memory_space<vmem_shared>>) target(%dma_start3A_97 : memref<512x8xbf16, #tpu.memory_space<vmem>>) offsets(%dma_start3A_100 : memref<512xi32, #tpu.memory_space<vmem>>) semaphore(%arg12 : memref<!tpu.dma_semaphore, #tpu.memory_space<semaphore_mem>>)
    %scan3A_104 = arith.constant 0 : i32
    %scan3A_105 = arith.constant 0 : i32
    %scan3A_106 = arith.constant 40 : i32
    %scan3A_107 = arith.addi %scan3A_105, %scan3A_106 : i32
    %scan3A_108 = arith.constant 1 : i32
    scf.for %scan3A_177 = %scan3A_105 to %scan3A_107 step %scan3A_108  : i32 {
      %rem3A = arith.constant 2 : i32
      %rem3A_178 = arith.remsi %scan3A_177, %rem3A : i32
      %dma_wait3A = arith.constant 0 : i32
      %dma_wait3A_179 = arith.constant 0 : i32
      %dma_wait3A_180 = tpu.memref_slice %arg11[%rem3A_178, %dma_wait3A, %dma_wait3A_179] : memref<2x512x8xbf16, #tpu.memory_space<vmem>> -> memref<1x512x8xbf16, #tpu.memory_space<vmem>>
      %dma_wait3A_181 = tpu.memref_squeeze %dma_wait3A_180 : memref<1x512x8xbf16, #tpu.memory_space<vmem>> -> memref<512x8xbf16, #tpu.memory_space<vmem>>
      %dma_wait3A_182 = arith.constant 0 : i32
      %dma_wait3A_183 = tpu.memref_slice %arg9[%scan3A_177, %dma_wait3A_182] : memref<40x512xi32, #tpu.memory_space<vmem>> -> memref<1x512xi32, #tpu.memory_space<vmem>>
      %dma_wait3A_184 = tpu.memref_squeeze %dma_wait3A_183 : memref<1x512xi32, #tpu.memory_space<vmem>> -> memref<512xi32, #tpu.memory_space<vmem>>
      %dma_wait3A_185 = arith.constant 0 : i32
      %dma_wait3A_186 = arith.constant 0 : i32
      %dma_wait3A_187 = tpu.memref_slice %arg8[%dma_wait3A_185, %dma_wait3A_186] : memref<151552x8xbf16, #tpu.memory_space<vmem_shared>> -> memref<151552x8xbf16, #tpu.memory_space<vmem_shared>>
      tpu.wait_indirect_dma semaphore(%arg12 : memref<!tpu.dma_semaphore, #tpu.memory_space<semaphore_mem>>) src(%dma_wait3A_187 : memref<151552x8xbf16, #tpu.memory_space<vmem_shared>>) dst(%dma_wait3A_181 : memref<512x8xbf16, #tpu.memory_space<vmem>>)
      %add3A_188 = arith.constant 1 : i32
      %add3A_189 = arith.addi %scan3A_177, %add3A_188 : i32
      %lt3A = arith.constant 40 : i32
      %lt3A_190 = arith.cmpi slt, %add3A_189, %lt3A : i32
      %convert_element_type3A = arith.extui %lt3A_190 : i1 to i32
      %cond3A = arith.constant 0 : i32
      %cond3A_191 = arith.cmpi ne, %convert_element_type3A, %cond3A : i32
      scf.if %cond3A_191 {
        %add3A_192 = arith.constant 1 : i32
        %add3A_193 = arith.addi %scan3A_177, %add3A_192 : i32
        %sub3A = arith.constant 1 : i32
        %sub3A_194 = arith.subi %sub3A, %rem3A_178 : i32
        %dma_start3A_195 = arith.constant 0 : i32
        %dma_start3A_196 = arith.constant 0 : i32
        %dma_start3A_197 = tpu.memref_slice %arg11[%sub3A_194, %dma_start3A_195, %dma_start3A_196] : memref<2x512x8xbf16, #tpu.memory_space<vmem>> -> memref<1x512x8xbf16, #tpu.memory_space<vmem>>
        %dma_start3A_198 = tpu.memref_squeeze %dma_start3A_197 : memref<1x512x8xbf16, #tpu.memory_space<vmem>> -> memref<512x8xbf16, #tpu.memory_space<vmem>>
        %dma_start3A_199 = arith.constant 0 : i32
        %dma_start3A_200 = tpu.memref_slice %arg9[%add3A_193, %dma_start3A_199] : memref<40x512xi32, #tpu.memory_space<vmem>> -> memref<1x512xi32, #tpu.memory_space<vmem>>
        %dma_start3A_201 = tpu.memref_squeeze %dma_start3A_200 : memref<1x512xi32, #tpu.memory_space<vmem>> -> memref<512xi32, #tpu.memory_space<vmem>>
        %dma_start3A_202 = arith.constant 0 : i32
        %dma_start3A_203 = arith.constant 0 : i32
        %dma_start3A_204 = tpu.memref_slice %arg8[%dma_start3A_202, %dma_start3A_203] : memref<151552x8xbf16, #tpu.memory_space<vmem_shared>> -> memref<151552x8xbf16, #tpu.memory_space<vmem_shared>>
        tpu.enqueue_indirect_dma source(%dma_start3A_204 : memref<151552x8xbf16, #tpu.memory_space<vmem_shared>>) target(%dma_start3A_198 : memref<512x8xbf16, #tpu.memory_space<vmem>>) offsets(%dma_start3A_201 : memref<512xi32, #tpu.memory_space<vmem>>) semaphore(%arg12 : memref<!tpu.dma_semaphore, #tpu.memory_space<semaphore_mem>>)
      } else {
      }
      "tpu.region"() ({
        %run_scoped3A = tpu.sem_alloc : memref<!tpu.dma_semaphore, #tpu.memory_space<semaphore_mem>>
        %dma_start3A_192 = arith.constant 0 : i32
        %dma_start3A_193 = arith.constant 0 : i32
        %dma_start3A_194 = tpu.memref_slice %arg11[%rem3A_178, %dma_start3A_192, %dma_start3A_193] : memref<2x512x8xbf16, #tpu.memory_space<vmem>> -> memref<1x512x8xbf16, #tpu.memory_space<vmem>>
        %dma_start3A_195 = tpu.memref_squeeze %dma_start3A_194 : memref<1x512x8xbf16, #tpu.memory_space<vmem>> -> memref<512x8xbf16, #tpu.memory_space<vmem>>
        %dma_start3A_196 = arith.constant 0 : i32
        %dma_start3A_197 = tpu.memref_slice %arg10[%scan3A_177, %dma_start3A_196] : memref<40x512xi32, #tpu.memory_space<vmem>> -> memref<1x512xi32, #tpu.memory_space<vmem>>
        %dma_start3A_198 = tpu.memref_squeeze %dma_start3A_197 : memref<1x512xi32, #tpu.memory_space<vmem>> -> memref<512xi32, #tpu.memory_space<vmem>>
        %dma_start3A_199 = arith.constant 0 : i32
        %dma_start3A_200 = arith.constant 0 : i32
        %dma_start3A_201 = tpu.memref_slice %arg7[%dma_start3A_199, %dma_start3A_200] : memref<151552x8xbf16, #tpu.memory_space<vmem_shared>> -> memref<151552x8xbf16, #tpu.memory_space<vmem_shared>>
        tpu.enqueue_indirect_dma source(%dma_start3A_195 : memref<512x8xbf16, #tpu.memory_space<vmem>>) target(%dma_start3A_201 : memref<151552x8xbf16, #tpu.memory_space<vmem_shared>>) offsets(%dma_start3A_198 : memref<512xi32, #tpu.memory_space<vmem>>) semaphore(%run_scoped3A : memref<!tpu.dma_semaphore, #tpu.memory_space<semaphore_mem>>) {add = true}
        %dma_wait3A_202 = arith.constant 0 : i32
        %dma_wait3A_203 = arith.constant 0 : i32
        %dma_wait3A_204 = tpu.memref_slice %arg11[%rem3A_178, %dma_wait3A_202, %dma_wait3A_203] : memref<2x512x8xbf16, #tpu.memory_space<vmem>> -> memref<1x512x8xbf16, #tpu.memory_space<vmem>>
        %dma_wait3A_205 = tpu.memref_squeeze %dma_wait3A_204 : memref<1x512x8xbf16, #tpu.memory_space<vmem>> -> memref<512x8xbf16, #tpu.memory_space<vmem>>
        %dma_wait3A_206 = arith.constant 0 : i32
        %dma_wait3A_207 = tpu.memref_slice %arg10[%scan3A_177, %dma_wait3A_206] : memref<40x512xi32, #tpu.memory_space<vmem>> -> memref<1x512xi32, #tpu.memory_space<vmem>>
        %dma_wait3A_208 = tpu.memref_squeeze %dma_wait3A_207 : memref<1x512xi32, #tpu.memory_space<vmem>> -> memref<512xi32, #tpu.memory_space<vmem>>
        %dma_wait3A_209 = arith.constant 0 : i32
        %dma_wait3A_210 = arith.constant 0 : i32
        %dma_wait3A_211 = tpu.memref_slice %arg7[%dma_wait3A_209, %dma_wait3A_210] : memref<151552x8xbf16, #tpu.memory_space<vmem_shared>> -> memref<151552x8xbf16, #tpu.memory_space<vmem_shared>>
        tpu.wait_indirect_dma semaphore(%run_scoped3A : memref<!tpu.dma_semaphore, #tpu.memory_space<semaphore_mem>>) src(%dma_wait3A_205 : memref<512x8xbf16, #tpu.memory_space<vmem>>) dst(%dma_wait3A_211 : memref<151552x8xbf16, #tpu.memory_space<vmem_shared>>)
        tpu.yield
      }) : () -> ()
    }
    %scan3A_109 = arith.constant 40 : i32
    %add3A_110 = arith.constant 200 : i32
    %add3A_111 = arith.addi %mul3A_2, %add3A_110 : i32
    "tpu.region"() ({
      %run_scoped3A = tpu.sem_alloc : memref<!tpu.dma_semaphore, #tpu.memory_space<semaphore_mem>>
      %dma_start3A_177 = arith.constant 0 : i32
      %dma_start3A_178 = tpu.memref_slice %arg2[%add3A_111, %dma_start3A_177] : memref<5120x512xi32, #tpu.memory_space<hbm>> -> memref<40x512xi32, #tpu.memory_space<hbm>>
      %dma_start3A_179 = arith.constant 0 : i32
      %dma_start3A_180 = tpu.memref_slice %arg2[%add3A_111, %dma_start3A_179] : memref<5120x512xi32, #tpu.memory_space<hbm>> -> memref<40x512xi32, #tpu.memory_space<hbm>>
      tpu.enqueue_dma source(%dma_start3A_180 : memref<40x512xi32, #tpu.memory_space<hbm>>) target(%arg9 : memref<40x512xi32, #tpu.memory_space<vmem>>) target_semaphore(%run_scoped3A : memref<!tpu.dma_semaphore, #tpu.memory_space<semaphore_mem>>)
      %dma_wait3A = arith.constant 0 : i32
      %dma_wait3A_181 = tpu.memref_slice %arg2[%add3A_111, %dma_wait3A] : memref<5120x512xi32, #tpu.memory_space<hbm>> -> memref<40x512xi32, #tpu.memory_space<hbm>>
      %dma_wait3A_182 = arith.constant 0 : i32
      %dma_wait3A_183 = tpu.memref_slice %arg2[%add3A_111, %dma_wait3A_182] : memref<5120x512xi32, #tpu.memory_space<hbm>> -> memref<40x512xi32, #tpu.memory_space<hbm>>
      tpu.wait_dma2 semaphore(%run_scoped3A : memref<!tpu.dma_semaphore, #tpu.memory_space<semaphore_mem>>) src(%dma_wait3A_183 : memref<40x512xi32, #tpu.memory_space<hbm>>) dst(%arg9 : memref<40x512xi32, #tpu.memory_space<vmem>>)
      tpu.yield
    }) : () -> ()
    %add3A_112 = arith.constant 200 : i32
    %add3A_113 = arith.addi %mul3A_2, %add3A_112 : i32
    "tpu.region"() ({
      %run_scoped3A = tpu.sem_alloc : memref<!tpu.dma_semaphore, #tpu.memory_space<semaphore_mem>>
      %dma_start3A_177 = arith.constant 0 : i32
      %dma_start3A_178 = tpu.memref_slice %arg3[%add3A_113, %dma_start3A_177] : memref<5120x512xi32, #tpu.memory_space<hbm>> -> memref<40x512xi32, #tpu.memory_space<hbm>>
      %dma_start3A_179 = arith.constant 0 : i32
      %dma_start3A_180 = tpu.memref_slice %arg3[%add3A_113, %dma_start3A_179] : memref<5120x512xi32, #tpu.memory_space<hbm>> -> memref<40x512xi32, #tpu.memory_space<hbm>>
      tpu.enqueue_dma source(%dma_start3A_180 : memref<40x512xi32, #tpu.memory_space<hbm>>) target(%arg10 : memref<40x512xi32, #tpu.memory_space<vmem>>) target_semaphore(%run_scoped3A : memref<!tpu.dma_semaphore, #tpu.memory_space<semaphore_mem>>)
      %dma_wait3A = arith.constant 0 : i32
      %dma_wait3A_181 = tpu.memref_slice %arg3[%add3A_113, %dma_wait3A] : memref<5120x512xi32, #tpu.memory_space<hbm>> -> memref<40x512xi32, #tpu.memory_space<hbm>>
      %dma_wait3A_182 = arith.constant 0 : i32
      %dma_wait3A_183 = tpu.memref_slice %arg3[%add3A_113, %dma_wait3A_182] : memref<5120x512xi32, #tpu.memory_space<hbm>> -> memref<40x512xi32, #tpu.memory_space<hbm>>
      tpu.wait_dma2 semaphore(%run_scoped3A : memref<!tpu.dma_semaphore, #tpu.memory_space<semaphore_mem>>) src(%dma_wait3A_183 : memref<40x512xi32, #tpu.memory_space<hbm>>) dst(%arg10 : memref<40x512xi32, #tpu.memory_space<vmem>>)
      tpu.yield
    }) : () -> ()
    %dma_start3A_114 = arith.constant 0 : i32
    %dma_start3A_115 = arith.constant 0 : i32
    %dma_start3A_116 = arith.constant 0 : i32
    %dma_start3A_117 = arith.constant 0 : i32
    %dma_start3A_118 = tpu.memref_slice %arg11[%dma_start3A_115, %dma_start3A_116, %dma_start3A_117] : memref<2x512x8xbf16, #tpu.memory_space<vmem>> -> memref<1x512x8xbf16, #tpu.memory_space<vmem>>
    %dma_start3A_119 = tpu.memref_squeeze %dma_start3A_118 : memref<1x512x8xbf16, #tpu.memory_space<vmem>> -> memref<512x8xbf16, #tpu.memory_space<vmem>>
    %dma_start3A_120 = arith.constant 0 : i32
    %dma_start3A_121 = tpu.memref_slice %arg9[%dma_start3A_114, %dma_start3A_120] : memref<40x512xi32, #tpu.memory_space<vmem>> -> memref<1x512xi32, #tpu.memory_space<vmem>>
    %dma_start3A_122 = tpu.memref_squeeze %dma_start3A_121 : memref<1x512xi32, #tpu.memory_space<vmem>> -> memref<512xi32, #tpu.memory_space<vmem>>
    %dma_start3A_123 = arith.constant 0 : i32
    %dma_start3A_124 = arith.constant 0 : i32
    %dma_start3A_125 = tpu.memref_slice %arg8[%dma_start3A_123, %dma_start3A_124] : memref<151552x8xbf16, #tpu.memory_space<vmem_shared>> -> memref<151552x8xbf16, #tpu.memory_space<vmem_shared>>
    tpu.enqueue_indirect_dma source(%dma_start3A_125 : memref<151552x8xbf16, #tpu.memory_space<vmem_shared>>) target(%dma_start3A_119 : memref<512x8xbf16, #tpu.memory_space<vmem>>) offsets(%dma_start3A_122 : memref<512xi32, #tpu.memory_space<vmem>>) semaphore(%arg12 : memref<!tpu.dma_semaphore, #tpu.memory_space<semaphore_mem>>)
    %scan3A_126 = arith.constant 0 : i32
    %scan3A_127 = arith.constant 0 : i32
    %scan3A_128 = arith.constant 40 : i32
    %scan3A_129 = arith.addi %scan3A_127, %scan3A_128 : i32
    %scan3A_130 = arith.constant 1 : i32
    scf.for %scan3A_177 = %scan3A_127 to %scan3A_129 step %scan3A_130  : i32 {
      %rem3A = arith.constant 2 : i32
      %rem3A_178 = arith.remsi %scan3A_177, %rem3A : i32
      %dma_wait3A = arith.constant 0 : i32
      %dma_wait3A_179 = arith.constant 0 : i32
      %dma_wait3A_180 = tpu.memref_slice %arg11[%rem3A_178, %dma_wait3A, %dma_wait3A_179] : memref<2x512x8xbf16, #tpu.memory_space<vmem>> -> memref<1x512x8xbf16, #tpu.memory_space<vmem>>
      %dma_wait3A_181 = tpu.memref_squeeze %dma_wait3A_180 : memref<1x512x8xbf16, #tpu.memory_space<vmem>> -> memref<512x8xbf16, #tpu.memory_space<vmem>>
      %dma_wait3A_182 = arith.constant 0 : i32
      %dma_wait3A_183 = tpu.memref_slice %arg9[%scan3A_177, %dma_wait3A_182] : memref<40x512xi32, #tpu.memory_space<vmem>> -> memref<1x512xi32, #tpu.memory_space<vmem>>
      %dma_wait3A_184 = tpu.memref_squeeze %dma_wait3A_183 : memref<1x512xi32, #tpu.memory_space<vmem>> -> memref<512xi32, #tpu.memory_space<vmem>>
      %dma_wait3A_185 = arith.constant 0 : i32
      %dma_wait3A_186 = arith.constant 0 : i32
      %dma_wait3A_187 = tpu.memref_slice %arg8[%dma_wait3A_185, %dma_wait3A_186] : memref<151552x8xbf16, #tpu.memory_space<vmem_shared>> -> memref<151552x8xbf16, #tpu.memory_space<vmem_shared>>
      tpu.wait_indirect_dma semaphore(%arg12 : memref<!tpu.dma_semaphore, #tpu.memory_space<semaphore_mem>>) src(%dma_wait3A_187 : memref<151552x8xbf16, #tpu.memory_space<vmem_shared>>) dst(%dma_wait3A_181 : memref<512x8xbf16, #tpu.memory_space<vmem>>)
      %add3A_188 = arith.constant 1 : i32
      %add3A_189 = arith.addi %scan3A_177, %add3A_188 : i32
      %lt3A = arith.constant 40 : i32
      %lt3A_190 = arith.cmpi slt, %add3A_189, %lt3A : i32
      %convert_element_type3A = arith.extui %lt3A_190 : i1 to i32
      %cond3A = arith.constant 0 : i32
      %cond3A_191 = arith.cmpi ne, %convert_element_type3A, %cond3A : i32
      scf.if %cond3A_191 {
        %add3A_192 = arith.constant 1 : i32
        %add3A_193 = arith.addi %scan3A_177, %add3A_192 : i32
        %sub3A = arith.constant 1 : i32
        %sub3A_194 = arith.subi %sub3A, %rem3A_178 : i32
        %dma_start3A_195 = arith.constant 0 : i32
        %dma_start3A_196 = arith.constant 0 : i32
        %dma_start3A_197 = tpu.memref_slice %arg11[%sub3A_194, %dma_start3A_195, %dma_start3A_196] : memref<2x512x8xbf16, #tpu.memory_space<vmem>> -> memref<1x512x8xbf16, #tpu.memory_space<vmem>>
        %dma_start3A_198 = tpu.memref_squeeze %dma_start3A_197 : memref<1x512x8xbf16, #tpu.memory_space<vmem>> -> memref<512x8xbf16, #tpu.memory_space<vmem>>
        %dma_start3A_199 = arith.constant 0 : i32
        %dma_start3A_200 = tpu.memref_slice %arg9[%add3A_193, %dma_start3A_199] : memref<40x512xi32, #tpu.memory_space<vmem>> -> memref<1x512xi32, #tpu.memory_space<vmem>>
        %dma_start3A_201 = tpu.memref_squeeze %dma_start3A_200 : memref<1x512xi32, #tpu.memory_space<vmem>> -> memref<512xi32, #tpu.memory_space<vmem>>
        %dma_start3A_202 = arith.constant 0 : i32
        %dma_start3A_203 = arith.constant 0 : i32
        %dma_start3A_204 = tpu.memref_slice %arg8[%dma_start3A_202, %dma_start3A_203] : memref<151552x8xbf16, #tpu.memory_space<vmem_shared>> -> memref<151552x8xbf16, #tpu.memory_space<vmem_shared>>
        tpu.enqueue_indirect_dma source(%dma_start3A_204 : memref<151552x8xbf16, #tpu.memory_space<vmem_shared>>) target(%dma_start3A_198 : memref<512x8xbf16, #tpu.memory_space<vmem>>) offsets(%dma_start3A_201 : memref<512xi32, #tpu.memory_space<vmem>>) semaphore(%arg12 : memref<!tpu.dma_semaphore, #tpu.memory_space<semaphore_mem>>)
      } else {
      }
      "tpu.region"() ({
        %run_scoped3A = tpu.sem_alloc : memref<!tpu.dma_semaphore, #tpu.memory_space<semaphore_mem>>
        %dma_start3A_192 = arith.constant 0 : i32
        %dma_start3A_193 = arith.constant 0 : i32
        %dma_start3A_194 = tpu.memref_slice %arg11[%rem3A_178, %dma_start3A_192, %dma_start3A_193] : memref<2x512x8xbf16, #tpu.memory_space<vmem>> -> memref<1x512x8xbf16, #tpu.memory_space<vmem>>
        %dma_start3A_195 = tpu.memref_squeeze %dma_start3A_194 : memref<1x512x8xbf16, #tpu.memory_space<vmem>> -> memref<512x8xbf16, #tpu.memory_space<vmem>>
        %dma_start3A_196 = arith.constant 0 : i32
        %dma_start3A_197 = tpu.memref_slice %arg10[%scan3A_177, %dma_start3A_196] : memref<40x512xi32, #tpu.memory_space<vmem>> -> memref<1x512xi32, #tpu.memory_space<vmem>>
        %dma_start3A_198 = tpu.memref_squeeze %dma_start3A_197 : memref<1x512xi32, #tpu.memory_space<vmem>> -> memref<512xi32, #tpu.memory_space<vmem>>
        %dma_start3A_199 = arith.constant 0 : i32
        %dma_start3A_200 = arith.constant 0 : i32
        %dma_start3A_201 = tpu.memref_slice %arg7[%dma_start3A_199, %dma_start3A_200] : memref<151552x8xbf16, #tpu.memory_space<vmem_shared>> -> memref<151552x8xbf16, #tpu.memory_space<vmem_shared>>
        tpu.enqueue_indirect_dma source(%dma_start3A_195 : memref<512x8xbf16, #tpu.memory_space<vmem>>) target(%dma_start3A_201 : memref<151552x8xbf16, #tpu.memory_space<vmem_shared>>) offsets(%dma_start3A_198 : memref<512xi32, #tpu.memory_space<vmem>>) semaphore(%run_scoped3A : memref<!tpu.dma_semaphore, #tpu.memory_space<semaphore_mem>>) {add = true}
        %dma_wait3A_202 = arith.constant 0 : i32
        %dma_wait3A_203 = arith.constant 0 : i32
        %dma_wait3A_204 = tpu.memref_slice %arg11[%rem3A_178, %dma_wait3A_202, %dma_wait3A_203] : memref<2x512x8xbf16, #tpu.memory_space<vmem>> -> memref<1x512x8xbf16, #tpu.memory_space<vmem>>
        %dma_wait3A_205 = tpu.memref_squeeze %dma_wait3A_204 : memref<1x512x8xbf16, #tpu.memory_space<vmem>> -> memref<512x8xbf16, #tpu.memory_space<vmem>>
        %dma_wait3A_206 = arith.constant 0 : i32
        %dma_wait3A_207 = tpu.memref_slice %arg10[%scan3A_177, %dma_wait3A_206] : memref<40x512xi32, #tpu.memory_space<vmem>> -> memref<1x512xi32, #tpu.memory_space<vmem>>
        %dma_wait3A_208 = tpu.memref_squeeze %dma_wait3A_207 : memref<1x512xi32, #tpu.memory_space<vmem>> -> memref<512xi32, #tpu.memory_space<vmem>>
        %dma_wait3A_209 = arith.constant 0 : i32
        %dma_wait3A_210 = arith.constant 0 : i32
        %dma_wait3A_211 = tpu.memref_slice %arg7[%dma_wait3A_209, %dma_wait3A_210] : memref<151552x8xbf16, #tpu.memory_space<vmem_shared>> -> memref<151552x8xbf16, #tpu.memory_space<vmem_shared>>
        tpu.wait_indirect_dma semaphore(%run_scoped3A : memref<!tpu.dma_semaphore, #tpu.memory_space<semaphore_mem>>) src(%dma_wait3A_205 : memref<512x8xbf16, #tpu.memory_space<vmem>>) dst(%dma_wait3A_211 : memref<151552x8xbf16, #tpu.memory_space<vmem_shared>>)
        tpu.yield
      }) : () -> ()
    }
    %scan3A_131 = arith.constant 40 : i32
    %add3A_132 = arith.constant 240 : i32
    %add3A_133 = arith.addi %mul3A_2, %add3A_132 : i32
    "tpu.region"() ({
      %run_scoped3A = tpu.sem_alloc : memref<!tpu.dma_semaphore, #tpu.memory_space<semaphore_mem>>
      %dma_start3A_177 = arith.constant 0 : i32
      %dma_start3A_178 = tpu.memref_slice %arg2[%add3A_133, %dma_start3A_177] : memref<5120x512xi32, #tpu.memory_space<hbm>> -> memref<40x512xi32, #tpu.memory_space<hbm>>
      %dma_start3A_179 = arith.constant 0 : i32
      %dma_start3A_180 = tpu.memref_slice %arg2[%add3A_133, %dma_start3A_179] : memref<5120x512xi32, #tpu.memory_space<hbm>> -> memref<40x512xi32, #tpu.memory_space<hbm>>
      tpu.enqueue_dma source(%dma_start3A_180 : memref<40x512xi32, #tpu.memory_space<hbm>>) target(%arg9 : memref<40x512xi32, #tpu.memory_space<vmem>>) target_semaphore(%run_scoped3A : memref<!tpu.dma_semaphore, #tpu.memory_space<semaphore_mem>>)
      %dma_wait3A = arith.constant 0 : i32
      %dma_wait3A_181 = tpu.memref_slice %arg2[%add3A_133, %dma_wait3A] : memref<5120x512xi32, #tpu.memory_space<hbm>> -> memref<40x512xi32, #tpu.memory_space<hbm>>
      %dma_wait3A_182 = arith.constant 0 : i32
      %dma_wait3A_183 = tpu.memref_slice %arg2[%add3A_133, %dma_wait3A_182] : memref<5120x512xi32, #tpu.memory_space<hbm>> -> memref<40x512xi32, #tpu.memory_space<hbm>>
      tpu.wait_dma2 semaphore(%run_scoped3A : memref<!tpu.dma_semaphore, #tpu.memory_space<semaphore_mem>>) src(%dma_wait3A_183 : memref<40x512xi32, #tpu.memory_space<hbm>>) dst(%arg9 : memref<40x512xi32, #tpu.memory_space<vmem>>)
      tpu.yield
    }) : () -> ()
    %add3A_134 = arith.constant 240 : i32
    %add3A_135 = arith.addi %mul3A_2, %add3A_134 : i32
    "tpu.region"() ({
      %run_scoped3A = tpu.sem_alloc : memref<!tpu.dma_semaphore, #tpu.memory_space<semaphore_mem>>
      %dma_start3A_177 = arith.constant 0 : i32
      %dma_start3A_178 = tpu.memref_slice %arg3[%add3A_135, %dma_start3A_177] : memref<5120x512xi32, #tpu.memory_space<hbm>> -> memref<40x512xi32, #tpu.memory_space<hbm>>
      %dma_start3A_179 = arith.constant 0 : i32
      %dma_start3A_180 = tpu.memref_slice %arg3[%add3A_135, %dma_start3A_179] : memref<5120x512xi32, #tpu.memory_space<hbm>> -> memref<40x512xi32, #tpu.memory_space<hbm>>
      tpu.enqueue_dma source(%dma_start3A_180 : memref<40x512xi32, #tpu.memory_space<hbm>>) target(%arg10 : memref<40x512xi32, #tpu.memory_space<vmem>>) target_semaphore(%run_scoped3A : memref<!tpu.dma_semaphore, #tpu.memory_space<semaphore_mem>>)
      %dma_wait3A = arith.constant 0 : i32
      %dma_wait3A_181 = tpu.memref_slice %arg3[%add3A_135, %dma_wait3A] : memref<5120x512xi32, #tpu.memory_space<hbm>> -> memref<40x512xi32, #tpu.memory_space<hbm>>
      %dma_wait3A_182 = arith.constant 0 : i32
      %dma_wait3A_183 = tpu.memref_slice %arg3[%add3A_135, %dma_wait3A_182] : memref<5120x512xi32, #tpu.memory_space<hbm>> -> memref<40x512xi32, #tpu.memory_space<hbm>>
      tpu.wait_dma2 semaphore(%run_scoped3A : memref<!tpu.dma_semaphore, #tpu.memory_space<semaphore_mem>>) src(%dma_wait3A_183 : memref<40x512xi32, #tpu.memory_space<hbm>>) dst(%arg10 : memref<40x512xi32, #tpu.memory_space<vmem>>)
      tpu.yield
    }) : () -> ()
    %dma_start3A_136 = arith.constant 0 : i32
    %dma_start3A_137 = arith.constant 0 : i32
    %dma_start3A_138 = arith.constant 0 : i32
    %dma_start3A_139 = arith.constant 0 : i32
    %dma_start3A_140 = tpu.memref_slice %arg11[%dma_start3A_137, %dma_start3A_138, %dma_start3A_139] : memref<2x512x8xbf16, #tpu.memory_space<vmem>> -> memref<1x512x8xbf16, #tpu.memory_space<vmem>>
    %dma_start3A_141 = tpu.memref_squeeze %dma_start3A_140 : memref<1x512x8xbf16, #tpu.memory_space<vmem>> -> memref<512x8xbf16, #tpu.memory_space<vmem>>
    %dma_start3A_142 = arith.constant 0 : i32
    %dma_start3A_143 = tpu.memref_slice %arg9[%dma_start3A_136, %dma_start3A_142] : memref<40x512xi32, #tpu.memory_space<vmem>> -> memref<1x512xi32, #tpu.memory_space<vmem>>
    %dma_start3A_144 = tpu.memref_squeeze %dma_start3A_143 : memref<1x512xi32, #tpu.memory_space<vmem>> -> memref<512xi32, #tpu.memory_space<vmem>>
    %dma_start3A_145 = arith.constant 0 : i32
    %dma_start3A_146 = arith.constant 0 : i32
    %dma_start3A_147 = tpu.memref_slice %arg8[%dma_start3A_145, %dma_start3A_146] : memref<151552x8xbf16, #tpu.memory_space<vmem_shared>> -> memref<151552x8xbf16, #tpu.memory_space<vmem_shared>>
    tpu.enqueue_indirect_dma source(%dma_start3A_147 : memref<151552x8xbf16, #tpu.memory_space<vmem_shared>>) target(%dma_start3A_141 : memref<512x8xbf16, #tpu.memory_space<vmem>>) offsets(%dma_start3A_144 : memref<512xi32, #tpu.memory_space<vmem>>) semaphore(%arg12 : memref<!tpu.dma_semaphore, #tpu.memory_space<semaphore_mem>>)
    %scan3A_148 = arith.constant 0 : i32
    %scan3A_149 = arith.constant 0 : i32
    %scan3A_150 = arith.constant 40 : i32
    %scan3A_151 = arith.addi %scan3A_149, %scan3A_150 : i32
    %scan3A_152 = arith.constant 1 : i32
    scf.for %scan3A_177 = %scan3A_149 to %scan3A_151 step %scan3A_152  : i32 {
      %rem3A = arith.constant 2 : i32
      %rem3A_178 = arith.remsi %scan3A_177, %rem3A : i32
      %dma_wait3A = arith.constant 0 : i32
      %dma_wait3A_179 = arith.constant 0 : i32
      %dma_wait3A_180 = tpu.memref_slice %arg11[%rem3A_178, %dma_wait3A, %dma_wait3A_179] : memref<2x512x8xbf16, #tpu.memory_space<vmem>> -> memref<1x512x8xbf16, #tpu.memory_space<vmem>>
      %dma_wait3A_181 = tpu.memref_squeeze %dma_wait3A_180 : memref<1x512x8xbf16, #tpu.memory_space<vmem>> -> memref<512x8xbf16, #tpu.memory_space<vmem>>
      %dma_wait3A_182 = arith.constant 0 : i32
      %dma_wait3A_183 = tpu.memref_slice %arg9[%scan3A_177, %dma_wait3A_182] : memref<40x512xi32, #tpu.memory_space<vmem>> -> memref<1x512xi32, #tpu.memory_space<vmem>>
      %dma_wait3A_184 = tpu.memref_squeeze %dma_wait3A_183 : memref<1x512xi32, #tpu.memory_space<vmem>> -> memref<512xi32, #tpu.memory_space<vmem>>
      %dma_wait3A_185 = arith.constant 0 : i32
      %dma_wait3A_186 = arith.constant 0 : i32
      %dma_wait3A_187 = tpu.memref_slice %arg8[%dma_wait3A_185, %dma_wait3A_186] : memref<151552x8xbf16, #tpu.memory_space<vmem_shared>> -> memref<151552x8xbf16, #tpu.memory_space<vmem_shared>>
      tpu.wait_indirect_dma semaphore(%arg12 : memref<!tpu.dma_semaphore, #tpu.memory_space<semaphore_mem>>) src(%dma_wait3A_187 : memref<151552x8xbf16, #tpu.memory_space<vmem_shared>>) dst(%dma_wait3A_181 : memref<512x8xbf16, #tpu.memory_space<vmem>>)
      %add3A_188 = arith.constant 1 : i32
      %add3A_189 = arith.addi %scan3A_177, %add3A_188 : i32
      %lt3A = arith.constant 40 : i32
      %lt3A_190 = arith.cmpi slt, %add3A_189, %lt3A : i32
      %convert_element_type3A = arith.extui %lt3A_190 : i1 to i32
      %cond3A = arith.constant 0 : i32
      %cond3A_191 = arith.cmpi ne, %convert_element_type3A, %cond3A : i32
      scf.if %cond3A_191 {
        %add3A_192 = arith.constant 1 : i32
        %add3A_193 = arith.addi %scan3A_177, %add3A_192 : i32
        %sub3A = arith.constant 1 : i32
        %sub3A_194 = arith.subi %sub3A, %rem3A_178 : i32
        %dma_start3A_195 = arith.constant 0 : i32
        %dma_start3A_196 = arith.constant 0 : i32
        %dma_start3A_197 = tpu.memref_slice %arg11[%sub3A_194, %dma_start3A_195, %dma_start3A_196] : memref<2x512x8xbf16, #tpu.memory_space<vmem>> -> memref<1x512x8xbf16, #tpu.memory_space<vmem>>
        %dma_start3A_198 = tpu.memref_squeeze %dma_start3A_197 : memref<1x512x8xbf16, #tpu.memory_space<vmem>> -> memref<512x8xbf16, #tpu.memory_space<vmem>>
        %dma_start3A_199 = arith.constant 0 : i32
        %dma_start3A_200 = tpu.memref_slice %arg9[%add3A_193, %dma_start3A_199] : memref<40x512xi32, #tpu.memory_space<vmem>> -> memref<1x512xi32, #tpu.memory_space<vmem>>
        %dma_start3A_201 = tpu.memref_squeeze %dma_start3A_200 : memref<1x512xi32, #tpu.memory_space<vmem>> -> memref<512xi32, #tpu.memory_space<vmem>>
        %dma_start3A_202 = arith.constant 0 : i32
        %dma_start3A_203 = arith.constant 0 : i32
        %dma_start3A_204 = tpu.memref_slice %arg8[%dma_start3A_202, %dma_start3A_203] : memref<151552x8xbf16, #tpu.memory_space<vmem_shared>> -> memref<151552x8xbf16, #tpu.memory_space<vmem_shared>>
        tpu.enqueue_indirect_dma source(%dma_start3A_204 : memref<151552x8xbf16, #tpu.memory_space<vmem_shared>>) target(%dma_start3A_198 : memref<512x8xbf16, #tpu.memory_space<vmem>>) offsets(%dma_start3A_201 : memref<512xi32, #tpu.memory_space<vmem>>) semaphore(%arg12 : memref<!tpu.dma_semaphore, #tpu.memory_space<semaphore_mem>>)
      } else {
      }
      "tpu.region"() ({
        %run_scoped3A = tpu.sem_alloc : memref<!tpu.dma_semaphore, #tpu.memory_space<semaphore_mem>>
        %dma_start3A_192 = arith.constant 0 : i32
        %dma_start3A_193 = arith.constant 0 : i32
        %dma_start3A_194 = tpu.memref_slice %arg11[%rem3A_178, %dma_start3A_192, %dma_start3A_193] : memref<2x512x8xbf16, #tpu.memory_space<vmem>> -> memref<1x512x8xbf16, #tpu.memory_space<vmem>>
        %dma_start3A_195 = tpu.memref_squeeze %dma_start3A_194 : memref<1x512x8xbf16, #tpu.memory_space<vmem>> -> memref<512x8xbf16, #tpu.memory_space<vmem>>
        %dma_start3A_196 = arith.constant 0 : i32
        %dma_start3A_197 = tpu.memref_slice %arg10[%scan3A_177, %dma_start3A_196] : memref<40x512xi32, #tpu.memory_space<vmem>> -> memref<1x512xi32, #tpu.memory_space<vmem>>
        %dma_start3A_198 = tpu.memref_squeeze %dma_start3A_197 : memref<1x512xi32, #tpu.memory_space<vmem>> -> memref<512xi32, #tpu.memory_space<vmem>>
        %dma_start3A_199 = arith.constant 0 : i32
        %dma_start3A_200 = arith.constant 0 : i32
        %dma_start3A_201 = tpu.memref_slice %arg7[%dma_start3A_199, %dma_start3A_200] : memref<151552x8xbf16, #tpu.memory_space<vmem_shared>> -> memref<151552x8xbf16, #tpu.memory_space<vmem_shared>>
        tpu.enqueue_indirect_dma source(%dma_start3A_195 : memref<512x8xbf16, #tpu.memory_space<vmem>>) target(%dma_start3A_201 : memref<151552x8xbf16, #tpu.memory_space<vmem_shared>>) offsets(%dma_start3A_198 : memref<512xi32, #tpu.memory_space<vmem>>) semaphore(%run_scoped3A : memref<!tpu.dma_semaphore, #tpu.memory_space<semaphore_mem>>) {add = true}
        %dma_wait3A_202 = arith.constant 0 : i32
        %dma_wait3A_203 = arith.constant 0 : i32
        %dma_wait3A_204 = tpu.memref_slice %arg11[%rem3A_178, %dma_wait3A_202, %dma_wait3A_203] : memref<2x512x8xbf16, #tpu.memory_space<vmem>> -> memref<1x512x8xbf16, #tpu.memory_space<vmem>>
        %dma_wait3A_205 = tpu.memref_squeeze %dma_wait3A_204 : memref<1x512x8xbf16, #tpu.memory_space<vmem>> -> memref<512x8xbf16, #tpu.memory_space<vmem>>
        %dma_wait3A_206 = arith.constant 0 : i32
        %dma_wait3A_207 = tpu.memref_slice %arg10[%scan3A_177, %dma_wait3A_206] : memref<40x512xi32, #tpu.memory_space<vmem>> -> memref<1x512xi32, #tpu.memory_space<vmem>>
        %dma_wait3A_208 = tpu.memref_squeeze %dma_wait3A_207 : memref<1x512xi32, #tpu.memory_space<vmem>> -> memref<512xi32, #tpu.memory_space<vmem>>
        %dma_wait3A_209 = arith.constant 0 : i32
        %dma_wait3A_210 = arith.constant 0 : i32
        %dma_wait3A_211 = tpu.memref_slice %arg7[%dma_wait3A_209, %dma_wait3A_210] : memref<151552x8xbf16, #tpu.memory_space<vmem_shared>> -> memref<151552x8xbf16, #tpu.memory_space<vmem_shared>>
        tpu.wait_indirect_dma semaphore(%run_scoped3A : memref<!tpu.dma_semaphore, #tpu.memory_space<semaphore_mem>>) src(%dma_wait3A_205 : memref<512x8xbf16, #tpu.memory_space<vmem>>) dst(%dma_wait3A_211 : memref<151552x8xbf16, #tpu.memory_space<vmem_shared>>)
        tpu.yield
      }) : () -> ()
    }
    %scan3A_153 = arith.constant 40 : i32
    %add3A_154 = arith.constant 280 : i32
    %add3A_155 = arith.addi %mul3A_2, %add3A_154 : i32
    "tpu.region"() ({
      %run_scoped3A = tpu.sem_alloc : memref<!tpu.dma_semaphore, #tpu.memory_space<semaphore_mem>>
      %dma_start3A_177 = arith.constant 0 : i32
      %dma_start3A_178 = tpu.memref_slice %arg2[%add3A_155, %dma_start3A_177] : memref<5120x512xi32, #tpu.memory_space<hbm>> -> memref<40x512xi32, #tpu.memory_space<hbm>>
      %dma_start3A_179 = arith.constant 0 : i32
      %dma_start3A_180 = tpu.memref_slice %arg2[%add3A_155, %dma_start3A_179] : memref<5120x512xi32, #tpu.memory_space<hbm>> -> memref<40x512xi32, #tpu.memory_space<hbm>>
      tpu.enqueue_dma source(%dma_start3A_180 : memref<40x512xi32, #tpu.memory_space<hbm>>) target(%arg9 : memref<40x512xi32, #tpu.memory_space<vmem>>) target_semaphore(%run_scoped3A : memref<!tpu.dma_semaphore, #tpu.memory_space<semaphore_mem>>)
      %dma_wait3A = arith.constant 0 : i32
      %dma_wait3A_181 = tpu.memref_slice %arg2[%add3A_155, %dma_wait3A] : memref<5120x512xi32, #tpu.memory_space<hbm>> -> memref<40x512xi32, #tpu.memory_space<hbm>>
      %dma_wait3A_182 = arith.constant 0 : i32
      %dma_wait3A_183 = tpu.memref_slice %arg2[%add3A_155, %dma_wait3A_182] : memref<5120x512xi32, #tpu.memory_space<hbm>> -> memref<40x512xi32, #tpu.memory_space<hbm>>
      tpu.wait_dma2 semaphore(%run_scoped3A : memref<!tpu.dma_semaphore, #tpu.memory_space<semaphore_mem>>) src(%dma_wait3A_183 : memref<40x512xi32, #tpu.memory_space<hbm>>) dst(%arg9 : memref<40x512xi32, #tpu.memory_space<vmem>>)
      tpu.yield
    }) : () -> ()
    %add3A_156 = arith.constant 280 : i32
    %add3A_157 = arith.addi %mul3A_2, %add3A_156 : i32
    "tpu.region"() ({
      %run_scoped3A = tpu.sem_alloc : memref<!tpu.dma_semaphore, #tpu.memory_space<semaphore_mem>>
      %dma_start3A_177 = arith.constant 0 : i32
      %dma_start3A_178 = tpu.memref_slice %arg3[%add3A_157, %dma_start3A_177] : memref<5120x512xi32, #tpu.memory_space<hbm>> -> memref<40x512xi32, #tpu.memory_space<hbm>>
      %dma_start3A_179 = arith.constant 0 : i32
      %dma_start3A_180 = tpu.memref_slice %arg3[%add3A_157, %dma_start3A_179] : memref<5120x512xi32, #tpu.memory_space<hbm>> -> memref<40x512xi32, #tpu.memory_space<hbm>>
      tpu.enqueue_dma source(%dma_start3A_180 : memref<40x512xi32, #tpu.memory_space<hbm>>) target(%arg10 : memref<40x512xi32, #tpu.memory_space<vmem>>) target_semaphore(%run_scoped3A : memref<!tpu.dma_semaphore, #tpu.memory_space<semaphore_mem>>)
      %dma_wait3A = arith.constant 0 : i32
      %dma_wait3A_181 = tpu.memref_slice %arg3[%add3A_157, %dma_wait3A] : memref<5120x512xi32, #tpu.memory_space<hbm>> -> memref<40x512xi32, #tpu.memory_space<hbm>>
      %dma_wait3A_182 = arith.constant 0 : i32
      %dma_wait3A_183 = tpu.memref_slice %arg3[%add3A_157, %dma_wait3A_182] : memref<5120x512xi32, #tpu.memory_space<hbm>> -> memref<40x512xi32, #tpu.memory_space<hbm>>
      tpu.wait_dma2 semaphore(%run_scoped3A : memref<!tpu.dma_semaphore, #tpu.memory_space<semaphore_mem>>) src(%dma_wait3A_183 : memref<40x512xi32, #tpu.memory_space<hbm>>) dst(%arg10 : memref<40x512xi32, #tpu.memory_space<vmem>>)
      tpu.yield
    }) : () -> ()
    %dma_start3A_158 = arith.constant 0 : i32
    %dma_start3A_159 = arith.constant 0 : i32
    %dma_start3A_160 = arith.constant 0 : i32
    %dma_start3A_161 = arith.constant 0 : i32
    %dma_start3A_162 = tpu.memref_slice %arg11[%dma_start3A_159, %dma_start3A_160, %dma_start3A_161] : memref<2x512x8xbf16, #tpu.memory_space<vmem>> -> memref<1x512x8xbf16, #tpu.memory_space<vmem>>
    %dma_start3A_163 = tpu.memref_squeeze %dma_start3A_162 : memref<1x512x8xbf16, #tpu.memory_space<vmem>> -> memref<512x8xbf16, #tpu.memory_space<vmem>>
    %dma_start3A_164 = arith.constant 0 : i32
    %dma_start3A_165 = tpu.memref_slice %arg9[%dma_start3A_158, %dma_start3A_164] : memref<40x512xi32, #tpu.memory_space<vmem>> -> memref<1x512xi32, #tpu.memory_space<vmem>>
    %dma_start3A_166 = tpu.memref_squeeze %dma_start3A_165 : memref<1x512xi32, #tpu.memory_space<vmem>> -> memref<512xi32, #tpu.memory_space<vmem>>
    %dma_start3A_167 = arith.constant 0 : i32
    %dma_start3A_168 = arith.constant 0 : i32
    %dma_start3A_169 = tpu.memref_slice %arg8[%dma_start3A_167, %dma_start3A_168] : memref<151552x8xbf16, #tpu.memory_space<vmem_shared>> -> memref<151552x8xbf16, #tpu.memory_space<vmem_shared>>
    tpu.enqueue_indirect_dma source(%dma_start3A_169 : memref<151552x8xbf16, #tpu.memory_space<vmem_shared>>) target(%dma_start3A_163 : memref<512x8xbf16, #tpu.memory_space<vmem>>) offsets(%dma_start3A_166 : memref<512xi32, #tpu.memory_space<vmem>>) semaphore(%arg12 : memref<!tpu.dma_semaphore, #tpu.memory_space<semaphore_mem>>)
    %scan3A_170 = arith.constant 0 : i32
    %scan3A_171 = arith.constant 0 : i32
    %scan3A_172 = arith.constant 40 : i32
    %scan3A_173 = arith.addi %scan3A_171, %scan3A_172 : i32
    %scan3A_174 = arith.constant 1 : i32
    scf.for %scan3A_177 = %scan3A_171 to %scan3A_173 step %scan3A_174  : i32 {
      %rem3A = arith.constant 2 : i32
      %rem3A_178 = arith.remsi %scan3A_177, %rem3A : i32
      %dma_wait3A = arith.constant 0 : i32
      %dma_wait3A_179 = arith.constant 0 : i32
      %dma_wait3A_180 = tpu.memref_slice %arg11[%rem3A_178, %dma_wait3A, %dma_wait3A_179] : memref<2x512x8xbf16, #tpu.memory_space<vmem>> -> memref<1x512x8xbf16, #tpu.memory_space<vmem>>
      %dma_wait3A_181 = tpu.memref_squeeze %dma_wait3A_180 : memref<1x512x8xbf16, #tpu.memory_space<vmem>> -> memref<512x8xbf16, #tpu.memory_space<vmem>>
      %dma_wait3A_182 = arith.constant 0 : i32
      %dma_wait3A_183 = tpu.memref_slice %arg9[%scan3A_177, %dma_wait3A_182] : memref<40x512xi32, #tpu.memory_space<vmem>> -> memref<1x512xi32, #tpu.memory_space<vmem>>
      %dma_wait3A_184 = tpu.memref_squeeze %dma_wait3A_183 : memref<1x512xi32, #tpu.memory_space<vmem>> -> memref<512xi32, #tpu.memory_space<vmem>>
      %dma_wait3A_185 = arith.constant 0 : i32
      %dma_wait3A_186 = arith.constant 0 : i32
      %dma_wait3A_187 = tpu.memref_slice %arg8[%dma_wait3A_185, %dma_wait3A_186] : memref<151552x8xbf16, #tpu.memory_space<vmem_shared>> -> memref<151552x8xbf16, #tpu.memory_space<vmem_shared>>
      tpu.wait_indirect_dma semaphore(%arg12 : memref<!tpu.dma_semaphore, #tpu.memory_space<semaphore_mem>>) src(%dma_wait3A_187 : memref<151552x8xbf16, #tpu.memory_space<vmem_shared>>) dst(%dma_wait3A_181 : memref<512x8xbf16, #tpu.memory_space<vmem>>)
      %add3A_188 = arith.constant 1 : i32
      %add3A_189 = arith.addi %scan3A_177, %add3A_188 : i32
      %lt3A = arith.constant 40 : i32
      %lt3A_190 = arith.cmpi slt, %add3A_189, %lt3A : i32
      %convert_element_type3A = arith.extui %lt3A_190 : i1 to i32
      %cond3A = arith.constant 0 : i32
      %cond3A_191 = arith.cmpi ne, %convert_element_type3A, %cond3A : i32
      scf.if %cond3A_191 {
        %add3A_192 = arith.constant 1 : i32
        %add3A_193 = arith.addi %scan3A_177, %add3A_192 : i32
        %sub3A = arith.constant 1 : i32
        %sub3A_194 = arith.subi %sub3A, %rem3A_178 : i32
        %dma_start3A_195 = arith.constant 0 : i32
        %dma_start3A_196 = arith.constant 0 : i32
        %dma_start3A_197 = tpu.memref_slice %arg11[%sub3A_194, %dma_start3A_195, %dma_start3A_196] : memref<2x512x8xbf16, #tpu.memory_space<vmem>> -> memref<1x512x8xbf16, #tpu.memory_space<vmem>>
        %dma_start3A_198 = tpu.memref_squeeze %dma_start3A_197 : memref<1x512x8xbf16, #tpu.memory_space<vmem>> -> memref<512x8xbf16, #tpu.memory_space<vmem>>
        %dma_start3A_199 = arith.constant 0 : i32
        %dma_start3A_200 = tpu.memref_slice %arg9[%add3A_193, %dma_start3A_199] : memref<40x512xi32, #tpu.memory_space<vmem>> -> memref<1x512xi32, #tpu.memory_space<vmem>>
        %dma_start3A_201 = tpu.memref_squeeze %dma_start3A_200 : memref<1x512xi32, #tpu.memory_space<vmem>> -> memref<512xi32, #tpu.memory_space<vmem>>
        %dma_start3A_202 = arith.constant 0 : i32
        %dma_start3A_203 = arith.constant 0 : i32
        %dma_start3A_204 = tpu.memref_slice %arg8[%dma_start3A_202, %dma_start3A_203] : memref<151552x8xbf16, #tpu.memory_space<vmem_shared>> -> memref<151552x8xbf16, #tpu.memory_space<vmem_shared>>
        tpu.enqueue_indirect_dma source(%dma_start3A_204 : memref<151552x8xbf16, #tpu.memory_space<vmem_shared>>) target(%dma_start3A_198 : memref<512x8xbf16, #tpu.memory_space<vmem>>) offsets(%dma_start3A_201 : memref<512xi32, #tpu.memory_space<vmem>>) semaphore(%arg12 : memref<!tpu.dma_semaphore, #tpu.memory_space<semaphore_mem>>)
      } else {
      }
      "tpu.region"() ({
        %run_scoped3A = tpu.sem_alloc : memref<!tpu.dma_semaphore, #tpu.memory_space<semaphore_mem>>
        %dma_start3A_192 = arith.constant 0 : i32
        %dma_start3A_193 = arith.constant 0 : i32
        %dma_start3A_194 = tpu.memref_slice %arg11[%rem3A_178, %dma_start3A_192, %dma_start3A_193] : memref<2x512x8xbf16, #tpu.memory_space<vmem>> -> memref<1x512x8xbf16, #tpu.memory_space<vmem>>
        %dma_start3A_195 = tpu.memref_squeeze %dma_start3A_194 : memref<1x512x8xbf16, #tpu.memory_space<vmem>> -> memref<512x8xbf16, #tpu.memory_space<vmem>>
        %dma_start3A_196 = arith.constant 0 : i32
        %dma_start3A_197 = tpu.memref_slice %arg10[%scan3A_177, %dma_start3A_196] : memref<40x512xi32, #tpu.memory_space<vmem>> -> memref<1x512xi32, #tpu.memory_space<vmem>>
        %dma_start3A_198 = tpu.memref_squeeze %dma_start3A_197 : memref<1x512xi32, #tpu.memory_space<vmem>> -> memref<512xi32, #tpu.memory_space<vmem>>
        %dma_start3A_199 = arith.constant 0 : i32
        %dma_start3A_200 = arith.constant 0 : i32
        %dma_start3A_201 = tpu.memref_slice %arg7[%dma_start3A_199, %dma_start3A_200] : memref<151552x8xbf16, #tpu.memory_space<vmem_shared>> -> memref<151552x8xbf16, #tpu.memory_space<vmem_shared>>
        tpu.enqueue_indirect_dma source(%dma_start3A_195 : memref<512x8xbf16, #tpu.memory_space<vmem>>) target(%dma_start3A_201 : memref<151552x8xbf16, #tpu.memory_space<vmem_shared>>) offsets(%dma_start3A_198 : memref<512xi32, #tpu.memory_space<vmem>>) semaphore(%run_scoped3A : memref<!tpu.dma_semaphore, #tpu.memory_space<semaphore_mem>>) {add = true}
        %dma_wait3A_202 = arith.constant 0 : i32
        %dma_wait3A_203 = arith.constant 0 : i32
        %dma_wait3A_204 = tpu.memref_slice %arg11[%rem3A_178, %dma_wait3A_202, %dma_wait3A_203] : memref<2x512x8xbf16, #tpu.memory_space<vmem>> -> memref<1x512x8xbf16, #tpu.memory_space<vmem>>
        %dma_wait3A_205 = tpu.memref_squeeze %dma_wait3A_204 : memref<1x512x8xbf16, #tpu.memory_space<vmem>> -> memref<512x8xbf16, #tpu.memory_space<vmem>>
        %dma_wait3A_206 = arith.constant 0 : i32
        %dma_wait3A_207 = tpu.memref_slice %arg10[%scan3A_177, %dma_wait3A_206] : memref<40x512xi32, #tpu.memory_space<vmem>> -> memref<1x512xi32, #tpu.memory_space<vmem>>
        %dma_wait3A_208 = tpu.memref_squeeze %dma_wait3A_207 : memref<1x512xi32, #tpu.memory_space<vmem>> -> memref<512xi32, #tpu.memory_space<vmem>>
        %dma_wait3A_209 = arith.constant 0 : i32
        %dma_wait3A_210 = arith.constant 0 : i32
        %dma_wait3A_211 = tpu.memref_slice %arg7[%dma_wait3A_209, %dma_wait3A_210] : memref<151552x8xbf16, #tpu.memory_space<vmem_shared>> -> memref<151552x8xbf16, #tpu.memory_space<vmem_shared>>
        tpu.wait_indirect_dma semaphore(%run_scoped3A : memref<!tpu.dma_semaphore, #tpu.memory_space<semaphore_mem>>) src(%dma_wait3A_205 : memref<512x8xbf16, #tpu.memory_space<vmem>>) dst(%dma_wait3A_211 : memref<151552x8xbf16, #tpu.memory_space<vmem_shared>>)
        tpu.yield
      }) : () -> ()
    }
    %scan3A_175 = arith.constant 40 : i32
    %barrier3A_176 = arith.constant 0 : index
    tpu.barrier barrier_id(%barrier3A_176)
    "tpu.region"() ({
      %run_scoped3A = tpu.sem_alloc : memref<!tpu.dma_semaphore, #tpu.memory_space<semaphore_mem>>
      %dma_start3A_177 = arith.constant 0 : i32
      %dma_start3A_178 = tpu.memref_slice %arg6[%mul3A_0, %dma_start3A_177] : memref<151552x8xbf16, #tpu.memory_space<hbm>> -> memref<9472x8xbf16, #tpu.memory_space<hbm>>
      %dma_start3A_179 = arith.constant 0 : i32
      %dma_start3A_180 = tpu.memref_slice %arg7[%mul3A_0, %dma_start3A_179] : memref<151552x8xbf16, #tpu.memory_space<vmem_shared>> -> memref<9472x8xbf16, #tpu.memory_space<vmem_shared>>
      tpu.enqueue_dma source(%dma_start3A_180 : memref<9472x8xbf16, #tpu.memory_space<vmem_shared>>) target(%dma_start3A_178 : memref<9472x8xbf16, #tpu.memory_space<hbm>>) target_semaphore(%run_scoped3A : memref<!tpu.dma_semaphore, #tpu.memory_space<semaphore_mem>>)
      %dma_wait3A = arith.constant 0 : i32
      %dma_wait3A_181 = tpu.memref_slice %arg6[%mul3A_0, %dma_wait3A] : memref<151552x8xbf16, #tpu.memory_space<hbm>> -> memref<9472x8xbf16, #tpu.memory_space<hbm>>
      %dma_wait3A_182 = arith.constant 0 : i32
      %dma_wait3A_183 = tpu.memref_slice %arg7[%mul3A_0, %dma_wait3A_182] : memref<151552x8xbf16, #tpu.memory_space<vmem_shared>> -> memref<9472x8xbf16, #tpu.memory_space<vmem_shared>>
      tpu.wait_dma2 semaphore(%run_scoped3A : memref<!tpu.dma_semaphore, #tpu.memory_space<semaphore_mem>>) src(%dma_wait3A_183 : memref<9472x8xbf16, #tpu.memory_space<vmem_shared>>) dst(%dma_wait3A_181 : memref<9472x8xbf16, #tpu.memory_space<hbm>>)
      tpu.yield
    }) : () -> ()
    return
  }
}

#map = affine_map<(d0, d1) -> (0, 0)>
module attributes {stable_mosaic.version = 14 : i64} {
  func.func @_deg_body(%arg0: i32, %arg1: i32, %arg2: memref<5120x512xi32, #tpu.memory_space<hbm>>, %arg3: memref<512x8xf32, #tpu.memory_space<hbm>>, %arg4: memref<9472x8xf32, #tpu.memory_space<hbm>>, %arg5: memref<151552x8xf32, #tpu.memory_space<hbm>>, %arg6: memref<151552x8xf32, #tpu.memory_space<vmem_shared>>, %arg7: memref<512x8xf32, #tpu.memory_space<vmem>>, %arg8: memref<40x512xi32, #tpu.memory_space<vmem>>) attributes {dimension_semantics = [#tpu.dimension_semantics<core_parallel>, #tpu.dimension_semantics<subcore_parallel>], iteration_bounds = array<i64: 1, 16>, scalar_prefetch = 0 : i64, scratch_operands = 3 : i64, tpu.core_type = #tpu.core_type<sc_vector_subcore>, window_params = [{transform_indices = #map}, {transform_indices = #map}, {transform_indices = #map}, {transform_indices = #map}]} {
    %mul3A = arith.constant 9472 : i32
    %mul3A_0 = arith.muli %arg1, %mul3A : i32
    "tpu.region"() ({
      %run_scoped3A = tpu.sem_alloc : memref<!tpu.dma_semaphore, #tpu.memory_space<semaphore_mem>>
      %dma_start3A = arith.constant 0 : i32
      %dma_start3A_66 = tpu.memref_slice %arg6[%mul3A_0, %dma_start3A] : memref<151552x8xf32, #tpu.memory_space<vmem_shared>> -> memref<9472x8xf32, #tpu.memory_space<vmem_shared>>
      tpu.enqueue_dma source(%arg4 : memref<9472x8xf32, #tpu.memory_space<hbm>>) target(%dma_start3A_66 : memref<9472x8xf32, #tpu.memory_space<vmem_shared>>) target_semaphore(%run_scoped3A : memref<!tpu.dma_semaphore, #tpu.memory_space<semaphore_mem>>)
      %dma_wait3A = arith.constant 0 : i32
      %dma_wait3A_67 = tpu.memref_slice %arg6[%mul3A_0, %dma_wait3A] : memref<151552x8xf32, #tpu.memory_space<vmem_shared>> -> memref<9472x8xf32, #tpu.memory_space<vmem_shared>>
      tpu.wait_dma2 semaphore(%run_scoped3A : memref<!tpu.dma_semaphore, #tpu.memory_space<semaphore_mem>>) src(%arg4 : memref<9472x8xf32, #tpu.memory_space<hbm>>) dst(%dma_wait3A_67 : memref<9472x8xf32, #tpu.memory_space<vmem_shared>>)
      tpu.yield
    }) : () -> ()
    %barrier3A = arith.constant 0 : index
    tpu.barrier barrier_id(%barrier3A)
    "tpu.region"() ({
      %run_scoped3A = tpu.sem_alloc : memref<!tpu.dma_semaphore, #tpu.memory_space<semaphore_mem>>
      tpu.enqueue_dma source(%arg3 : memref<512x8xf32, #tpu.memory_space<hbm>>) target(%arg7 : memref<512x8xf32, #tpu.memory_space<vmem>>) target_semaphore(%run_scoped3A : memref<!tpu.dma_semaphore, #tpu.memory_space<semaphore_mem>>)
      tpu.wait_dma2 semaphore(%run_scoped3A : memref<!tpu.dma_semaphore, #tpu.memory_space<semaphore_mem>>) src(%arg3 : memref<512x8xf32, #tpu.memory_space<hbm>>) dst(%arg7 : memref<512x8xf32, #tpu.memory_space<vmem>>)
      tpu.yield
    }) : () -> ()
    %mul3A_1 = arith.constant 320 : i32
    %mul3A_2 = arith.muli %arg1, %mul3A_1 : i32
    %add3A = arith.constant 0 : i32
    %add3A_3 = arith.addi %mul3A_2, %add3A : i32
    "tpu.region"() ({
      %run_scoped3A = tpu.sem_alloc : memref<!tpu.dma_semaphore, #tpu.memory_space<semaphore_mem>>
      %dma_start3A = arith.constant 0 : i32
      %dma_start3A_66 = tpu.memref_slice %arg2[%add3A_3, %dma_start3A] : memref<5120x512xi32, #tpu.memory_space<hbm>> -> memref<40x512xi32, #tpu.memory_space<hbm>>
      %dma_start3A_67 = arith.constant 0 : i32
      %dma_start3A_68 = tpu.memref_slice %arg2[%add3A_3, %dma_start3A_67] : memref<5120x512xi32, #tpu.memory_space<hbm>> -> memref<40x512xi32, #tpu.memory_space<hbm>>
      tpu.enqueue_dma source(%dma_start3A_68 : memref<40x512xi32, #tpu.memory_space<hbm>>) target(%arg8 : memref<40x512xi32, #tpu.memory_space<vmem>>) target_semaphore(%run_scoped3A : memref<!tpu.dma_semaphore, #tpu.memory_space<semaphore_mem>>)
      %dma_wait3A = arith.constant 0 : i32
      %dma_wait3A_69 = tpu.memref_slice %arg2[%add3A_3, %dma_wait3A] : memref<5120x512xi32, #tpu.memory_space<hbm>> -> memref<40x512xi32, #tpu.memory_space<hbm>>
      %dma_wait3A_70 = arith.constant 0 : i32
      %dma_wait3A_71 = tpu.memref_slice %arg2[%add3A_3, %dma_wait3A_70] : memref<5120x512xi32, #tpu.memory_space<hbm>> -> memref<40x512xi32, #tpu.memory_space<hbm>>
      tpu.wait_dma2 semaphore(%run_scoped3A : memref<!tpu.dma_semaphore, #tpu.memory_space<semaphore_mem>>) src(%dma_wait3A_71 : memref<40x512xi32, #tpu.memory_space<hbm>>) dst(%arg8 : memref<40x512xi32, #tpu.memory_space<vmem>>)
      tpu.yield
    }) : () -> ()
    %scan3A = arith.constant 0 : i32
    %scan3A_4 = arith.constant 0 : i32
    %scan3A_5 = arith.constant 40 : i32
    %scan3A_6 = arith.addi %scan3A_4, %scan3A_5 : i32
    %scan3A_7 = arith.constant 1 : i32
    scf.for %scan3A_66 = %scan3A_4 to %scan3A_6 step %scan3A_7  : i32 {
      "tpu.region"() ({
        %run_scoped3A = tpu.sem_alloc : memref<!tpu.dma_semaphore, #tpu.memory_space<semaphore_mem>>
        %dma_start3A = arith.constant 0 : i32
        %dma_start3A_67 = tpu.memref_slice %arg8[%scan3A_66, %dma_start3A] : memref<40x512xi32, #tpu.memory_space<vmem>> -> memref<1x512xi32, #tpu.memory_space<vmem>>
        %dma_start3A_68 = tpu.memref_squeeze %dma_start3A_67 : memref<1x512xi32, #tpu.memory_space<vmem>> -> memref<512xi32, #tpu.memory_space<vmem>>
        %dma_start3A_69 = arith.constant 0 : i32
        %dma_start3A_70 = arith.constant 0 : i32
        %dma_start3A_71 = tpu.memref_slice %arg6[%dma_start3A_69, %dma_start3A_70] : memref<151552x8xf32, #tpu.memory_space<vmem_shared>> -> memref<151552x8xf32, #tpu.memory_space<vmem_shared>>
        tpu.enqueue_indirect_dma source(%arg7 : memref<512x8xf32, #tpu.memory_space<vmem>>) target(%dma_start3A_71 : memref<151552x8xf32, #tpu.memory_space<vmem_shared>>) offsets(%dma_start3A_68 : memref<512xi32, #tpu.memory_space<vmem>>) semaphore(%run_scoped3A : memref<!tpu.dma_semaphore, #tpu.memory_space<semaphore_mem>>) {add = true}
        %dma_wait3A = arith.constant 0 : i32
        %dma_wait3A_72 = tpu.memref_slice %arg8[%scan3A_66, %dma_wait3A] : memref<40x512xi32, #tpu.memory_space<vmem>> -> memref<1x512xi32, #tpu.memory_space<vmem>>
        %dma_wait3A_73 = tpu.memref_squeeze %dma_wait3A_72 : memref<1x512xi32, #tpu.memory_space<vmem>> -> memref<512xi32, #tpu.memory_space<vmem>>
        %dma_wait3A_74 = arith.constant 0 : i32
        %dma_wait3A_75 = arith.constant 0 : i32
        %dma_wait3A_76 = tpu.memref_slice %arg6[%dma_wait3A_74, %dma_wait3A_75] : memref<151552x8xf32, #tpu.memory_space<vmem_shared>> -> memref<151552x8xf32, #tpu.memory_space<vmem_shared>>
        tpu.wait_indirect_dma semaphore(%run_scoped3A : memref<!tpu.dma_semaphore, #tpu.memory_space<semaphore_mem>>) src(%arg7 : memref<512x8xf32, #tpu.memory_space<vmem>>) dst(%dma_wait3A_76 : memref<151552x8xf32, #tpu.memory_space<vmem_shared>>)
        tpu.yield
      }) : () -> ()
    }
    %scan3A_8 = arith.constant 40 : i32
    %add3A_9 = arith.constant 40 : i32
    %add3A_10 = arith.addi %mul3A_2, %add3A_9 : i32
    "tpu.region"() ({
      %run_scoped3A = tpu.sem_alloc : memref<!tpu.dma_semaphore, #tpu.memory_space<semaphore_mem>>
      %dma_start3A = arith.constant 0 : i32
      %dma_start3A_66 = tpu.memref_slice %arg2[%add3A_10, %dma_start3A] : memref<5120x512xi32, #tpu.memory_space<hbm>> -> memref<40x512xi32, #tpu.memory_space<hbm>>
      %dma_start3A_67 = arith.constant 0 : i32
      %dma_start3A_68 = tpu.memref_slice %arg2[%add3A_10, %dma_start3A_67] : memref<5120x512xi32, #tpu.memory_space<hbm>> -> memref<40x512xi32, #tpu.memory_space<hbm>>
      tpu.enqueue_dma source(%dma_start3A_68 : memref<40x512xi32, #tpu.memory_space<hbm>>) target(%arg8 : memref<40x512xi32, #tpu.memory_space<vmem>>) target_semaphore(%run_scoped3A : memref<!tpu.dma_semaphore, #tpu.memory_space<semaphore_mem>>)
      %dma_wait3A = arith.constant 0 : i32
      %dma_wait3A_69 = tpu.memref_slice %arg2[%add3A_10, %dma_wait3A] : memref<5120x512xi32, #tpu.memory_space<hbm>> -> memref<40x512xi32, #tpu.memory_space<hbm>>
      %dma_wait3A_70 = arith.constant 0 : i32
      %dma_wait3A_71 = tpu.memref_slice %arg2[%add3A_10, %dma_wait3A_70] : memref<5120x512xi32, #tpu.memory_space<hbm>> -> memref<40x512xi32, #tpu.memory_space<hbm>>
      tpu.wait_dma2 semaphore(%run_scoped3A : memref<!tpu.dma_semaphore, #tpu.memory_space<semaphore_mem>>) src(%dma_wait3A_71 : memref<40x512xi32, #tpu.memory_space<hbm>>) dst(%arg8 : memref<40x512xi32, #tpu.memory_space<vmem>>)
      tpu.yield
    }) : () -> ()
    %scan3A_11 = arith.constant 0 : i32
    %scan3A_12 = arith.constant 0 : i32
    %scan3A_13 = arith.constant 40 : i32
    %scan3A_14 = arith.addi %scan3A_12, %scan3A_13 : i32
    %scan3A_15 = arith.constant 1 : i32
    scf.for %scan3A_66 = %scan3A_12 to %scan3A_14 step %scan3A_15  : i32 {
      "tpu.region"() ({
        %run_scoped3A = tpu.sem_alloc : memref<!tpu.dma_semaphore, #tpu.memory_space<semaphore_mem>>
        %dma_start3A = arith.constant 0 : i32
        %dma_start3A_67 = tpu.memref_slice %arg8[%scan3A_66, %dma_start3A] : memref<40x512xi32, #tpu.memory_space<vmem>> -> memref<1x512xi32, #tpu.memory_space<vmem>>
        %dma_start3A_68 = tpu.memref_squeeze %dma_start3A_67 : memref<1x512xi32, #tpu.memory_space<vmem>> -> memref<512xi32, #tpu.memory_space<vmem>>
        %dma_start3A_69 = arith.constant 0 : i32
        %dma_start3A_70 = arith.constant 0 : i32
        %dma_start3A_71 = tpu.memref_slice %arg6[%dma_start3A_69, %dma_start3A_70] : memref<151552x8xf32, #tpu.memory_space<vmem_shared>> -> memref<151552x8xf32, #tpu.memory_space<vmem_shared>>
        tpu.enqueue_indirect_dma source(%arg7 : memref<512x8xf32, #tpu.memory_space<vmem>>) target(%dma_start3A_71 : memref<151552x8xf32, #tpu.memory_space<vmem_shared>>) offsets(%dma_start3A_68 : memref<512xi32, #tpu.memory_space<vmem>>) semaphore(%run_scoped3A : memref<!tpu.dma_semaphore, #tpu.memory_space<semaphore_mem>>) {add = true}
        %dma_wait3A = arith.constant 0 : i32
        %dma_wait3A_72 = tpu.memref_slice %arg8[%scan3A_66, %dma_wait3A] : memref<40x512xi32, #tpu.memory_space<vmem>> -> memref<1x512xi32, #tpu.memory_space<vmem>>
        %dma_wait3A_73 = tpu.memref_squeeze %dma_wait3A_72 : memref<1x512xi32, #tpu.memory_space<vmem>> -> memref<512xi32, #tpu.memory_space<vmem>>
        %dma_wait3A_74 = arith.constant 0 : i32
        %dma_wait3A_75 = arith.constant 0 : i32
        %dma_wait3A_76 = tpu.memref_slice %arg6[%dma_wait3A_74, %dma_wait3A_75] : memref<151552x8xf32, #tpu.memory_space<vmem_shared>> -> memref<151552x8xf32, #tpu.memory_space<vmem_shared>>
        tpu.wait_indirect_dma semaphore(%run_scoped3A : memref<!tpu.dma_semaphore, #tpu.memory_space<semaphore_mem>>) src(%arg7 : memref<512x8xf32, #tpu.memory_space<vmem>>) dst(%dma_wait3A_76 : memref<151552x8xf32, #tpu.memory_space<vmem_shared>>)
        tpu.yield
      }) : () -> ()
    }
    %scan3A_16 = arith.constant 40 : i32
    %add3A_17 = arith.constant 80 : i32
    %add3A_18 = arith.addi %mul3A_2, %add3A_17 : i32
    "tpu.region"() ({
      %run_scoped3A = tpu.sem_alloc : memref<!tpu.dma_semaphore, #tpu.memory_space<semaphore_mem>>
      %dma_start3A = arith.constant 0 : i32
      %dma_start3A_66 = tpu.memref_slice %arg2[%add3A_18, %dma_start3A] : memref<5120x512xi32, #tpu.memory_space<hbm>> -> memref<40x512xi32, #tpu.memory_space<hbm>>
      %dma_start3A_67 = arith.constant 0 : i32
      %dma_start3A_68 = tpu.memref_slice %arg2[%add3A_18, %dma_start3A_67] : memref<5120x512xi32, #tpu.memory_space<hbm>> -> memref<40x512xi32, #tpu.memory_space<hbm>>
      tpu.enqueue_dma source(%dma_start3A_68 : memref<40x512xi32, #tpu.memory_space<hbm>>) target(%arg8 : memref<40x512xi32, #tpu.memory_space<vmem>>) target_semaphore(%run_scoped3A : memref<!tpu.dma_semaphore, #tpu.memory_space<semaphore_mem>>)
      %dma_wait3A = arith.constant 0 : i32
      %dma_wait3A_69 = tpu.memref_slice %arg2[%add3A_18, %dma_wait3A] : memref<5120x512xi32, #tpu.memory_space<hbm>> -> memref<40x512xi32, #tpu.memory_space<hbm>>
      %dma_wait3A_70 = arith.constant 0 : i32
      %dma_wait3A_71 = tpu.memref_slice %arg2[%add3A_18, %dma_wait3A_70] : memref<5120x512xi32, #tpu.memory_space<hbm>> -> memref<40x512xi32, #tpu.memory_space<hbm>>
      tpu.wait_dma2 semaphore(%run_scoped3A : memref<!tpu.dma_semaphore, #tpu.memory_space<semaphore_mem>>) src(%dma_wait3A_71 : memref<40x512xi32, #tpu.memory_space<hbm>>) dst(%arg8 : memref<40x512xi32, #tpu.memory_space<vmem>>)
      tpu.yield
    }) : () -> ()
    %scan3A_19 = arith.constant 0 : i32
    %scan3A_20 = arith.constant 0 : i32
    %scan3A_21 = arith.constant 40 : i32
    %scan3A_22 = arith.addi %scan3A_20, %scan3A_21 : i32
    %scan3A_23 = arith.constant 1 : i32
    scf.for %scan3A_66 = %scan3A_20 to %scan3A_22 step %scan3A_23  : i32 {
      "tpu.region"() ({
        %run_scoped3A = tpu.sem_alloc : memref<!tpu.dma_semaphore, #tpu.memory_space<semaphore_mem>>
        %dma_start3A = arith.constant 0 : i32
        %dma_start3A_67 = tpu.memref_slice %arg8[%scan3A_66, %dma_start3A] : memref<40x512xi32, #tpu.memory_space<vmem>> -> memref<1x512xi32, #tpu.memory_space<vmem>>
        %dma_start3A_68 = tpu.memref_squeeze %dma_start3A_67 : memref<1x512xi32, #tpu.memory_space<vmem>> -> memref<512xi32, #tpu.memory_space<vmem>>
        %dma_start3A_69 = arith.constant 0 : i32
        %dma_start3A_70 = arith.constant 0 : i32
        %dma_start3A_71 = tpu.memref_slice %arg6[%dma_start3A_69, %dma_start3A_70] : memref<151552x8xf32, #tpu.memory_space<vmem_shared>> -> memref<151552x8xf32, #tpu.memory_space<vmem_shared>>
        tpu.enqueue_indirect_dma source(%arg7 : memref<512x8xf32, #tpu.memory_space<vmem>>) target(%dma_start3A_71 : memref<151552x8xf32, #tpu.memory_space<vmem_shared>>) offsets(%dma_start3A_68 : memref<512xi32, #tpu.memory_space<vmem>>) semaphore(%run_scoped3A : memref<!tpu.dma_semaphore, #tpu.memory_space<semaphore_mem>>) {add = true}
        %dma_wait3A = arith.constant 0 : i32
        %dma_wait3A_72 = tpu.memref_slice %arg8[%scan3A_66, %dma_wait3A] : memref<40x512xi32, #tpu.memory_space<vmem>> -> memref<1x512xi32, #tpu.memory_space<vmem>>
        %dma_wait3A_73 = tpu.memref_squeeze %dma_wait3A_72 : memref<1x512xi32, #tpu.memory_space<vmem>> -> memref<512xi32, #tpu.memory_space<vmem>>
        %dma_wait3A_74 = arith.constant 0 : i32
        %dma_wait3A_75 = arith.constant 0 : i32
        %dma_wait3A_76 = tpu.memref_slice %arg6[%dma_wait3A_74, %dma_wait3A_75] : memref<151552x8xf32, #tpu.memory_space<vmem_shared>> -> memref<151552x8xf32, #tpu.memory_space<vmem_shared>>
        tpu.wait_indirect_dma semaphore(%run_scoped3A : memref<!tpu.dma_semaphore, #tpu.memory_space<semaphore_mem>>) src(%arg7 : memref<512x8xf32, #tpu.memory_space<vmem>>) dst(%dma_wait3A_76 : memref<151552x8xf32, #tpu.memory_space<vmem_shared>>)
        tpu.yield
      }) : () -> ()
    }
    %scan3A_24 = arith.constant 40 : i32
    %add3A_25 = arith.constant 120 : i32
    %add3A_26 = arith.addi %mul3A_2, %add3A_25 : i32
    "tpu.region"() ({
      %run_scoped3A = tpu.sem_alloc : memref<!tpu.dma_semaphore, #tpu.memory_space<semaphore_mem>>
      %dma_start3A = arith.constant 0 : i32
      %dma_start3A_66 = tpu.memref_slice %arg2[%add3A_26, %dma_start3A] : memref<5120x512xi32, #tpu.memory_space<hbm>> -> memref<40x512xi32, #tpu.memory_space<hbm>>
      %dma_start3A_67 = arith.constant 0 : i32
      %dma_start3A_68 = tpu.memref_slice %arg2[%add3A_26, %dma_start3A_67] : memref<5120x512xi32, #tpu.memory_space<hbm>> -> memref<40x512xi32, #tpu.memory_space<hbm>>
      tpu.enqueue_dma source(%dma_start3A_68 : memref<40x512xi32, #tpu.memory_space<hbm>>) target(%arg8 : memref<40x512xi32, #tpu.memory_space<vmem>>) target_semaphore(%run_scoped3A : memref<!tpu.dma_semaphore, #tpu.memory_space<semaphore_mem>>)
      %dma_wait3A = arith.constant 0 : i32
      %dma_wait3A_69 = tpu.memref_slice %arg2[%add3A_26, %dma_wait3A] : memref<5120x512xi32, #tpu.memory_space<hbm>> -> memref<40x512xi32, #tpu.memory_space<hbm>>
      %dma_wait3A_70 = arith.constant 0 : i32
      %dma_wait3A_71 = tpu.memref_slice %arg2[%add3A_26, %dma_wait3A_70] : memref<5120x512xi32, #tpu.memory_space<hbm>> -> memref<40x512xi32, #tpu.memory_space<hbm>>
      tpu.wait_dma2 semaphore(%run_scoped3A : memref<!tpu.dma_semaphore, #tpu.memory_space<semaphore_mem>>) src(%dma_wait3A_71 : memref<40x512xi32, #tpu.memory_space<hbm>>) dst(%arg8 : memref<40x512xi32, #tpu.memory_space<vmem>>)
      tpu.yield
    }) : () -> ()
    %scan3A_27 = arith.constant 0 : i32
    %scan3A_28 = arith.constant 0 : i32
    %scan3A_29 = arith.constant 40 : i32
    %scan3A_30 = arith.addi %scan3A_28, %scan3A_29 : i32
    %scan3A_31 = arith.constant 1 : i32
    scf.for %scan3A_66 = %scan3A_28 to %scan3A_30 step %scan3A_31  : i32 {
      "tpu.region"() ({
        %run_scoped3A = tpu.sem_alloc : memref<!tpu.dma_semaphore, #tpu.memory_space<semaphore_mem>>
        %dma_start3A = arith.constant 0 : i32
        %dma_start3A_67 = tpu.memref_slice %arg8[%scan3A_66, %dma_start3A] : memref<40x512xi32, #tpu.memory_space<vmem>> -> memref<1x512xi32, #tpu.memory_space<vmem>>
        %dma_start3A_68 = tpu.memref_squeeze %dma_start3A_67 : memref<1x512xi32, #tpu.memory_space<vmem>> -> memref<512xi32, #tpu.memory_space<vmem>>
        %dma_start3A_69 = arith.constant 0 : i32
        %dma_start3A_70 = arith.constant 0 : i32
        %dma_start3A_71 = tpu.memref_slice %arg6[%dma_start3A_69, %dma_start3A_70] : memref<151552x8xf32, #tpu.memory_space<vmem_shared>> -> memref<151552x8xf32, #tpu.memory_space<vmem_shared>>
        tpu.enqueue_indirect_dma source(%arg7 : memref<512x8xf32, #tpu.memory_space<vmem>>) target(%dma_start3A_71 : memref<151552x8xf32, #tpu.memory_space<vmem_shared>>) offsets(%dma_start3A_68 : memref<512xi32, #tpu.memory_space<vmem>>) semaphore(%run_scoped3A : memref<!tpu.dma_semaphore, #tpu.memory_space<semaphore_mem>>) {add = true}
        %dma_wait3A = arith.constant 0 : i32
        %dma_wait3A_72 = tpu.memref_slice %arg8[%scan3A_66, %dma_wait3A] : memref<40x512xi32, #tpu.memory_space<vmem>> -> memref<1x512xi32, #tpu.memory_space<vmem>>
        %dma_wait3A_73 = tpu.memref_squeeze %dma_wait3A_72 : memref<1x512xi32, #tpu.memory_space<vmem>> -> memref<512xi32, #tpu.memory_space<vmem>>
        %dma_wait3A_74 = arith.constant 0 : i32
        %dma_wait3A_75 = arith.constant 0 : i32
        %dma_wait3A_76 = tpu.memref_slice %arg6[%dma_wait3A_74, %dma_wait3A_75] : memref<151552x8xf32, #tpu.memory_space<vmem_shared>> -> memref<151552x8xf32, #tpu.memory_space<vmem_shared>>
        tpu.wait_indirect_dma semaphore(%run_scoped3A : memref<!tpu.dma_semaphore, #tpu.memory_space<semaphore_mem>>) src(%arg7 : memref<512x8xf32, #tpu.memory_space<vmem>>) dst(%dma_wait3A_76 : memref<151552x8xf32, #tpu.memory_space<vmem_shared>>)
        tpu.yield
      }) : () -> ()
    }
    %scan3A_32 = arith.constant 40 : i32
    %add3A_33 = arith.constant 160 : i32
    %add3A_34 = arith.addi %mul3A_2, %add3A_33 : i32
    "tpu.region"() ({
      %run_scoped3A = tpu.sem_alloc : memref<!tpu.dma_semaphore, #tpu.memory_space<semaphore_mem>>
      %dma_start3A = arith.constant 0 : i32
      %dma_start3A_66 = tpu.memref_slice %arg2[%add3A_34, %dma_start3A] : memref<5120x512xi32, #tpu.memory_space<hbm>> -> memref<40x512xi32, #tpu.memory_space<hbm>>
      %dma_start3A_67 = arith.constant 0 : i32
      %dma_start3A_68 = tpu.memref_slice %arg2[%add3A_34, %dma_start3A_67] : memref<5120x512xi32, #tpu.memory_space<hbm>> -> memref<40x512xi32, #tpu.memory_space<hbm>>
      tpu.enqueue_dma source(%dma_start3A_68 : memref<40x512xi32, #tpu.memory_space<hbm>>) target(%arg8 : memref<40x512xi32, #tpu.memory_space<vmem>>) target_semaphore(%run_scoped3A : memref<!tpu.dma_semaphore, #tpu.memory_space<semaphore_mem>>)
      %dma_wait3A = arith.constant 0 : i32
      %dma_wait3A_69 = tpu.memref_slice %arg2[%add3A_34, %dma_wait3A] : memref<5120x512xi32, #tpu.memory_space<hbm>> -> memref<40x512xi32, #tpu.memory_space<hbm>>
      %dma_wait3A_70 = arith.constant 0 : i32
      %dma_wait3A_71 = tpu.memref_slice %arg2[%add3A_34, %dma_wait3A_70] : memref<5120x512xi32, #tpu.memory_space<hbm>> -> memref<40x512xi32, #tpu.memory_space<hbm>>
      tpu.wait_dma2 semaphore(%run_scoped3A : memref<!tpu.dma_semaphore, #tpu.memory_space<semaphore_mem>>) src(%dma_wait3A_71 : memref<40x512xi32, #tpu.memory_space<hbm>>) dst(%arg8 : memref<40x512xi32, #tpu.memory_space<vmem>>)
      tpu.yield
    }) : () -> ()
    %scan3A_35 = arith.constant 0 : i32
    %scan3A_36 = arith.constant 0 : i32
    %scan3A_37 = arith.constant 40 : i32
    %scan3A_38 = arith.addi %scan3A_36, %scan3A_37 : i32
    %scan3A_39 = arith.constant 1 : i32
    scf.for %scan3A_66 = %scan3A_36 to %scan3A_38 step %scan3A_39  : i32 {
      "tpu.region"() ({
        %run_scoped3A = tpu.sem_alloc : memref<!tpu.dma_semaphore, #tpu.memory_space<semaphore_mem>>
        %dma_start3A = arith.constant 0 : i32
        %dma_start3A_67 = tpu.memref_slice %arg8[%scan3A_66, %dma_start3A] : memref<40x512xi32, #tpu.memory_space<vmem>> -> memref<1x512xi32, #tpu.memory_space<vmem>>
        %dma_start3A_68 = tpu.memref_squeeze %dma_start3A_67 : memref<1x512xi32, #tpu.memory_space<vmem>> -> memref<512xi32, #tpu.memory_space<vmem>>
        %dma_start3A_69 = arith.constant 0 : i32
        %dma_start3A_70 = arith.constant 0 : i32
        %dma_start3A_71 = tpu.memref_slice %arg6[%dma_start3A_69, %dma_start3A_70] : memref<151552x8xf32, #tpu.memory_space<vmem_shared>> -> memref<151552x8xf32, #tpu.memory_space<vmem_shared>>
        tpu.enqueue_indirect_dma source(%arg7 : memref<512x8xf32, #tpu.memory_space<vmem>>) target(%dma_start3A_71 : memref<151552x8xf32, #tpu.memory_space<vmem_shared>>) offsets(%dma_start3A_68 : memref<512xi32, #tpu.memory_space<vmem>>) semaphore(%run_scoped3A : memref<!tpu.dma_semaphore, #tpu.memory_space<semaphore_mem>>) {add = true}
        %dma_wait3A = arith.constant 0 : i32
        %dma_wait3A_72 = tpu.memref_slice %arg8[%scan3A_66, %dma_wait3A] : memref<40x512xi32, #tpu.memory_space<vmem>> -> memref<1x512xi32, #tpu.memory_space<vmem>>
        %dma_wait3A_73 = tpu.memref_squeeze %dma_wait3A_72 : memref<1x512xi32, #tpu.memory_space<vmem>> -> memref<512xi32, #tpu.memory_space<vmem>>
        %dma_wait3A_74 = arith.constant 0 : i32
        %dma_wait3A_75 = arith.constant 0 : i32
        %dma_wait3A_76 = tpu.memref_slice %arg6[%dma_wait3A_74, %dma_wait3A_75] : memref<151552x8xf32, #tpu.memory_space<vmem_shared>> -> memref<151552x8xf32, #tpu.memory_space<vmem_shared>>
        tpu.wait_indirect_dma semaphore(%run_scoped3A : memref<!tpu.dma_semaphore, #tpu.memory_space<semaphore_mem>>) src(%arg7 : memref<512x8xf32, #tpu.memory_space<vmem>>) dst(%dma_wait3A_76 : memref<151552x8xf32, #tpu.memory_space<vmem_shared>>)
        tpu.yield
      }) : () -> ()
    }
    %scan3A_40 = arith.constant 40 : i32
    %add3A_41 = arith.constant 200 : i32
    %add3A_42 = arith.addi %mul3A_2, %add3A_41 : i32
    "tpu.region"() ({
      %run_scoped3A = tpu.sem_alloc : memref<!tpu.dma_semaphore, #tpu.memory_space<semaphore_mem>>
      %dma_start3A = arith.constant 0 : i32
      %dma_start3A_66 = tpu.memref_slice %arg2[%add3A_42, %dma_start3A] : memref<5120x512xi32, #tpu.memory_space<hbm>> -> memref<40x512xi32, #tpu.memory_space<hbm>>
      %dma_start3A_67 = arith.constant 0 : i32
      %dma_start3A_68 = tpu.memref_slice %arg2[%add3A_42, %dma_start3A_67] : memref<5120x512xi32, #tpu.memory_space<hbm>> -> memref<40x512xi32, #tpu.memory_space<hbm>>
      tpu.enqueue_dma source(%dma_start3A_68 : memref<40x512xi32, #tpu.memory_space<hbm>>) target(%arg8 : memref<40x512xi32, #tpu.memory_space<vmem>>) target_semaphore(%run_scoped3A : memref<!tpu.dma_semaphore, #tpu.memory_space<semaphore_mem>>)
      %dma_wait3A = arith.constant 0 : i32
      %dma_wait3A_69 = tpu.memref_slice %arg2[%add3A_42, %dma_wait3A] : memref<5120x512xi32, #tpu.memory_space<hbm>> -> memref<40x512xi32, #tpu.memory_space<hbm>>
      %dma_wait3A_70 = arith.constant 0 : i32
      %dma_wait3A_71 = tpu.memref_slice %arg2[%add3A_42, %dma_wait3A_70] : memref<5120x512xi32, #tpu.memory_space<hbm>> -> memref<40x512xi32, #tpu.memory_space<hbm>>
      tpu.wait_dma2 semaphore(%run_scoped3A : memref<!tpu.dma_semaphore, #tpu.memory_space<semaphore_mem>>) src(%dma_wait3A_71 : memref<40x512xi32, #tpu.memory_space<hbm>>) dst(%arg8 : memref<40x512xi32, #tpu.memory_space<vmem>>)
      tpu.yield
    }) : () -> ()
    %scan3A_43 = arith.constant 0 : i32
    %scan3A_44 = arith.constant 0 : i32
    %scan3A_45 = arith.constant 40 : i32
    %scan3A_46 = arith.addi %scan3A_44, %scan3A_45 : i32
    %scan3A_47 = arith.constant 1 : i32
    scf.for %scan3A_66 = %scan3A_44 to %scan3A_46 step %scan3A_47  : i32 {
      "tpu.region"() ({
        %run_scoped3A = tpu.sem_alloc : memref<!tpu.dma_semaphore, #tpu.memory_space<semaphore_mem>>
        %dma_start3A = arith.constant 0 : i32
        %dma_start3A_67 = tpu.memref_slice %arg8[%scan3A_66, %dma_start3A] : memref<40x512xi32, #tpu.memory_space<vmem>> -> memref<1x512xi32, #tpu.memory_space<vmem>>
        %dma_start3A_68 = tpu.memref_squeeze %dma_start3A_67 : memref<1x512xi32, #tpu.memory_space<vmem>> -> memref<512xi32, #tpu.memory_space<vmem>>
        %dma_start3A_69 = arith.constant 0 : i32
        %dma_start3A_70 = arith.constant 0 : i32
        %dma_start3A_71 = tpu.memref_slice %arg6[%dma_start3A_69, %dma_start3A_70] : memref<151552x8xf32, #tpu.memory_space<vmem_shared>> -> memref<151552x8xf32, #tpu.memory_space<vmem_shared>>
        tpu.enqueue_indirect_dma source(%arg7 : memref<512x8xf32, #tpu.memory_space<vmem>>) target(%dma_start3A_71 : memref<151552x8xf32, #tpu.memory_space<vmem_shared>>) offsets(%dma_start3A_68 : memref<512xi32, #tpu.memory_space<vmem>>) semaphore(%run_scoped3A : memref<!tpu.dma_semaphore, #tpu.memory_space<semaphore_mem>>) {add = true}
        %dma_wait3A = arith.constant 0 : i32
        %dma_wait3A_72 = tpu.memref_slice %arg8[%scan3A_66, %dma_wait3A] : memref<40x512xi32, #tpu.memory_space<vmem>> -> memref<1x512xi32, #tpu.memory_space<vmem>>
        %dma_wait3A_73 = tpu.memref_squeeze %dma_wait3A_72 : memref<1x512xi32, #tpu.memory_space<vmem>> -> memref<512xi32, #tpu.memory_space<vmem>>
        %dma_wait3A_74 = arith.constant 0 : i32
        %dma_wait3A_75 = arith.constant 0 : i32
        %dma_wait3A_76 = tpu.memref_slice %arg6[%dma_wait3A_74, %dma_wait3A_75] : memref<151552x8xf32, #tpu.memory_space<vmem_shared>> -> memref<151552x8xf32, #tpu.memory_space<vmem_shared>>
        tpu.wait_indirect_dma semaphore(%run_scoped3A : memref<!tpu.dma_semaphore, #tpu.memory_space<semaphore_mem>>) src(%arg7 : memref<512x8xf32, #tpu.memory_space<vmem>>) dst(%dma_wait3A_76 : memref<151552x8xf32, #tpu.memory_space<vmem_shared>>)
        tpu.yield
      }) : () -> ()
    }
    %scan3A_48 = arith.constant 40 : i32
    %add3A_49 = arith.constant 240 : i32
    %add3A_50 = arith.addi %mul3A_2, %add3A_49 : i32
    "tpu.region"() ({
      %run_scoped3A = tpu.sem_alloc : memref<!tpu.dma_semaphore, #tpu.memory_space<semaphore_mem>>
      %dma_start3A = arith.constant 0 : i32
      %dma_start3A_66 = tpu.memref_slice %arg2[%add3A_50, %dma_start3A] : memref<5120x512xi32, #tpu.memory_space<hbm>> -> memref<40x512xi32, #tpu.memory_space<hbm>>
      %dma_start3A_67 = arith.constant 0 : i32
      %dma_start3A_68 = tpu.memref_slice %arg2[%add3A_50, %dma_start3A_67] : memref<5120x512xi32, #tpu.memory_space<hbm>> -> memref<40x512xi32, #tpu.memory_space<hbm>>
      tpu.enqueue_dma source(%dma_start3A_68 : memref<40x512xi32, #tpu.memory_space<hbm>>) target(%arg8 : memref<40x512xi32, #tpu.memory_space<vmem>>) target_semaphore(%run_scoped3A : memref<!tpu.dma_semaphore, #tpu.memory_space<semaphore_mem>>)
      %dma_wait3A = arith.constant 0 : i32
      %dma_wait3A_69 = tpu.memref_slice %arg2[%add3A_50, %dma_wait3A] : memref<5120x512xi32, #tpu.memory_space<hbm>> -> memref<40x512xi32, #tpu.memory_space<hbm>>
      %dma_wait3A_70 = arith.constant 0 : i32
      %dma_wait3A_71 = tpu.memref_slice %arg2[%add3A_50, %dma_wait3A_70] : memref<5120x512xi32, #tpu.memory_space<hbm>> -> memref<40x512xi32, #tpu.memory_space<hbm>>
      tpu.wait_dma2 semaphore(%run_scoped3A : memref<!tpu.dma_semaphore, #tpu.memory_space<semaphore_mem>>) src(%dma_wait3A_71 : memref<40x512xi32, #tpu.memory_space<hbm>>) dst(%arg8 : memref<40x512xi32, #tpu.memory_space<vmem>>)
      tpu.yield
    }) : () -> ()
    %scan3A_51 = arith.constant 0 : i32
    %scan3A_52 = arith.constant 0 : i32
    %scan3A_53 = arith.constant 40 : i32
    %scan3A_54 = arith.addi %scan3A_52, %scan3A_53 : i32
    %scan3A_55 = arith.constant 1 : i32
    scf.for %scan3A_66 = %scan3A_52 to %scan3A_54 step %scan3A_55  : i32 {
      "tpu.region"() ({
        %run_scoped3A = tpu.sem_alloc : memref<!tpu.dma_semaphore, #tpu.memory_space<semaphore_mem>>
        %dma_start3A = arith.constant 0 : i32
        %dma_start3A_67 = tpu.memref_slice %arg8[%scan3A_66, %dma_start3A] : memref<40x512xi32, #tpu.memory_space<vmem>> -> memref<1x512xi32, #tpu.memory_space<vmem>>
        %dma_start3A_68 = tpu.memref_squeeze %dma_start3A_67 : memref<1x512xi32, #tpu.memory_space<vmem>> -> memref<512xi32, #tpu.memory_space<vmem>>
        %dma_start3A_69 = arith.constant 0 : i32
        %dma_start3A_70 = arith.constant 0 : i32
        %dma_start3A_71 = tpu.memref_slice %arg6[%dma_start3A_69, %dma_start3A_70] : memref<151552x8xf32, #tpu.memory_space<vmem_shared>> -> memref<151552x8xf32, #tpu.memory_space<vmem_shared>>
        tpu.enqueue_indirect_dma source(%arg7 : memref<512x8xf32, #tpu.memory_space<vmem>>) target(%dma_start3A_71 : memref<151552x8xf32, #tpu.memory_space<vmem_shared>>) offsets(%dma_start3A_68 : memref<512xi32, #tpu.memory_space<vmem>>) semaphore(%run_scoped3A : memref<!tpu.dma_semaphore, #tpu.memory_space<semaphore_mem>>) {add = true}
        %dma_wait3A = arith.constant 0 : i32
        %dma_wait3A_72 = tpu.memref_slice %arg8[%scan3A_66, %dma_wait3A] : memref<40x512xi32, #tpu.memory_space<vmem>> -> memref<1x512xi32, #tpu.memory_space<vmem>>
        %dma_wait3A_73 = tpu.memref_squeeze %dma_wait3A_72 : memref<1x512xi32, #tpu.memory_space<vmem>> -> memref<512xi32, #tpu.memory_space<vmem>>
        %dma_wait3A_74 = arith.constant 0 : i32
        %dma_wait3A_75 = arith.constant 0 : i32
        %dma_wait3A_76 = tpu.memref_slice %arg6[%dma_wait3A_74, %dma_wait3A_75] : memref<151552x8xf32, #tpu.memory_space<vmem_shared>> -> memref<151552x8xf32, #tpu.memory_space<vmem_shared>>
        tpu.wait_indirect_dma semaphore(%run_scoped3A : memref<!tpu.dma_semaphore, #tpu.memory_space<semaphore_mem>>) src(%arg7 : memref<512x8xf32, #tpu.memory_space<vmem>>) dst(%dma_wait3A_76 : memref<151552x8xf32, #tpu.memory_space<vmem_shared>>)
        tpu.yield
      }) : () -> ()
    }
    %scan3A_56 = arith.constant 40 : i32
    %add3A_57 = arith.constant 280 : i32
    %add3A_58 = arith.addi %mul3A_2, %add3A_57 : i32
    "tpu.region"() ({
      %run_scoped3A = tpu.sem_alloc : memref<!tpu.dma_semaphore, #tpu.memory_space<semaphore_mem>>
      %dma_start3A = arith.constant 0 : i32
      %dma_start3A_66 = tpu.memref_slice %arg2[%add3A_58, %dma_start3A] : memref<5120x512xi32, #tpu.memory_space<hbm>> -> memref<40x512xi32, #tpu.memory_space<hbm>>
      %dma_start3A_67 = arith.constant 0 : i32
      %dma_start3A_68 = tpu.memref_slice %arg2[%add3A_58, %dma_start3A_67] : memref<5120x512xi32, #tpu.memory_space<hbm>> -> memref<40x512xi32, #tpu.memory_space<hbm>>
      tpu.enqueue_dma source(%dma_start3A_68 : memref<40x512xi32, #tpu.memory_space<hbm>>) target(%arg8 : memref<40x512xi32, #tpu.memory_space<vmem>>) target_semaphore(%run_scoped3A : memref<!tpu.dma_semaphore, #tpu.memory_space<semaphore_mem>>)
      %dma_wait3A = arith.constant 0 : i32
      %dma_wait3A_69 = tpu.memref_slice %arg2[%add3A_58, %dma_wait3A] : memref<5120x512xi32, #tpu.memory_space<hbm>> -> memref<40x512xi32, #tpu.memory_space<hbm>>
      %dma_wait3A_70 = arith.constant 0 : i32
      %dma_wait3A_71 = tpu.memref_slice %arg2[%add3A_58, %dma_wait3A_70] : memref<5120x512xi32, #tpu.memory_space<hbm>> -> memref<40x512xi32, #tpu.memory_space<hbm>>
      tpu.wait_dma2 semaphore(%run_scoped3A : memref<!tpu.dma_semaphore, #tpu.memory_space<semaphore_mem>>) src(%dma_wait3A_71 : memref<40x512xi32, #tpu.memory_space<hbm>>) dst(%arg8 : memref<40x512xi32, #tpu.memory_space<vmem>>)
      tpu.yield
    }) : () -> ()
    %scan3A_59 = arith.constant 0 : i32
    %scan3A_60 = arith.constant 0 : i32
    %scan3A_61 = arith.constant 40 : i32
    %scan3A_62 = arith.addi %scan3A_60, %scan3A_61 : i32
    %scan3A_63 = arith.constant 1 : i32
    scf.for %scan3A_66 = %scan3A_60 to %scan3A_62 step %scan3A_63  : i32 {
      "tpu.region"() ({
        %run_scoped3A = tpu.sem_alloc : memref<!tpu.dma_semaphore, #tpu.memory_space<semaphore_mem>>
        %dma_start3A = arith.constant 0 : i32
        %dma_start3A_67 = tpu.memref_slice %arg8[%scan3A_66, %dma_start3A] : memref<40x512xi32, #tpu.memory_space<vmem>> -> memref<1x512xi32, #tpu.memory_space<vmem>>
        %dma_start3A_68 = tpu.memref_squeeze %dma_start3A_67 : memref<1x512xi32, #tpu.memory_space<vmem>> -> memref<512xi32, #tpu.memory_space<vmem>>
        %dma_start3A_69 = arith.constant 0 : i32
        %dma_start3A_70 = arith.constant 0 : i32
        %dma_start3A_71 = tpu.memref_slice %arg6[%dma_start3A_69, %dma_start3A_70] : memref<151552x8xf32, #tpu.memory_space<vmem_shared>> -> memref<151552x8xf32, #tpu.memory_space<vmem_shared>>
        tpu.enqueue_indirect_dma source(%arg7 : memref<512x8xf32, #tpu.memory_space<vmem>>) target(%dma_start3A_71 : memref<151552x8xf32, #tpu.memory_space<vmem_shared>>) offsets(%dma_start3A_68 : memref<512xi32, #tpu.memory_space<vmem>>) semaphore(%run_scoped3A : memref<!tpu.dma_semaphore, #tpu.memory_space<semaphore_mem>>) {add = true}
        %dma_wait3A = arith.constant 0 : i32
        %dma_wait3A_72 = tpu.memref_slice %arg8[%scan3A_66, %dma_wait3A] : memref<40x512xi32, #tpu.memory_space<vmem>> -> memref<1x512xi32, #tpu.memory_space<vmem>>
        %dma_wait3A_73 = tpu.memref_squeeze %dma_wait3A_72 : memref<1x512xi32, #tpu.memory_space<vmem>> -> memref<512xi32, #tpu.memory_space<vmem>>
        %dma_wait3A_74 = arith.constant 0 : i32
        %dma_wait3A_75 = arith.constant 0 : i32
        %dma_wait3A_76 = tpu.memref_slice %arg6[%dma_wait3A_74, %dma_wait3A_75] : memref<151552x8xf32, #tpu.memory_space<vmem_shared>> -> memref<151552x8xf32, #tpu.memory_space<vmem_shared>>
        tpu.wait_indirect_dma semaphore(%run_scoped3A : memref<!tpu.dma_semaphore, #tpu.memory_space<semaphore_mem>>) src(%arg7 : memref<512x8xf32, #tpu.memory_space<vmem>>) dst(%dma_wait3A_76 : memref<151552x8xf32, #tpu.memory_space<vmem_shared>>)
        tpu.yield
      }) : () -> ()
    }
    %scan3A_64 = arith.constant 40 : i32
    %barrier3A_65 = arith.constant 0 : index
    tpu.barrier barrier_id(%barrier3A_65)
    "tpu.region"() ({
      %run_scoped3A = tpu.sem_alloc : memref<!tpu.dma_semaphore, #tpu.memory_space<semaphore_mem>>
      %dma_start3A = arith.constant 0 : i32
      %dma_start3A_66 = tpu.memref_slice %arg5[%mul3A_0, %dma_start3A] : memref<151552x8xf32, #tpu.memory_space<hbm>> -> memref<9472x8xf32, #tpu.memory_space<hbm>>
      %dma_start3A_67 = arith.constant 0 : i32
      %dma_start3A_68 = tpu.memref_slice %arg6[%mul3A_0, %dma_start3A_67] : memref<151552x8xf32, #tpu.memory_space<vmem_shared>> -> memref<9472x8xf32, #tpu.memory_space<vmem_shared>>
      tpu.enqueue_dma source(%dma_start3A_68 : memref<9472x8xf32, #tpu.memory_space<vmem_shared>>) target(%dma_start3A_66 : memref<9472x8xf32, #tpu.memory_space<hbm>>) target_semaphore(%run_scoped3A : memref<!tpu.dma_semaphore, #tpu.memory_space<semaphore_mem>>)
      %dma_wait3A = arith.constant 0 : i32
      %dma_wait3A_69 = tpu.memref_slice %arg5[%mul3A_0, %dma_wait3A] : memref<151552x8xf32, #tpu.memory_space<hbm>> -> memref<9472x8xf32, #tpu.memory_space<hbm>>
      %dma_wait3A_70 = arith.constant 0 : i32
      %dma_wait3A_71 = tpu.memref_slice %arg6[%mul3A_0, %dma_wait3A_70] : memref<151552x8xf32, #tpu.memory_space<vmem_shared>> -> memref<9472x8xf32, #tpu.memory_space<vmem_shared>>
      tpu.wait_dma2 semaphore(%run_scoped3A : memref<!tpu.dma_semaphore, #tpu.memory_space<semaphore_mem>>) src(%dma_wait3A_71 : memref<9472x8xf32, #tpu.memory_space<vmem_shared>>) dst(%dma_wait3A_69 : memref<9472x8xf32, #tpu.memory_space<hbm>>)
      tpu.yield
    }) : () -> ()
    return
  }
}

module attributes {stable_mosaic.version = 14 : i64} {
  func.func @_prep_body(%arg0: i32, %arg1: memref<1024x8xf32, #tpu.memory_space<vmem>>, %arg2: memref<1024x8xf32, #tpu.memory_space<vmem>>, %arg3: memref<1024x8xbf16, #tpu.memory_space<vmem>>, %arg4: memref<1024x8xf32, #tpu.memory_space<vmem>>) attributes {dimension_semantics = [#tpu.dimension_semantics<arbitrary>], iteration_bounds = array<i64: 148>, scalar_prefetch = 0 : i64, scratch_operands = 0 : i64, tpu.core_type = #tpu.core_type<tc>, window_params = [{transform_indices = @transform_0, window_bounds = array<i64: 1024, 8>}, {transform_indices = @transform_1, window_bounds = array<i64: 1024, 8>}, {transform_indices = @transform_2, window_bounds = array<i64: 1024, 8>}, {transform_indices = @transform_3, window_bounds = array<i64: 1024, 8>}]} {
    %get3A = arith.constant 0 : index
    %get3A_0 = arith.constant 0 : index
    %get3A_1 = vector.load %arg1[%get3A, %get3A_0] : memref<1024x8xf32, #tpu.memory_space<vmem>>, vector<1024x1xf32>
    %add3A = arith.constant 1.000000e+00 : f32
    %add3A_2 = vector.broadcast %add3A : f32 to vector<1024x1xf32>
    %add3A_3 = arith.addf %get3A_1, %add3A_2 : vector<1024x1xf32>
    %rsqrt3A = math.rsqrt %add3A_3 : vector<1024x1xf32>
    %broadcast_in_dim3A = vector.shape_cast %rsqrt3A : vector<1024x1xf32> to vector<1024x1xf32>
    %broadcast_in_dim3A_4 = vector.broadcast %broadcast_in_dim3A : vector<1024x1xf32> to vector<1024x8xf32>
    %get3A_5 = arith.constant 0 : index
    %get3A_6 = arith.constant 0 : index
    %get3A_7 = vector.load %arg2[%get3A_5, %get3A_6] : memref<1024x8xf32, #tpu.memory_space<vmem>>, vector<1024x8xf32>
    %mul3A = arith.mulf %get3A_7, %broadcast_in_dim3A_4 : vector<1024x8xf32>
    %convert_element_type3A = arith.truncf %mul3A : vector<1024x8xf32> to vector<1024x8xbf16>
    %swap3A = arith.constant 0 : index
    %swap3A_8 = arith.constant 0 : index
    %swap3A_9 = vector.load %arg3[%swap3A, %swap3A_8] : memref<1024x8xbf16, #tpu.memory_space<vmem>>, vector<1024x8xbf16>
    tpu.vector_store %arg3[%swap3A, %swap3A_8], %convert_element_type3A {strides = array<i32>} : memref<1024x8xbf16, #tpu.memory_space<vmem>>, vector<1024x8xbf16>,
    %swap3A_10 = arith.constant 0 : index
    %swap3A_11 = arith.constant 0 : index
    %swap3A_12 = vector.load %arg4[%swap3A_10, %swap3A_11] : memref<1024x8xf32, #tpu.memory_space<vmem>>, vector<1024x8xf32>
    tpu.vector_store %arg4[%swap3A_10, %swap3A_11], %broadcast_in_dim3A_4 {strides = array<i32>} : memref<1024x8xf32, #tpu.memory_space<vmem>>, vector<1024x8xf32>,
    return
  }
  func.func @transform_0(%arg0: i32) -> (i32, i32) {
    %c0_i32 = arith.constant 0 : i32
    %c0_i32_0 = arith.constant 0 : i32
    return %arg0, %c0_i32 : i32, i32
  }
  func.func @transform_1(%arg0: i32) -> (i32, i32) {
    %c0_i32 = arith.constant 0 : i32
    %c0_i32_0 = arith.constant 0 : i32
    return %arg0, %c0_i32 : i32, i32
  }
  func.func @transform_2(%arg0: i32) -> (i32, i32) {
    %c0_i32 = arith.constant 0 : i32
    %c0_i32_0 = arith.constant 0 : i32
    return %arg0, %c0_i32 : i32, i32
  }
  func.func @transform_3(%arg0: i32) -> (i32, i32) {
    %c0_i32 = arith.constant 0 : i32
    %c0_i32_0 = arith.constant 0 : i32
    return %arg0, %c0_i32 : i32, i32
  }
}

module attributes {stable_mosaic.version = 14 : i64} {
  func.func @_head_body(%arg0: i32, %arg1: memref<2000x8xbf16, #tpu.memory_space<vmem>>, %arg2: memref<2000x8xbf16, #tpu.memory_space<vmem>>, %arg3: memref<2000x8xf32, #tpu.memory_space<vmem>>, %arg4: memref<8x128xf32, #tpu.memory_space<vmem>>, %arg5: memref<1x128xf32, #tpu.memory_space<vmem>>, %arg6: memref<8x128xf32, #tpu.memory_space<vmem>>, %arg7: memref<1x128xf32, #tpu.memory_space<vmem>>, %arg8: memref<256x128xf32, #tpu.memory_space<vmem>>, %arg9: memref<1x128xf32, #tpu.memory_space<vmem>>, %arg10: memref<128x64xf32, #tpu.memory_space<vmem>>, %arg11: memref<1x64xf32, #tpu.memory_space<vmem>>, %arg12: memref<64x32xf32, #tpu.memory_space<vmem>>, %arg13: memref<1x32xf32, #tpu.memory_space<vmem>>, %arg14: memref<32x16xf32, #tpu.memory_space<vmem>>, %arg15: memref<1x16xf32, #tpu.memory_space<vmem>>, %arg16: memref<16x10xf32, #tpu.memory_space<vmem>>, %arg17: memref<1x10xf32, #tpu.memory_space<vmem>>, %arg18: memref<1x10xf32, #tpu.memory_space<vmem>>, %arg19: memref<1x128xf32, #tpu.memory_space<vmem>>, %arg20: memref<1x128xf32, #tpu.memory_space<vmem>>) attributes {dimension_semantics = [#tpu.dimension_semantics<arbitrary>], iteration_bounds = array<i64: 75>, scalar_prefetch = 0 : i64, scratch_operands = 2 : i64, tpu.core_type = #tpu.core_type<tc>, window_params = [{transform_indices = @transform_0, window_bounds = array<i64: 2000, 8>}, {transform_indices = @transform_1, window_bounds = array<i64: 2000, 8>}, {transform_indices = @transform_2, window_bounds = array<i64: 2000, 8>}, {pipeline_mode = #tpu.pipeline_mode<synchronous>, transform_indices = @transform_3, window_bounds = array<i64: 8, 128>}, {pipeline_mode = #tpu.pipeline_mode<synchronous>, transform_indices = @transform_4, window_bounds = array<i64: 1, 128>}, {pipeline_mode = #tpu.pipeline_mode<synchronous>, transform_indices = @transform_5, window_bounds = array<i64: 8, 128>}, {pipeline_mode = #tpu.pipeline_mode<synchronous>, transform_indices = @transform_6, window_bounds = array<i64: 1, 128>}, {pipeline_mode = #tpu.pipeline_mode<synchronous>, transform_indices = @transform_7, window_bounds = array<i64: 256, 128>}, {pipeline_mode = #tpu.pipeline_mode<synchronous>, transform_indices = @transform_8, window_bounds = array<i64: 1, 128>}, {pipeline_mode = #tpu.pipeline_mode<synchronous>, transform_indices = @transform_9, window_bounds = array<i64: 128, 64>}, {pipeline_mode = #tpu.pipeline_mode<synchronous>, transform_indices = @transform_10, window_bounds = array<i64: 1, 64>}, {pipeline_mode = #tpu.pipeline_mode<synchronous>, transform_indices = @transform_11, window_bounds = array<i64: 64, 32>}, {pipeline_mode = #tpu.pipeline_mode<synchronous>, transform_indices = @transform_12, window_bounds = array<i64: 1, 32>}, {pipeline_mode = #tpu.pipeline_mode<synchronous>, transform_indices = @transform_13, window_bounds = array<i64: 32, 16>}, {pipeline_mode = #tpu.pipeline_mode<synchronous>, transform_indices = @transform_14, window_bounds = array<i64: 1, 16>}, {pipeline_mode = #tpu.pipeline_mode<synchronous>, transform_indices = @transform_15, window_bounds = array<i64: 16, 10>}, {pipeline_mode = #tpu.pipeline_mode<synchronous>, transform_indices = @transform_16, window_bounds = array<i64: 1, 10>}, {pipeline_mode = #tpu.pipeline_mode<synchronous>, transform_indices = @transform_17, window_bounds = array<i64: 1, 10>}]} {
    %get3A = arith.constant 0 : index
    %get3A_0 = arith.constant 0 : index
    %get3A_1 = vector.load %arg1[%get3A, %get3A_0] : memref<2000x8xbf16, #tpu.memory_space<vmem>>, vector<2000x8xbf16>
    %convert_element_type3A = arith.extf %get3A_1 : vector<2000x8xbf16> to vector<2000x8xf32>
    %get3A_2 = arith.constant 0 : index
    %get3A_3 = arith.constant 0 : index
    %get3A_4 = vector.load %arg2[%get3A_2, %get3A_3] : memref<2000x8xbf16, #tpu.memory_space<vmem>>, vector<2000x8xbf16>
    %convert_element_type3A_5 = arith.extf %get3A_4 : vector<2000x8xbf16> to vector<2000x8xf32>
    %add3A = arith.addf %convert_element_type3A, %convert_element_type3A_5 : vector<2000x8xf32>
    %get3A_6 = arith.constant 0 : index
    %get3A_7 = arith.constant 0 : index
    %get3A_8 = vector.load %arg3[%get3A_6, %get3A_7] : memref<2000x8xf32, #tpu.memory_space<vmem>>, vector<2000x8xf32>
    %mul3A = arith.mulf %add3A, %get3A_8 : vector<2000x8xf32>
    %eq3A = arith.constant 0 : i32
    %eq3A_9 = arith.cmpi eq, %arg0, %eq3A : i32
    %convert_element_type3A_10 = arith.extui %eq3A_9 : i1 to i32
    %cond3A = arith.constant 0 : i32
    %cond3A_11 = arith.cmpi ne, %convert_element_type3A_10, %cond3A : i32
    scf.if %cond3A_11 {
      %broadcast_in_dim3A = arith.constant 0.000000e+00 : f32
      %broadcast_in_dim3A_30 = vector.broadcast %broadcast_in_dim3A : f32 to vector<1x128xf32>
      %swap3A = arith.constant 0 : index
      %swap3A_31 = arith.constant 0 : index
      %swap3A_32 = vector.load %arg19[%swap3A, %swap3A_31] : memref<1x128xf32, #tpu.memory_space<vmem>>, vector<1x128xf32>
      tpu.vector_store %arg19[%swap3A, %swap3A_31], %broadcast_in_dim3A_30 {strides = array<i32>} : memref<1x128xf32, #tpu.memory_space<vmem>>, vector<1x128xf32>,
    } else {
    }
    %eq3A_12 = arith.constant 50 : i32
    %eq3A_13 = arith.cmpi eq, %arg0, %eq3A_12 : i32
    %convert_element_type3A_14 = arith.extui %eq3A_13 : i1 to i32
    %cond3A_15 = arith.constant 0 : i32
    %cond3A_16 = arith.cmpi ne, %convert_element_type3A_14, %cond3A_15 : i32
    scf.if %cond3A_16 {
      %broadcast_in_dim3A = arith.constant 0.000000e+00 : f32
      %broadcast_in_dim3A_30 = vector.broadcast %broadcast_in_dim3A : f32 to vector<1x128xf32>
      %swap3A = arith.constant 0 : index
      %swap3A_31 = arith.constant 0 : index
      %swap3A_32 = vector.load %arg20[%swap3A, %swap3A_31] : memref<1x128xf32, #tpu.memory_space<vmem>>, vector<1x128xf32>
      tpu.vector_store %arg20[%swap3A, %swap3A_31], %broadcast_in_dim3A_30 {strides = array<i32>} : memref<1x128xf32, #tpu.memory_space<vmem>>, vector<1x128xf32>,
    } else {
    }
    %lt3A = arith.constant 50 : i32
    %lt3A_17 = arith.cmpi slt, %arg0, %lt3A : i32
    %convert_element_type3A_18 = arith.extui %lt3A_17 : i1 to i32
    %cond3A_19 = arith.constant 0 : i32
    %cond3A_20 = arith.cmpi ne, %convert_element_type3A_18, %cond3A_19 : i32
    scf.if %cond3A_20 {
      %get3A_30 = arith.constant 0 : index
      %get3A_31 = arith.constant 0 : index
      %get3A_32 = vector.load %arg4[%get3A_30, %get3A_31] : memref<8x128xf32, #tpu.memory_space<vmem>>, vector<8x128xf32>
      %dot_general3A = arith.constant dense<0.000000e+00> : vector<2000x128xf32>
      %dot_general3A_33 = tpu.matmul %mul3A, %get3A_32, %dot_general3A {dimension_numbers = #tpu.dot_dimension_numbers<[1], [0], [0], [1], [0, 0, 1, 1], [], []>, transpose_lhs_hint = false} : vector<2000x8xf32>, vector<8x128xf32>, vector<2000x128xf32> -> vector<2000x128xf32>
      %get3A_34 = arith.constant 0 : index
      %get3A_35 = arith.constant 0 : index
      %get3A_36 = vector.load %arg5[%get3A_34, %get3A_35] : memref<1x128xf32, #tpu.memory_space<vmem>>, vector<1x128xf32>
      %add3A_37 = vector.broadcast %get3A_36 : vector<1x128xf32> to vector<2000x128xf32>
      %add3A_38 = arith.addf %dot_general3A_33, %add3A_37 : vector<2000x128xf32>
      %max3A = arith.constant 0.000000e+00 : f32
      %max3A_39 = vector.broadcast %max3A : f32 to vector<2000x128xf32>
      %max3A_40 = arith.maximumf %add3A_38, %max3A_39 : vector<2000x128xf32>
      %get3A_41 = arith.constant 0 : index
      %get3A_42 = arith.constant 0 : index
      %get3A_43 = vector.load %arg19[%get3A_41, %get3A_42] : memref<1x128xf32, #tpu.memory_space<vmem>>, vector<1x128xf32>
      %reduce_sum3A = arith.constant dense<0.000000e+00> : vector<128xf32>
      %reduce_sum3A_44 = vector.multi_reduction <add>, %max3A_40, %reduce_sum3A [0] : vector<2000x128xf32> to vector<128xf32>
      %broadcast_in_dim3A = vector.shape_cast %reduce_sum3A_44 : vector<128xf32> to vector<1x128xf32>
      %add3A_45 = arith.addf %get3A_43, %broadcast_in_dim3A : vector<1x128xf32>
      %swap3A = arith.constant 0 : index
      %swap3A_46 = arith.constant 0 : index
      %swap3A_47 = vector.load %arg19[%swap3A, %swap3A_46] : memref<1x128xf32, #tpu.memory_space<vmem>>, vector<1x128xf32>
      tpu.vector_store %arg19[%swap3A, %swap3A_46], %add3A_45 {strides = array<i32>} : memref<1x128xf32, #tpu.memory_space<vmem>>, vector<1x128xf32>,
    } else {
    }
    %ge3A = arith.constant 50 : i32
    %ge3A_21 = arith.cmpi sge, %arg0, %ge3A : i32
    %convert_element_type3A_22 = arith.extui %ge3A_21 : i1 to i32
    %cond3A_23 = arith.constant 0 : i32
    %cond3A_24 = arith.cmpi ne, %convert_element_type3A_22, %cond3A_23 : i32
    scf.if %cond3A_24 {
      %get3A_30 = arith.constant 0 : index
      %get3A_31 = arith.constant 0 : index
      %get3A_32 = vector.load %arg6[%get3A_30, %get3A_31] : memref<8x128xf32, #tpu.memory_space<vmem>>, vector<8x128xf32>
      %dot_general3A = arith.constant dense<0.000000e+00> : vector<2000x128xf32>
      %dot_general3A_33 = tpu.matmul %mul3A, %get3A_32, %dot_general3A {dimension_numbers = #tpu.dot_dimension_numbers<[1], [0], [0], [1], [0, 0, 1, 1], [], []>, transpose_lhs_hint = false} : vector<2000x8xf32>, vector<8x128xf32>, vector<2000x128xf32> -> vector<2000x128xf32>
      %get3A_34 = arith.constant 0 : index
      %get3A_35 = arith.constant 0 : index
      %get3A_36 = vector.load %arg7[%get3A_34, %get3A_35] : memref<1x128xf32, #tpu.memory_space<vmem>>, vector<1x128xf32>
      %add3A_37 = vector.broadcast %get3A_36 : vector<1x128xf32> to vector<2000x128xf32>
      %add3A_38 = arith.addf %dot_general3A_33, %add3A_37 : vector<2000x128xf32>
      %max3A = arith.constant 0.000000e+00 : f32
      %max3A_39 = vector.broadcast %max3A : f32 to vector<2000x128xf32>
      %max3A_40 = arith.maximumf %add3A_38, %max3A_39 : vector<2000x128xf32>
      %get3A_41 = arith.constant 0 : index
      %get3A_42 = arith.constant 0 : index
      %get3A_43 = vector.load %arg20[%get3A_41, %get3A_42] : memref<1x128xf32, #tpu.memory_space<vmem>>, vector<1x128xf32>
      %reduce_sum3A = arith.constant dense<0.000000e+00> : vector<128xf32>
      %reduce_sum3A_44 = vector.multi_reduction <add>, %max3A_40, %reduce_sum3A [0] : vector<2000x128xf32> to vector<128xf32>
      %broadcast_in_dim3A = vector.shape_cast %reduce_sum3A_44 : vector<128xf32> to vector<1x128xf32>
      %add3A_45 = arith.addf %get3A_43, %broadcast_in_dim3A : vector<1x128xf32>
      %swap3A = arith.constant 0 : index
      %swap3A_46 = arith.constant 0 : index
      %swap3A_47 = vector.load %arg20[%swap3A, %swap3A_46] : memref<1x128xf32, #tpu.memory_space<vmem>>, vector<1x128xf32>
      tpu.vector_store %arg20[%swap3A, %swap3A_46], %add3A_45 {strides = array<i32>} : memref<1x128xf32, #tpu.memory_space<vmem>>, vector<1x128xf32>,
    } else {
    }
    %eq3A_25 = arith.constant 74 : i32
    %eq3A_26 = arith.cmpi eq, %arg0, %eq3A_25 : i32
    %convert_element_type3A_27 = arith.extui %eq3A_26 : i1 to i32
    %cond3A_28 = arith.constant 0 : i32
    %cond3A_29 = arith.cmpi ne, %convert_element_type3A_27, %cond3A_28 : i32
    scf.if %cond3A_29 {
      %get3A_30 = arith.constant 0 : index
      %get3A_31 = arith.constant 0 : index
      %get3A_32 = vector.load %arg19[%get3A_30, %get3A_31] : memref<1x128xf32, #tpu.memory_space<vmem>>, vector<1x128xf32>
      %mul3A_33 = arith.constant 9.99999974E-6 : f32
      %mul3A_34 = vector.broadcast %mul3A_33 : f32 to vector<1x128xf32>
      %mul3A_35 = arith.mulf %get3A_32, %mul3A_34 : vector<1x128xf32>
      %get3A_36 = arith.constant 0 : index
      %get3A_37 = arith.constant 0 : index
      %get3A_38 = vector.load %arg20[%get3A_36, %get3A_37] : memref<1x128xf32, #tpu.memory_space<vmem>>, vector<1x128xf32>
      %mul3A_39 = arith.constant 2.000000e-05 : f32
      %mul3A_40 = vector.broadcast %mul3A_39 : f32 to vector<1x128xf32>
      %mul3A_41 = arith.mulf %get3A_38, %mul3A_40 : vector<1x128xf32>
      %get3A_42 = arith.constant 0 : index
      %get3A_43 = arith.constant 0 : index
      %get3A_44 = vector.load %arg8[%get3A_42, %get3A_43] : memref<256x128xf32, #tpu.memory_space<vmem>>, vector<128x128xf32>
      %dot_general3A = arith.constant dense<0.000000e+00> : vector<1x128xf32>
      %dot_general3A_45 = tpu.matmul %mul3A_35, %get3A_44, %dot_general3A {dimension_numbers = #tpu.dot_dimension_numbers<[1], [0], [0], [1], [0, 0, 1, 1], [], []>, transpose_lhs_hint = false} : vector<1x128xf32>, vector<128x128xf32>, vector<1x128xf32> -> vector<1x128xf32>
      %get3A_46 = arith.constant 128 : index
      %get3A_47 = arith.constant 0 : index
      %get3A_48 = vector.load %arg8[%get3A_46, %get3A_47] : memref<256x128xf32, #tpu.memory_space<vmem>>, vector<128x128xf32>
      %dot_general3A_49 = arith.constant dense<0.000000e+00> : vector<1x128xf32>
      %dot_general3A_50 = tpu.matmul %mul3A_41, %get3A_48, %dot_general3A_49 {dimension_numbers = #tpu.dot_dimension_numbers<[1], [0], [0], [1], [0, 0, 1, 1], [], []>, transpose_lhs_hint = false} : vector<1x128xf32>, vector<128x128xf32>, vector<1x128xf32> -> vector<1x128xf32>
      %add3A_51 = arith.addf %dot_general3A_45, %dot_general3A_50 : vector<1x128xf32>
      %get3A_52 = arith.constant 0 : index
      %get3A_53 = arith.constant 0 : index
      %get3A_54 = vector.load %arg9[%get3A_52, %get3A_53] : memref<1x128xf32, #tpu.memory_space<vmem>>, vector<1x128xf32>
      %add3A_55 = arith.addf %add3A_51, %get3A_54 : vector<1x128xf32>
      %max3A = arith.constant 0.000000e+00 : f32
      %max3A_56 = vector.broadcast %max3A : f32 to vector<1x128xf32>
      %max3A_57 = arith.maximumf %add3A_55, %max3A_56 : vector<1x128xf32>
      %get3A_58 = arith.constant 0 : index
      %get3A_59 = arith.constant 0 : index
      %get3A_60 = vector.load %arg10[%get3A_58, %get3A_59] : memref<128x64xf32, #tpu.memory_space<vmem>>, vector<128x64xf32>
      %dot_general3A_61 = arith.constant dense<0.000000e+00> : vector<1x64xf32>
      %dot_general3A_62 = tpu.matmul %max3A_57, %get3A_60, %dot_general3A_61 {dimension_numbers = #tpu.dot_dimension_numbers<[1], [0], [0], [1], [0, 0, 1, 1], [], []>, transpose_lhs_hint = false} : vector<1x128xf32>, vector<128x64xf32>, vector<1x64xf32> -> vector<1x64xf32>
      %get3A_63 = arith.constant 0 : index
      %get3A_64 = arith.constant 0 : index
      %get3A_65 = vector.load %arg11[%get3A_63, %get3A_64] : memref<1x64xf32, #tpu.memory_space<vmem>>, vector<1x64xf32>
      %add3A_66 = arith.addf %dot_general3A_62, %get3A_65 : vector<1x64xf32>
      %max3A_67 = arith.constant 0.000000e+00 : f32
      %max3A_68 = vector.broadcast %max3A_67 : f32 to vector<1x64xf32>
      %max3A_69 = arith.maximumf %add3A_66, %max3A_68 : vector<1x64xf32>
      %get3A_70 = arith.constant 0 : index
      %get3A_71 = arith.constant 0 : index
      %get3A_72 = vector.load %arg12[%get3A_70, %get3A_71] : memref<64x32xf32, #tpu.memory_space<vmem>>, vector<64x32xf32>
      %dot_general3A_73 = arith.constant dense<0.000000e+00> : vector<1x32xf32>
      %dot_general3A_74 = tpu.matmul %max3A_69, %get3A_72, %dot_general3A_73 {dimension_numbers = #tpu.dot_dimension_numbers<[1], [0], [0], [1], [0, 0, 1, 1], [], []>, transpose_lhs_hint = false} : vector<1x64xf32>, vector<64x32xf32>, vector<1x32xf32> -> vector<1x32xf32>
      %get3A_75 = arith.constant 0 : index
      %get3A_76 = arith.constant 0 : index
      %get3A_77 = vector.load %arg13[%get3A_75, %get3A_76] : memref<1x32xf32, #tpu.memory_space<vmem>>, vector<1x32xf32>
      %add3A_78 = arith.addf %dot_general3A_74, %get3A_77 : vector<1x32xf32>
      %max3A_79 = arith.constant 0.000000e+00 : f32
      %max3A_80 = vector.broadcast %max3A_79 : f32 to vector<1x32xf32>
      %max3A_81 = arith.maximumf %add3A_78, %max3A_80 : vector<1x32xf32>
      %get3A_82 = arith.constant 0 : index
      %get3A_83 = arith.constant 0 : index
      %get3A_84 = vector.load %arg14[%get3A_82, %get3A_83] : memref<32x16xf32, #tpu.memory_space<vmem>>, vector<32x16xf32>
      %dot_general3A_85 = arith.constant dense<0.000000e+00> : vector<1x16xf32>
      %dot_general3A_86 = tpu.matmul %max3A_81, %get3A_84, %dot_general3A_85 {dimension_numbers = #tpu.dot_dimension_numbers<[1], [0], [0], [1], [0, 0, 1, 1], [], []>, transpose_lhs_hint = false} : vector<1x32xf32>, vector<32x16xf32>, vector<1x16xf32> -> vector<1x16xf32>
      %get3A_87 = arith.constant 0 : index
      %get3A_88 = arith.constant 0 : index
      %get3A_89 = vector.load %arg15[%get3A_87, %get3A_88] : memref<1x16xf32, #tpu.memory_space<vmem>>, vector<1x16xf32>
      %add3A_90 = arith.addf %dot_general3A_86, %get3A_89 : vector<1x16xf32>
      %max3A_91 = arith.constant 0.000000e+00 : f32
      %max3A_92 = vector.broadcast %max3A_91 : f32 to vector<1x16xf32>
      %max3A_93 = arith.maximumf %add3A_90, %max3A_92 : vector<1x16xf32>
      %get3A_94 = arith.constant 0 : index
      %get3A_95 = arith.constant 0 : index
      %get3A_96 = vector.load %arg16[%get3A_94, %get3A_95] : memref<16x10xf32, #tpu.memory_space<vmem>>, vector<16x10xf32>
      %dot_general3A_97 = arith.constant dense<0.000000e+00> : vector<1x10xf32>
      %dot_general3A_98 = tpu.matmul %max3A_93, %get3A_96, %dot_general3A_97 {dimension_numbers = #tpu.dot_dimension_numbers<[1], [0], [0], [1], [0, 0, 1, 1], [], []>, transpose_lhs_hint = false} : vector<1x16xf32>, vector<16x10xf32>, vector<1x10xf32> -> vector<1x10xf32>
      %get3A_99 = arith.constant 0 : index
      %get3A_100 = arith.constant 0 : index
      %get3A_101 = vector.load %arg17[%get3A_99, %get3A_100] : memref<1x10xf32, #tpu.memory_space<vmem>>, vector<1x10xf32>
      %add3A_102 = arith.addf %dot_general3A_98, %get3A_101 : vector<1x10xf32>
      %reduce_max3A = arith.constant dense<0xFF800000> : vector<1xf32>
      %reduce_max3A_103 = vector.multi_reduction <maximumf>, %add3A_102, %reduce_max3A [1] : vector<1x10xf32> to vector<1xf32>
      %broadcast_in_dim3A = vector.shape_cast %reduce_max3A_103 : vector<1xf32> to vector<1x1xf32>
      %sub3A = vector.broadcast %broadcast_in_dim3A : vector<1x1xf32> to vector<1x10xf32>
      %sub3A_104 = arith.subf %add3A_102, %sub3A : vector<1x10xf32>
      %exp3A = math.exp %sub3A_104 : vector<1x10xf32>
      %reduce_sum3A = arith.constant dense<0.000000e+00> : vector<1xf32>
      %reduce_sum3A_105 = vector.multi_reduction <add>, %exp3A, %reduce_sum3A [1] : vector<1x10xf32> to vector<1xf32>
      %broadcast_in_dim3A_106 = vector.shape_cast %reduce_sum3A_105 : vector<1xf32> to vector<1x1xf32>
      %div3A = vector.broadcast %broadcast_in_dim3A_106 : vector<1x1xf32> to vector<1x10xf32>
      %div3A_107 = arith.divf %exp3A, %div3A : vector<1x10xf32>
      %swap3A = arith.constant 0 : index
      %swap3A_108 = arith.constant 0 : index
      %swap3A_109 = vector.load %arg18[%swap3A, %swap3A_108] : memref<1x10xf32, #tpu.memory_space<vmem>>, vector<1x10xf32>
      tpu.vector_store %arg18[%swap3A, %swap3A_108], %div3A_107 {strides = array<i32>} : memref<1x10xf32, #tpu.memory_space<vmem>>, vector<1x10xf32>,
    } else {
    }
    return
  }
  func.func @transform_0(%arg0: i32) -> (i32, i32) {
    %c0_i32 = arith.constant 0 : i32
    %c0_i32_0 = arith.constant 0 : i32
    return %arg0, %c0_i32 : i32, i32
  }
  func.func @transform_1(%arg0: i32) -> (i32, i32) {
    %c0_i32 = arith.constant 0 : i32
    %c0_i32_0 = arith.constant 0 : i32
    return %arg0, %c0_i32 : i32, i32
  }
  func.func @transform_2(%arg0: i32) -> (i32, i32) {
    %c0_i32 = arith.constant 0 : i32
    %c0_i32_0 = arith.constant 0 : i32
    return %arg0, %c0_i32 : i32, i32
  }
  func.func @transform_3(%arg0: i32) -> (i32, i32) {
    %c0_i32 = arith.constant 0 : i32
    %c0_i32_0 = arith.constant 0 : i32
    %c0_i32_1 = arith.constant 0 : i32
    return %c0_i32, %c0_i32_0 : i32, i32
  }
  func.func @transform_4(%arg0: i32) -> (i32, i32) {
    %c0_i32 = arith.constant 0 : i32
    %c0_i32_0 = arith.constant 0 : i32
    %c0_i32_1 = arith.constant 0 : i32
    return %c0_i32, %c0_i32_0 : i32, i32
  }
  func.func @transform_5(%arg0: i32) -> (i32, i32) {
    %c0_i32 = arith.constant 0 : i32
    %c0_i32_0 = arith.constant 0 : i32
    %c0_i32_1 = arith.constant 0 : i32
    return %c0_i32, %c0_i32_0 : i32, i32
  }
  func.func @transform_6(%arg0: i32) -> (i32, i32) {
    %c0_i32 = arith.constant 0 : i32
    %c0_i32_0 = arith.constant 0 : i32
    %c0_i32_1 = arith.constant 0 : i32
    return %c0_i32, %c0_i32_0 : i32, i32
  }
  func.func @transform_7(%arg0: i32) -> (i32, i32) {
    %c0_i32 = arith.constant 0 : i32
    %c0_i32_0 = arith.constant 0 : i32
    %c0_i32_1 = arith.constant 0 : i32
    return %c0_i32, %c0_i32_0 : i32, i32
  }
  func.func @transform_8(%arg0: i32) -> (i32, i32) {
    %c0_i32 = arith.constant 0 : i32
    %c0_i32_0 = arith.constant 0 : i32
    %c0_i32_1 = arith.constant 0 : i32
    return %c0_i32, %c0_i32_0 : i32, i32
  }
  func.func @transform_9(%arg0: i32) -> (i32, i32) {
    %c0_i32 = arith.constant 0 : i32
    %c0_i32_0 = arith.constant 0 : i32
    %c0_i32_1 = arith.constant 0 : i32
    return %c0_i32, %c0_i32_0 : i32, i32
  }
  func.func @transform_10(%arg0: i32) -> (i32, i32) {
    %c0_i32 = arith.constant 0 : i32
    %c0_i32_0 = arith.constant 0 : i32
    %c0_i32_1 = arith.constant 0 : i32
    return %c0_i32, %c0_i32_0 : i32, i32
  }
  func.func @transform_11(%arg0: i32) -> (i32, i32) {
    %c0_i32 = arith.constant 0 : i32
    %c0_i32_0 = arith.constant 0 : i32
    %c0_i32_1 = arith.constant 0 : i32
    return %c0_i32, %c0_i32_0 : i32, i32
  }
  func.func @transform_12(%arg0: i32) -> (i32, i32) {
    %c0_i32 = arith.constant 0 : i32
    %c0_i32_0 = arith.constant 0 : i32
    %c0_i32_1 = arith.constant 0 : i32
    return %c0_i32, %c0_i32_0 : i32, i32
  }
  func.func @transform_13(%arg0: i32) -> (i32, i32) {
    %c0_i32 = arith.constant 0 : i32
    %c0_i32_0 = arith.constant 0 : i32
    %c0_i32_1 = arith.constant 0 : i32
    return %c0_i32, %c0_i32_0 : i32, i32
  }
  func.func @transform_14(%arg0: i32) -> (i32, i32) {
    %c0_i32 = arith.constant 0 : i32
    %c0_i32_0 = arith.constant 0 : i32
    %c0_i32_1 = arith.constant 0 : i32
    return %c0_i32, %c0_i32_0 : i32, i32
  }
  func.func @transform_15(%arg0: i32) -> (i32, i32) {
    %c0_i32 = arith.constant 0 : i32
    %c0_i32_0 = arith.constant 0 : i32
    %c0_i32_1 = arith.constant 0 : i32
    return %c0_i32, %c0_i32_0 : i32, i32
  }
  func.func @transform_16(%arg0: i32) -> (i32, i32) {
    %c0_i32 = arith.constant 0 : i32
    %c0_i32_0 = arith.constant 0 : i32
    %c0_i32_1 = arith.constant 0 : i32
    return %c0_i32, %c0_i32_0 : i32, i32
  }
  func.func @transform_17(%arg0: i32) -> (i32, i32) {
    %c0_i32 = arith.constant 0 : i32
    %c0_i32_0 = arith.constant 0 : i32
    %c0_i32_1 = arith.constant 0 : i32
    return %c0_i32, %c0_i32_0 : i32, i32
  }
}

</mosaic_0001>

<sc_bundles>
// kernel: kernel.6.cloned.1.call-start
scs
__scs_entry_jumppad:
0x0: {  	(pc) =	sbr.rel $0x88, $3  }
0x1: {  	(tag) =	ssettag $0x0;
	lr =	simm.s32 $0x1  }
0x2: {  	[smem:$0x3F8F] =	sst lr;
	_ =	strace $0xD0000000  }
0x3: {  	_ = 	snop  }
0x4: {  	_ = 	snop  }
0x5: {  	_ = 	snop  }
0x6: {  	_ = 	snop  }
0x7: {  	_ = 	snop  }
__scs_overlays_trampoline_lowered:
0x8: {  	[smem:$0x3F9E] =	sst s0  }
0x9: {  	[smem:$0x3F9F] =	sst s1  }
0xa: {  	[smem:$0x3FA0] =	sst s2  }
0xb: {  	[smem:$0x3FA1] =	sst s3  }
0xc: {  	[smem:$0x3FA2] =	sst s4  }
0xd: {  	[smem:$0x3FA3] =	sst s5  }
0xe: {  	[smem:$0x3FA4] =	sst s6  }
0xf: {  	[smem:$0x3FA5] =	sst s7  }
0x10: {  	[smem:$0x3FA6] =	sst s8  }
0x11: {  	[smem:$0x3FA7] =	sst s9;
	s0 =	simm.s32 @!p0 $0x0  }
0x12: {  	s1 =	sld [smem:$0x3F8D];
	s0 =	simm.s32 @p0 $0x1  }
0x13: {  	[smem:$0x3FA8] =	sst s0;
	s0 =	simm.s32 @!p1 $0x0  }
0x14: {  	s2 =	sld [smem:$0x3F8C];
	s0 =	simm.s32 @p1 $0x1  }
0x15: {  	[smem:$0x3FA9] =	sst s0;
	s0 =	simm.s32 @!p2 $0x0  }
0x16: {  	s3 =	sld [smem:$0x3FDB];
	s0 =	simm.s32 @p2 $0x1  }
0x17: {  	s4 =	simm.s32 $0x1BF5;
	[smem:$0x3FAB] =	sst s0  }
0x18: {  	s0 =	sld [smem:$0x3F8E];
	_ =	swait.ge [sflag:s4], $0x0  }
0x19: {  	s7 =	sld [smem:$0x3F8F]  }
0x1a: {  	s8 =	sadd.s32 $0xFFFFE003, lr  }
0x1b: {  	s9 =	sadd.s32 $0xFFFFFEF7, lr;
	s5 =	simm.s32 $0xFFFFFFFF;
	p2 =	slt.u32 s8, $0xFFFFF086  }
0x1c: {  	p1 =	slt.u32 s9, $0xF7A;
	s5 =	simm.s32 @!p2 $0x0  }
0x1d: {  	s5 =	simm.s32 @p1 $0x1;
	p0 =	seq.s32 s7, s2  }
0x1e: {  	s7 =	smul.u32 @!p0 $0xF7A, s2;
	p2 =	seq.s32 @!p0 s5, $0x0  }
0x1f: {  	s9 =	smul.u32 $0xF7A, s1;
	s8 =	simm.s32 @!p0 $0x1BF5;
	p2 =	por !p2, p0  }
0x20: {  	[sflag:s8] =	ssyncset.s32 @!p0 $0xFFFFF086;
	s6 =	sadd.s32 @!p0 s3, s7;
	s7 =	simm.s32 @!p0 $0x108  }
0x21: {  	s3 =	sadd.s32 s3, s9;
	s6 =	sadd.s32 @!p0 $0x88, s6;
	s7 =	simm.s32 @p2 $0x1082  }
0x22: {  	[simem:s7], [sflag:s8] =	dma.local @!p0 [hbm:s6], $0xF7A  }
0x23: {  	s9 =	sor.u32 $0xD0000000, s2;
	s6 =	simm.s32 $0x108;
	_ =	swait.ge @!p0 [sflag:s8], $0x0  }
0x24: {  	s3 =	sadd.s32 $0x88, s3;
	s6 =	simm.s32 @!p1 $0x1082;
	[sflag:s4] =	ssyncset.s32 $0xFFFFF086  }
0x25: {  	[simem:s6], [sflag:s4] =	dma.local [hbm:s3], $0xF7A  }
0x26: {  	[smem:$0x3F8F] =	sst s1;
	(tag) =	ssettag s2;
	_ =	strace s9  }
0x27: {  	s1 =	sld [smem:$0x3F9F]  }
0x28: {  	s2 =	sld [smem:$0x3FA0]  }
0x29: {  	s4 =	sld [smem:$0x3FA2]  }
0x2a: {  	p0 =	seq.s32 s5, $0x0;
	s5 =	sld [smem:$0x3FA3]  }
0x2b: {  	s6 =	sld [smem:$0x3FA4]  }
0x2c: {  	s7 =	sld [smem:$0x3FA5]  }
0x2d: {  	s3 =	simm.s32 $0x108;
	s8 =	sld [smem:$0x3FA6]  }
0x2e: {  	s3 =	simm.s32 @!p0 $0x1082;
	s9 =	sld [smem:$0x3FA7]  }
0x2f: {  	lr =	sadd.s32 s0, s3;
	s0 =	sld [smem:$0x3F9E]  }
0x30: {  	s3 =	sld [smem:$0x3FA1]  }
0x31: {  	[smem:$0x3FAA] =	sst s10  }
0x32: {  	s10 =	sld [smem:$0x3FA8];
	_ =	sdelay $0x3  }
0x33: {  	p0 =	seq.s32 s10, $0x1;
	s10 =	sld [smem:$0x3FAA];
	_ =	sdelay $0x3  }
0x34: {  	[smem:$0x3FAA] =	sst s10  }
0x35: {  	s10 =	sld [smem:$0x3FA9];
	_ =	sdelay $0x3  }
0x36: {  	p1 =	seq.s32 s10, $0x1;
	s10 =	sld [smem:$0x3FAA];
	_ =	sdelay $0x3  }
0x37: {  	[smem:$0x3FAA] =	sst s10  }
0x38: {  	s10 =	sld [smem:$0x3FAB]  }
0x39: {  	_ = 	snop;
	(pc) =	sbr.ind lr, $3  }
0x3a: {  	_ = 	snop  }
0x3b: {  	_ = 	snop  }
0x3c: {  	p2 =	seq.s32 s10, $0x1;
	s10 =	sld [smem:$0x3FAA]  }
0x3d: {  	_ =	shalt  }
0x3e: {  	_ =	shalt  }
0x3f: {  	_ =	shalt  }
0x40: {  	_ =	shalt  }
0x41: {  	_ =	shalt  }
0x42: {  	_ =	shalt  }
0x43: {  	_ =	shalt  }
0x44: {  	_ =	shalt  }
0x45: {  	_ =	shalt  }
0x46: {  	_ =	shalt  }
0x47: {  	_ =	shalt  }
0x48: {  	_ =	shalt  }
0x49: {  	_ =	shalt  }
0x4a: {  	_ =	shalt  }
0x4b: {  	_ =	shalt  }
0x4c: {  	_ =	shalt  }
0x4d: {  	_ =	shalt  }
0x4e: {  	_ =	shalt  }
0x4f: {  	_ =	shalt  }
0x50: {  	_ =	shalt  }
0x51: {  	_ =	shalt  }
0x52: {  	_ =	shalt  }
0x53: {  	_ =	shalt  }
0x54: {  	_ =	shalt  }
0x55: {  	_ =	shalt  }
0x56: {  	_ =	shalt  }
0x57: {  	_ =	shalt  }
0x58: {  	_ =	shalt  }
0x59: {  	_ =	shalt  }
0x5a: {  	_ =	shalt  }
0x5b: {  	_ =	shalt  }
0x5c: {  	_ =	shalt  }
0x5d: {  	_ =	shalt  }
0x5e: {  	_ =	shalt  }
0x5f: {  	_ =	shalt  }
0x60: {  	_ =	shalt  }
0x61: {  	_ =	shalt  }
0x62: {  	_ =	shalt  }
0x63: {  	_ =	shalt  }
0x64: {  	_ =	shalt  }
0x65: {  	_ =	shalt  }
0x66: {  	_ =	shalt  }
0x67: {  	_ =	shalt  }
0x68: {  	_ =	shalt  }
0x69: {  	_ =	shalt  }
0x6a: {  	_ =	shalt  }
0x6b: {  	_ =	shalt  }
0x6c: {  	_ =	shalt  }
0x6d: {  	_ =	shalt  }
0x6e: {  	_ =	shalt  }
0x6f: {  	_ =	shalt  }
0x70: {  	_ =	shalt  }
0x71: {  	_ =	shalt  }
0x72: {  	_ =	shalt  }
0x73: {  	_ =	shalt  }
0x74: {  	_ =	shalt  }
0x75: {  	_ =	shalt  }
0x76: {  	_ =	shalt  }
0x77: {  	_ =	shalt  }
0x78: {  	_ =	shalt  }
0x79: {  	_ =	shalt  }
0x7a: {  	_ =	shalt  }
0x7b: {  	_ =	shalt  }
0x7c: {  	_ =	shalt  }
0x7d: {  	_ =	shalt  }
0x7e: {  	_ =	shalt  }
0x7f: {  	_ =	shalt  }
0x80: {  	_ =	shalt  }
0x81: {  	_ =	shalt  }
0x82: {  	_ =	shalt  }
0x83: {  	_ =	shalt  }
0x84: {  	_ =	shalt  }
0x85: {  	_ =	shalt  }
0x86: {  	_ =	shalt  }
0x87: {  	_ =	shalt  }
.Lfunc_end0:
.L_simem_size_0:
called_computation_lowered:
.L_overlay_start_0:
0x88: {  	s0 =	sld [smem:$0x3FD9]  }
0x89: {  	s1 =	sld [smem:$0x3FFE];
	_ =	sdelay $0x3  }
0x8a: {  	s0 =	sadd.s32 s1, s0  }
0x8b: {  	[smem:$0x3FB6] =	sst s0  }
0x8c: {  	_ = 	snop  }
0x8d: {  	(tm) =	ssettm $0x1  }
0x8e: {  	s15 =	sld [smem:$0x3FFB];
	_ =	sdelay $0x3  }
0x8f: {  	_ =	strace s15  }
0x90: {  	s0 =	sld [smem:$0x3FFC];
	_ =	sdelay $0x3  }
0x91: {  	_ =	strace s0  }
0x92: {  	s0 =	sld [smem:$0x3FFD];
	_ =	sdelay $0x3  }
0x93: {  	_ =	strace s0  }
0x94: {  	_ =	strace $0x8FFFFFFF  }
0x95: {  	s16 =	sld [smem:$0x3FDB];
	_ =	sdelay $0x1  }
0x96: {  	s17 =	simm.s32 $_scs_section_size  }
0x97: {  	s2 =	simm.s32 $_size__tile_overlayer_lowered;
	s3 =	simm.s32 $_tile_overlayer_lowered  }
0x98: {  	s20 =	simm.s32 $0x1BFF;
	s19 =	sshll.u32 s3, $0x1;
	s0 =	sadd.s32 s17, s16  }
0x99: {  	s4 =	simm.s32 $0x0;
	s18 =	sshll.u32 s2, $0x1;
	s2 =	sadd.s32 s19, s0  }
0x9a: {  	[timem:s4], [sflag:s20] =	dma.local [hbm:s2], s18  }
0x9b: {  	_ =	swait.ge [sflag:s20], s18  }
0x9c: {  	s1 =	ssub.s32 $0x0, s18;
	[sflag:s20] =	ssyncset.done $0x0  }
0x9d: {  	[sflag:s20] =	ssyncadd.s32 s1;
	_ =	sdelay $0x1  }
0x9e: {  	s21 =	simm.s32 $0x1B8B  }
0x9f: {  	_ =	swait.ge [sflag:s21], $0x1  }
0xa0: {  	[sflag:s21] =	ssyncset.done $0x0  }
0xa1: {  	s23 =	simm.s32 $0x1B8E;
	s22 =	sld [smem:$0x3FFE];
	[sflag:s21] =	ssyncadd.s32 $0xFFFFFFFF  }
0xa2: {  	s24 =	simm.s32 $execute0_lowered;
	[smem:$0x3FD2] =	sst s23  }
0xa3: {  	s2 =	sshll.u32 s24, $0x1;
	_ =	strace $0x80000046;
	[dreg:$0x1] =	wrdreg $0xFFFFFFFF  }
0xa4: {  	s25 =	simm.s32 $_size_execute0_lowered;
	s0 =	sadd.s32 s0, s2;
	[dreg:$0x0] =	wrdreg $0x0  }
0xa5: {  	s2 =	sshll.u32 s25, $0x1;
	[dreg:$0x2] =	wrdreg s0  }
0xa6: {  	[dreg:$0x3] =	wrdreg s2  }
0xa7: {  	[dreg:$0x4] =	wrdreg $0xC0  }
0xa8: {  	_ =	task [dreg:s4], $0x5FFFF  }
0xa9: {  	[dreg:$0x1] =	wrdreg $0xFFFFFFFF  }
0xaa: {  	[dreg:$0x0] =	wrdreg $0x60  }
0xab: {  	[dreg:$0x2] =	wrdreg s22  }
0xac: {  	[dreg:$0x3] =	wrdreg $0x0  }
0xad: {  	[dreg:$0x4] =	wrdreg $0x9  }
0xae: {  	_ =	task.clear_ibuf [dreg:s4], $0x5FFFF;
	_ =	strace $0x90000046  }
0xaf: {  	s26 =	simm.s32 $0x9;
	_ =	strace $0x80000048  }
0xb0: {  	_ =	swait.ge [sflag:s26], $0x1  }
0xb1: {  	[sflag:s26] =	ssyncadd.s32 $0xFFFFFFFF  }
0xb2: {  	_ =	strace $0x90000048  }
0xb3: {  	_ =	sfence  }
0xb4: {  	s28 =	sld [smem:$0x0];
	_ =	sdelay $0x1  }
0xb5: {  	s29 =	srdreg.scid  }
0xb6: {  	s30 =	sshll.u32 s29, $0xD;
	s31 =	sshrl.u32 s29, $0x2  }
0xb7: {  	s1 =	sand.u32 $0x1, s29;
	s2 =	sand.u32 $0x4000, s30;
	s0 =	sadd.s32 s31, s28  }
0xb8: {  	s1 =	sor.u32 s2, s1;
	s0 =	sshll.u32 s0, $0x11  }
0xb9: {  	s0 =	sor.u32 s0, s1  }
0xba: {  	s0 =	sadd.s32 $0x8F2B, s0  }
0xbb: {  	[sflag:s0] =	ssyncadd.remote.s32 $0x1  }
0xbc: {  	_ =	sfence.sel $0xFFFF  }
0xbd: {  	[dreg:$0x0] =	wrdreg $0xFFFFFFFF;
	(pc) =	sbr.abs _section_cstart, $3  }
0xbe: {  	[dreg:$0x1] =	wrdreg $0xFFFFFFFF  }
0xbf: {  	_ =	task.clear_ibuf [dreg:s4], $0x2FFFF;
	_ =	strace $0x9FFFFFFF  }
0xc0: {  	(tm) =	ssettm $0x7FFFFFFF  }
0xc1: {  	_ =	shalt  }
tec
execute0_lowered:
.L_overlay_start_1:
0x0: {  	(tag) =	ssettag $0x1  }
0x1: {  	s6 =	rddreg [dreg:$0x0]  }
0x2: {  	s2 =	rddreg [dreg:$0x1];
	s1 =	stileid.u32  }
0x3: {  	s0 =	rddreg [dreg:$0x2];
	s11 =	simm.s32 $0x0;
	s3 =	smul.u32 $0x12800, s1  }
0x4: {  	s8 =	simm.s32 $0x1;
	[smem:$0x7FF] =	sst s11  }
0x5: {  	s4 =	sshll.u32 s1, $0x6;
	s7 =	sadd.s32 $0xA2C00, s6;
	s5 =	sadd.s32 s3, s2  }
0x6: {  	_ =	strace $0x80000047;
	s4 =	sor.u32 $0x1C01, s4;
	s5 =	sshrl.u32 s5, $0x3  }
0x7: {  	[spmem:s5], [sflag:s4] =	dma.local [hbm:s7], $0x2500  }
0x8: {  	_ =	swait.ge [sflag:s8], $0x2500  }
0x9: {  	[sflag:s8] =	ssyncset.done $0x0  }
0xa: {  	[sflag:s8] =	ssyncadd.s32 $0xFFFFDB00  }
0xb: {  	s10 =	simm.s32 $0x12800;
	s30 =	sadd.s32 $0xA2A00, s6;
	[bflag:$0x0] =	sbarrier.arrive $0xFFFF  }
0xc: {  	[tilespmem:s10], [sflag:$0x1] =	stream.linear.gather [hbm4b:s30+s11], $0x1000, $0x38;
	[tilespmem:$0x18800] =	vst v63  }
0xd: {  	s9 =	smul.u32 $0x5000, s1;
	_ =	swait.ge [sflag:s8], $0x1000  }
0xe: {  	s7 =	sadd.s32 $0x2A00, s6;
	[sflag:s8] =	ssyncset.done $0x0  }
0xf: {  	s13 =	simm.s32 $0x13800;
	s12 =	sadd.s32 s7, s9;
	[sflag:s8] =	ssyncadd.s32 $0xFFFFF000  }
0x10: {  	[tilespmem:s13], [sflag:$0x1] =	stream.linear.gather [hbm4b:s12+s11], $0x5000, $0x38;
	[tilespmem:$0x18800] =	vst v63  }
0x11: {  	_ =	swait.ge [sflag:s8], $0x5000  }
0x12: {  	[sflag:s8] =	ssyncset.done $0x0  }
0x13: {  	s31 =	simm.s32 $0x13800;
	s11 =	simm.s32 $0x200;
	[sflag:s8] =	ssyncadd.s32 $0xFFFFB000  }
0x14: {  	[spmem:s2] =	stream.indirect.scatter.add.f32 [tilespmem:s10], [sflag:$0x1], $0x8, s31, s11, $0xb8;
	[tilespmem:$0x18800] =	vst v63  }
0x15: {  	s6 =	sadd.s32 $0xA5200, s6;
	s12 =	simm.s32 $0x800;
	_ =	swait.ge [sflag:s8], $0x1000  }
.LBB2_1:
0x16: {  	s13 =	sshra.s32 s12, $0x2;
	[sflag:s8] =	ssyncset.done $0x0;
	p0 =	sne.s32 s12, $0x13800  }
.Ltmp0:
0x17: {  	s13 =	sadd.s32 $0x13800, s13;
	[sflag:s8] =	ssyncadd.s32 $0xFFFFF000;
	(pc) =	sbr.rel @p0 .LBB2_1-.Ltmp0, $3  }
0x18: {  	[spmem:s2] =	stream.indirect.scatter.add.f32 [tilespmem:s10], [sflag:$0x1], $0x8, s13, s11, $0xb8;
	[tilespmem:$0x18800] =	vst v63  }
0x19: {  	s12 =	sadd.s32 $0x800, s12;
	_ =	sdelay $0x1  }
0x1a: {  	_ =	swait.ge [sflag:s8], $0x1000  }
0x1b: {  	[sflag:s8] =	ssyncset.done $0x0;
	s30 =	sadd.s32 s9, s7;
	s31 =	simm.s32 $0x0  }
0x1c: {  	s10 =	simm.s32 $0x13800;
	[sflag:s8] =	ssyncadd.s32 $0xFFFFF000;
	s8 =	sadd.s32 $0xA00, s30  }
0x1d: {  	[tilespmem:s10], [sflag:$0x1] =	stream.linear.gather [hbm4b:s8+s31], $0x5000, $0x38;
	[tilespmem:$0x18800] =	vst v63  }
0x1e: {  	s8 =	simm.s32 $0x1  }
0x1f: {  	_ =	swait.ge [sflag:s8], $0x5000  }
0x20: {  	s9 =	simm.s32 $0x200;
	[sflag:s8] =	ssyncset.done $0x0  }
0x21: {  	s11 =	simm.s32 $0x13800;
	s10 =	simm.s32 $0x12800;
	[sflag:s8] =	ssyncadd.s32 $0xFFFFB000  }
0x22: {  	[spmem:s2] =	stream.indirect.scatter.add.f32 [tilespmem:s10], [sflag:$0x1], $0x8, s11, s9, $0xb8;
	[tilespmem:$0x18800] =	vst v63  }
0x23: {  	s11 =	simm.s32 $0x800;
	_ =	swait.ge [sflag:s8], $0x1000  }
.LBB2_3:
0x24: {  	s12 =	sshra.s32 s11, $0x2;
	[sflag:s8] =	ssyncset.done $0x0;
	p0 =	sne.s32 s11, $0x13800  }
.Ltmp1:
0x25: {  	s12 =	sadd.s32 $0x13800, s12;
	[sflag:s8] =	ssyncadd.s32 $0xFFFFF000;
	(pc) =	sbr.rel @p0 .LBB2_3-.Ltmp1, $3  }
0x26: {  	[spmem:s2] =	stream.indirect.scatter.add.f32 [tilespmem:s10], [sflag:$0x1], $0x8, s12, s9, $0xb8;
	[tilespmem:$0x18800] =	vst v63  }
0x27: {  	s11 =	sadd.s32 $0x800, s11;
	_ =	sdelay $0x1  }
0x28: {  	_ =	swait.ge [sflag:s8], $0x1000  }
0x29: {  	s9 =	smul.u32 $0x28000, s1;
	_ =	sdelay $0x1  }
0x2a: {  	[sflag:s8] =	ssyncset.done $0x0;
	s9 =	sshrl.u32 s9, $0x3  }
0x2b: {  	s31 =	simm.s32 $0x0;
	s10 =	simm.s32 $0x13800;
	s7 =	sadd.s32 s7, s9  }
0x2c: {  	[sflag:s8] =	ssyncadd.s32 $0xFFFFF000;
	s8 =	simm.s32 $0x1;
	s30 =	sadd.s32 $0x1400, s7  }
0x2d: {  	[tilespmem:s10], [sflag:$0x1] =	stream.linear.gather [hbm4b:s30+s31], $0x5000, $0x38;
	[tilespmem:$0x18800] =	vst v63  }
0x2e: {  	_ =	swait.ge [sflag:s8], $0x5000  }
0x2f: {  	s11 =	simm.s32 $0x13800;
	[sflag:s8] =	ssyncset.done $0x0  }
0x30: {  	s9 =	simm.s32 $0x200;
	s10 =	simm.s32 $0x12800;
	[sflag:s8] =	ssyncadd.s32 $0xFFFFB000  }
0x31: {  	[spmem:s2] =	stream.indirect.scatter.add.f32 [tilespmem:s10], [sflag:$0x1], $0x8, s11, s9, $0xb8;
	[tilespmem:$0x18800] =	vst v63  }
0x32: {  	s11 =	simm.s32 $0x800;
	_ =	swait.ge [sflag:s8], $0x1000  }
.LBB2_5:
0x33: {  	s12 =	sshra.s32 s11, $0x2;
	[sflag:s8] =	ssyncset.done $0x0;
	p0 =	sne.s32 s11, $0x13800  }
.Ltmp2:
0x34: {  	s12 =	sadd.s32 $0x13800, s12;
	[sflag:s8] =	ssyncadd.s32 $0xFFFFF000;
	(pc) =	sbr.rel @p0 .LBB2_5-.Ltmp2, $3  }
0x35: {  	[spmem:s2] =	stream.indirect.scatter.add.f32 [tilespmem:s10], [sflag:$0x1], $0x8, s12, s9, $0xb8;
	[tilespmem:$0x18800] =	vst v63  }
0x36: {  	s11 =	sadd.s32 $0x800, s11;
	_ =	sdelay $0x1  }
0x37: {  	_ =	swait.ge [sflag:s8], $0x1000  }
0x38: {  	[sflag:s8] =	ssyncset.done $0x0;
	s31 =	sadd.s32 $0x1E00, s7;
	s9 =	simm.s32 $0x0  }
0x39: {  	s10 =	simm.s32 $0x13800;
	[sflag:s8] =	ssyncadd.s32 $0xFFFFF000;
	s8 =	simm.s32 $0x1  }
0x3a: {  	[tilespmem:s10], [sflag:$0x1] =	stream.linear.gather [hbm4b:s31+s9], $0x5000, $0x38;
	[tilespmem:$0x18800] =	vst v63  }
0x3b: {  	_ =	swait.ge [sflag:s8], $0x5000  }
0x3c: {  	s11 =	simm.s32 $0x13800;
	[sflag:s8] =	ssyncset.done $0x0  }
0x3d: {  	s9 =	simm.s32 $0x200;
	s10 =	simm.s32 $0x12800;
	[sflag:s8] =	ssyncadd.s32 $0xFFFFB000  }
0x3e: {  	[spmem:s2] =	stream.indirect.scatter.add.f32 [tilespmem:s10], [sflag:$0x1], $0x8, s11, s9, $0xb8;
	[tilespmem:$0x18800] =	vst v63  }
0x3f: {  	s11 =	simm.s32 $0x800;
	_ =	swait.ge [sflag:s8], $0x1000  }
.LBB2_7:
0x40: {  	s12 =	sshra.s32 s11, $0x2;
	[sflag:s8] =	ssyncset.done $0x0;
	p0 =	sne.s32 s11, $0x13800  }
.Ltmp3:
0x41: {  	s12 =	sadd.s32 $0x13800, s12;
	[sflag:s8] =	ssyncadd.s32 $0xFFFFF000;
	(pc) =	sbr.rel @p0 .LBB2_7-.Ltmp3, $3  }
0x42: {  	[spmem:s2] =	stream.indirect.scatter.add.f32 [tilespmem:s10], [sflag:$0x1], $0x8, s12, s9, $0xb8;
	[tilespmem:$0x18800] =	vst v63  }
0x43: {  	s11 =	sadd.s32 $0x800, s11;
	_ =	sdelay $0x1  }
0x44: {  	_ =	swait.ge [sflag:s8], $0x1000  }
0x45: {  	[sflag:s8] =	ssyncset.done $0x0;
	s31 =	sadd.s32 $0x2800, s7;
	s9 =	simm.s32 $0x0  }
0x46: {  	s10 =	simm.s32 $0x13800;
	[sflag:s8] =	ssyncadd.s32 $0xFFFFF000;
	s8 =	simm.s32 $0x1  }
0x47: {  	[tilespmem:s10], [sflag:$0x1] =	stream.linear.gather [hbm4b:s31+s9], $0x5000, $0x38;
	[tilespmem:$0x18800] =	vst v63  }
0x48: {  	_ =	swait.ge [sflag:s8], $0x5000  }
0x49: {  	s11 =	simm.s32 $0x13800;
	[sflag:s8] =	ssyncset.done $0x0  }
0x4a: {  	s9 =	simm.s32 $0x200;
	s10 =	simm.s32 $0x12800;
	[sflag:s8] =	ssyncadd.s32 $0xFFFFB000  }
0x4b: {  	[spmem:s2] =	stream.indirect.scatter.add.f32 [tilespmem:s10], [sflag:$0x1], $0x8, s11, s9, $0xb8;
	[tilespmem:$0x18800] =	vst v63  }
0x4c: {  	s11 =	simm.s32 $0x800;
	_ =	swait.ge [sflag:s8], $0x1000  }
.LBB2_9:
0x4d: {  	s12 =	sshra.s32 s11, $0x2;
	[sflag:s8] =	ssyncset.done $0x0;
	p0 =	sne.s32 s11, $0x13800  }
.Ltmp4:
0x4e: {  	s12 =	sadd.s32 $0x13800, s12;
	[sflag:s8] =	ssyncadd.s32 $0xFFFFF000;
	(pc) =	sbr.rel @p0 .LBB2_9-.Ltmp4, $3  }
0x4f: {  	[spmem:s2] =	stream.indirect.scatter.add.f32 [tilespmem:s10], [sflag:$0x1], $0x8, s12, s9, $0xb8;
	[tilespmem:$0x18800] =	vst v63  }
0x50: {  	s11 =	sadd.s32 $0x800, s11;
	_ =	sdelay $0x1  }
0x51: {  	_ =	swait.ge [sflag:s8], $0x1000  }
0x52: {  	[sflag:s8] =	ssyncset.done $0x0;
	s31 =	sadd.s32 $0x3200, s7;
	s9 =	simm.s32 $0x0  }
0x53: {  	s10 =	simm.s32 $0x13800;
	[sflag:s8] =	ssyncadd.s32 $0xFFFFF000;
	s8 =	simm.s32 $0x1  }
0x54: {  	[tilespmem:s10], [sflag:$0x1] =	stream.linear.gather [hbm4b:s31+s9], $0x5000, $0x38;
	[tilespmem:$0x18800] =	vst v63  }
0x55: {  	_ =	swait.ge [sflag:s8], $0x5000  }
0x56: {  	s11 =	simm.s32 $0x13800;
	[sflag:s8] =	ssyncset.done $0x0  }
0x57: {  	s9 =	simm.s32 $0x200;
	s10 =	simm.s32 $0x12800;
	[sflag:s8] =	ssyncadd.s32 $0xFFFFB000  }
0x58: {  	[spmem:s2] =	stream.indirect.scatter.add.f32 [tilespmem:s10], [sflag:$0x1], $0x8, s11, s9, $0xb8;
	[tilespmem:$0x18800] =	vst v63  }
0x59: {  	s11 =	simm.s32 $0x800;
	_ =	swait.ge [sflag:s8], $0x1000  }
.LBB2_11:
0x5a: {  	s12 =	sshra.s32 s11, $0x2;
	[sflag:s8] =	ssyncset.done $0x0;
	p0 =	sne.s32 s11, $0x13800  }
.Ltmp5:
0x5b: {  	s12 =	sadd.s32 $0x13800, s12;
	[sflag:s8] =	ssyncadd.s32 $0xFFFFF000;
	(pc) =	sbr.rel @p0 .LBB2_11-.Ltmp5, $3  }
0x5c: {  	[spmem:s2] =	stream.indirect.scatter.add.f32 [tilespmem:s10], [sflag:$0x1], $0x8, s12, s9, $0xb8;
	[tilespmem:$0x18800] =	vst v63  }
0x5d: {  	s11 =	sadd.s32 $0x800, s11;
	_ =	sdelay $0x1  }
0x5e: {  	_ =	swait.ge [sflag:s8], $0x1000  }
0x5f: {  	[sflag:s8] =	ssyncset.done $0x0;
	s31 =	sadd.s32 $0x3C00, s7;
	s9 =	simm.s32 $0x0  }
0x60: {  	s10 =	simm.s32 $0x13800;
	[sflag:s8] =	ssyncadd.s32 $0xFFFFF000;
	s8 =	simm.s32 $0x1  }
0x61: {  	[tilespmem:s10], [sflag:$0x1] =	stream.linear.gather [hbm4b:s31+s9], $0x5000, $0x38;
	[tilespmem:$0x18800] =	vst v63  }
0x62: {  	_ =	swait.ge [sflag:s8], $0x5000  }
0x63: {  	s11 =	simm.s32 $0x13800;
	[sflag:s8] =	ssyncset.done $0x0  }
0x64: {  	s9 =	simm.s32 $0x200;
	s10 =	simm.s32 $0x12800;
	[sflag:s8] =	ssyncadd.s32 $0xFFFFB000  }
0x65: {  	[spmem:s2] =	stream.indirect.scatter.add.f32 [tilespmem:s10], [sflag:$0x1], $0x8, s11, s9, $0xb8;
	[tilespmem:$0x18800] =	vst v63  }
0x66: {  	s11 =	simm.s32 $0x800;
	_ =	swait.ge [sflag:s8], $0x1000  }
.LBB2_13:
0x67: {  	s12 =	sshra.s32 s11, $0x2;
	[sflag:s8] =	ssyncset.done $0x0;
	p0 =	sne.s32 s11, $0x13800  }
.Ltmp6:
0x68: {  	s12 =	sadd.s32 $0x13800, s12;
	[sflag:s8] =	ssyncadd.s32 $0xFFFFF000;
	(pc) =	sbr.rel @p0 .LBB2_13-.Ltmp6, $3  }
0x69: {  	[spmem:s2] =	stream.indirect.scatter.add.f32 [tilespmem:s10], [sflag:$0x1], $0x8, s12, s9, $0xb8;
	[tilespmem:$0x18800] =	vst v63  }
0x6a: {  	s11 =	sadd.s32 $0x800, s11;
	_ =	sdelay $0x1  }
0x6b: {  	_ =	swait.ge [sflag:s8], $0x1000  }
0x6c: {  	[sflag:s8] =	ssyncset.done $0x0;
	s7 =	sadd.s32 $0x4600, s7  }
0x6d: {  	s31 =	simm.s32 $0x0;
	s9 =	simm.s32 $0x13800;
	[sflag:s8] =	ssyncadd.s32 $0xFFFFF000  }
0x6e: {  	[tilespmem:s9], [sflag:$0x1] =	stream.linear.gather [hbm4b:s7+s31], $0x5000, $0x38;
	[tilespmem:$0x18800] =	vst v63  }
0x6f: {  	s7 =	simm.s32 $0x1  }
0x70: {  	_ =	swait.ge [sflag:s7], $0x5000  }
0x71: {  	s10 =	simm.s32 $0x13800;
	[sflag:s7] =	ssyncset.done $0x0  }
0x72: {  	s8 =	simm.s32 $0x200;
	s9 =	simm.s32 $0x12800;
	[sflag:s7] =	ssyncadd.s32 $0xFFFFB000  }
0x73: {  	[spmem:s2] =	stream.indirect.scatter.add.f32 [tilespmem:s9], [sflag:$0x1], $0x8, s10, s8, $0xb8;
	[tilespmem:$0x18800] =	vst v63  }
0x74: {  	s10 =	simm.s32 $0x800;
	_ =	swait.ge [sflag:s7], $0x1000  }
.LBB2_15:
0x75: {  	s11 =	sshra.s32 s10, $0x2;
	[sflag:s7] =	ssyncset.done $0x0;
	p0 =	sne.s32 s10, $0x13800  }
.Ltmp7:
0x76: {  	s11 =	sadd.s32 $0x13800, s11;
	[sflag:s7] =	ssyncadd.s32 $0xFFFFF000;
	(pc) =	sbr.rel @p0 .LBB2_15-.Ltmp7, $3  }
0x77: {  	[spmem:s2] =	stream.indirect.scatter.add.f32 [tilespmem:s9], [sflag:$0x1], $0x8, s11, s8, $0xb8;
	[tilespmem:$0x18800] =	vst v63  }
0x78: {  	s10 =	sadd.s32 $0x800, s10;
	_ =	sdelay $0x1  }
0x79: {  	_ =	swait.ge [sflag:s7], $0x1000  }
0x7a: {  	[sflag:s7] =	ssyncset.done $0x0  }
0x7b: {  	s2 =	sshrl.u32 s3, $0x3;
	[sflag:s7] =	ssyncadd.s32 $0xFFFFF000  }
0x7c: {  	s31 =	simm.s32 $0x1;
	s2 =	sadd.s32 s6, s2;
	[bflag:$0x0] =	sbarrier.arrive $0xFFFF  }
0x7d: {  	[hbm:s2], [sflag:s4] =	dma.local [spmem:s5], $0x2500  }
0x7e: {  	_ =	swait.ge [sflag:s31], $0x2500  }
0x7f: {  	[sflag:s31] =	ssyncset.done $0x0  }
0x80: {  	[sflag:s31] =	ssyncadd.s32 $0xFFFFDB00  }
0x81: {  	_ =	sfence.sel $0x180000  }
0x82: {  	[bflag:$0x0] =	sbarrier.arrive $0xFFFF  }
0x83: {  	p0 =	sne.s32 s1, $0x0;
	_ =	strace $0x90000047  }
0x84: {  	s0 =	sadd.s32 @!p0 $0x100000, s0;
	[bflag:$0x2] =	sbarrier.arrive $0xFFFF  }
0x85: {  	[sflag:s0] =	ssyncadd.tile.s32 @!p0 $0x1;
	_ =	shalt  }
.Lfunc_end2:
_tile_overlayer_lowered:
.L_overlay_start_2:
0x86: {  	(tag) =	ssettag $0x2  }
0x87: {  	s0 =	rddreg [dreg:$0x0];
	s2 =	stileid.u32  }
0x88: {  	s1 =	rddreg [dreg:$0x1];
	p0 =	sne.s32 s2, $0x0  }
0x89: {  	s3 =	rddreg [dreg:$0x2];
	[bflag:$0x3] =	sbarrier.arrive $0xFFFF;
	s2 =	simm.s32 @!p0 $0x1C01  }
0x8a: {  	[timem:s3], [sflag:s2] =	dma.local @!p0 [hbm:s0], s1  }
0x8b: {  	s0 =	simm.s32 @!p0 $0x1  }
0x8c: {  	_ =	swait.ge @!p0 [sflag:s0], s1  }
0x8d: {  	s1 =	ssub.s32 @!p0 $0x0, s1;
	[sflag:s0] =	ssyncset.done @!p0 $0x0  }
0x8e: {  	[sflag:s0] =	ssyncadd.s32 @!p0 s1  }
0x8f: {  	[bflag:$0x3] =	sbarrier.arrive $0xFFFF  }
0x90: {  	_ =	shalt  }

// kernel: kernel.9.cloned.1.call-start
scs
__scs_entry_jumppad:
0x0: {  	(pc) =	sbr.rel $0x88, $3  }
0x1: {  	(tag) =	ssettag $0x0;
	lr =	simm.s32 $0x1  }
0x2: {  	[smem:$0x3F8F] =	sst lr;
	_ =	strace $0xD0000000  }
0x3: {  	_ = 	snop  }
0x4: {  	_ = 	snop  }
0x5: {  	_ = 	snop  }
0x6: {  	_ = 	snop  }
0x7: {  	_ = 	snop  }
__scs_overlays_trampoline_lowered:
0x8: {  	[smem:$0x3F9E] =	sst s0  }
0x9: {  	[smem:$0x3F9F] =	sst s1  }
0xa: {  	[smem:$0x3FA0] =	sst s2  }
0xb: {  	[smem:$0x3FA1] =	sst s3  }
0xc: {  	[smem:$0x3FA2] =	sst s4  }
0xd: {  	[smem:$0x3FA3] =	sst s5  }
0xe: {  	[smem:$0x3FA4] =	sst s6  }
0xf: {  	[smem:$0x3FA5] =	sst s7  }
0x10: {  	[smem:$0x3FA6] =	sst s8  }
0x11: {  	[smem:$0x3FA7] =	sst s9;
	s0 =	simm.s32 @!p0 $0x0  }
0x12: {  	s1 =	sld [smem:$0x3F8D];
	s0 =	simm.s32 @p0 $0x1  }
0x13: {  	[smem:$0x3FA8] =	sst s0;
	s0 =	simm.s32 @!p1 $0x0  }
0x14: {  	s2 =	sld [smem:$0x3F8C];
	s0 =	simm.s32 @p1 $0x1  }
0x15: {  	[smem:$0x3FA9] =	sst s0;
	s0 =	simm.s32 @!p2 $0x0  }
0x16: {  	s3 =	sld [smem:$0x3FDB];
	s0 =	simm.s32 @p2 $0x1  }
0x17: {  	s4 =	simm.s32 $0x1BF5;
	[smem:$0x3FAB] =	sst s0  }
0x18: {  	s0 =	sld [smem:$0x3F8E];
	_ =	swait.ge [sflag:s4], $0x0  }
0x19: {  	s7 =	sld [smem:$0x3F8F]  }
0x1a: {  	s8 =	sadd.s32 $0xFFFFE003, lr  }
0x1b: {  	s9 =	sadd.s32 $0xFFFFFEF7, lr;
	s5 =	simm.s32 $0xFFFFFFFF;
	p2 =	slt.u32 s8, $0xFFFFF086  }
0x1c: {  	p1 =	slt.u32 s9, $0xF7A;
	s5 =	simm.s32 @!p2 $0x0  }
0x1d: {  	s5 =	simm.s32 @p1 $0x1;
	p0 =	seq.s32 s7, s2  }
0x1e: {  	s7 =	smul.u32 @!p0 $0xF7A, s2;
	p2 =	seq.s32 @!p0 s5, $0x0  }
0x1f: {  	s9 =	smul.u32 $0xF7A, s1;
	s8 =	simm.s32 @!p0 $0x1BF5;
	p2 =	por !p2, p0  }
0x20: {  	[sflag:s8] =	ssyncset.s32 @!p0 $0xFFFFF086;
	s6 =	sadd.s32 @!p0 s3, s7;
	s7 =	simm.s32 @!p0 $0x108  }
0x21: {  	s3 =	sadd.s32 s3, s9;
	s6 =	sadd.s32 @!p0 $0x88, s6;
	s7 =	simm.s32 @p2 $0x1082  }
0x22: {  	[simem:s7], [sflag:s8] =	dma.local @!p0 [hbm:s6], $0xF7A  }
0x23: {  	s9 =	sor.u32 $0xD0000000, s2;
	s6 =	simm.s32 $0x108;
	_ =	swait.ge @!p0 [sflag:s8], $0x0  }
0x24: {  	s3 =	sadd.s32 $0x88, s3;
	s6 =	simm.s32 @!p1 $0x1082;
	[sflag:s4] =	ssyncset.s32 $0xFFFFF086  }
0x25: {  	[simem:s6], [sflag:s4] =	dma.local [hbm:s3], $0xF7A  }
0x26: {  	[smem:$0x3F8F] =	sst s1;
	(tag) =	ssettag s2;
	_ =	strace s9  }
0x27: {  	s1 =	sld [smem:$0x3F9F]  }
0x28: {  	s2 =	sld [smem:$0x3FA0]  }
0x29: {  	s4 =	sld [smem:$0x3FA2]  }
0x2a: {  	p0 =	seq.s32 s5, $0x0;
	s5 =	sld [smem:$0x3FA3]  }
0x2b: {  	s6 =	sld [smem:$0x3FA4]  }
0x2c: {  	s7 =	sld [smem:$0x3FA5]  }
0x2d: {  	s3 =	simm.s32 $0x108;
	s8 =	sld [smem:$0x3FA6]  }
0x2e: {  	s3 =	simm.s32 @!p0 $0x1082;
	s9 =	sld [smem:$0x3FA7]  }
0x2f: {  	lr =	sadd.s32 s0, s3;
	s0 =	sld [smem:$0x3F9E]  }
0x30: {  	s3 =	sld [smem:$0x3FA1]  }
0x31: {  	[smem:$0x3FAA] =	sst s10  }
0x32: {  	s10 =	sld [smem:$0x3FA8];
	_ =	sdelay $0x3  }
0x33: {  	p0 =	seq.s32 s10, $0x1;
	s10 =	sld [smem:$0x3FAA];
	_ =	sdelay $0x3  }
0x34: {  	[smem:$0x3FAA] =	sst s10  }
0x35: {  	s10 =	sld [smem:$0x3FA9];
	_ =	sdelay $0x3  }
0x36: {  	p1 =	seq.s32 s10, $0x1;
	s10 =	sld [smem:$0x3FAA];
	_ =	sdelay $0x3  }
0x37: {  	[smem:$0x3FAA] =	sst s10  }
0x38: {  	s10 =	sld [smem:$0x3FAB]  }
0x39: {  	_ = 	snop;
	(pc) =	sbr.ind lr, $3  }
0x3a: {  	_ = 	snop  }
0x3b: {  	_ = 	snop  }
0x3c: {  	p2 =	seq.s32 s10, $0x1;
	s10 =	sld [smem:$0x3FAA]  }
0x3d: {  	_ =	shalt  }
0x3e: {  	_ =	shalt  }
0x3f: {  	_ =	shalt  }
0x40: {  	_ =	shalt  }
0x41: {  	_ =	shalt  }
0x42: {  	_ =	shalt  }
0x43: {  	_ =	shalt  }
0x44: {  	_ =	shalt  }
0x45: {  	_ =	shalt  }
0x46: {  	_ =	shalt  }
0x47: {  	_ =	shalt  }
0x48: {  	_ =	shalt  }
0x49: {  	_ =	shalt  }
0x4a: {  	_ =	shalt  }
0x4b: {  	_ =	shalt  }
0x4c: {  	_ =	shalt  }
0x4d: {  	_ =	shalt  }
0x4e: {  	_ =	shalt  }
0x4f: {  	_ =	shalt  }
0x50: {  	_ =	shalt  }
0x51: {  	_ =	shalt  }
0x52: {  	_ =	shalt  }
0x53: {  	_ =	shalt  }
0x54: {  	_ =	shalt  }
0x55: {  	_ =	shalt  }
0x56: {  	_ =	shalt  }
0x57: {  	_ =	shalt  }
0x58: {  	_ =	shalt  }
0x59: {  	_ =	shalt  }
0x5a: {  	_ =	shalt  }
0x5b: {  	_ =	shalt  }
0x5c: {  	_ =	shalt  }
0x5d: {  	_ =	shalt  }
0x5e: {  	_ =	shalt  }
0x5f: {  	_ =	shalt  }
0x60: {  	_ =	shalt  }
0x61: {  	_ =	shalt  }
0x62: {  	_ =	shalt  }
0x63: {  	_ =	shalt  }
0x64: {  	_ =	shalt  }
0x65: {  	_ =	shalt  }
0x66: {  	_ =	shalt  }
0x67: {  	_ =	shalt  }
0x68: {  	_ =	shalt  }
0x69: {  	_ =	shalt  }
0x6a: {  	_ =	shalt  }
0x6b: {  	_ =	shalt  }
0x6c: {  	_ =	shalt  }
0x6d: {  	_ =	shalt  }
0x6e: {  	_ =	shalt  }
0x6f: {  	_ =	shalt  }
0x70: {  	_ =	shalt  }
0x71: {  	_ =	shalt  }
0x72: {  	_ =	shalt  }
0x73: {  	_ =	shalt  }
0x74: {  	_ =	shalt  }
0x75: {  	_ =	shalt  }
0x76: {  	_ =	shalt  }
0x77: {  	_ =	shalt  }
0x78: {  	_ =	shalt  }
0x79: {  	_ =	shalt  }
0x7a: {  	_ =	shalt  }
0x7b: {  	_ =	shalt  }
0x7c: {  	_ =	shalt  }
0x7d: {  	_ =	shalt  }
0x7e: {  	_ =	shalt  }
0x7f: {  	_ =	shalt  }
0x80: {  	_ =	shalt  }
0x81: {  	_ =	shalt  }
0x82: {  	_ =	shalt  }
0x83: {  	_ =	shalt  }
0x84: {  	_ =	shalt  }
0x85: {  	_ =	shalt  }
0x86: {  	_ =	shalt  }
0x87: {  	_ =	shalt  }
.Lfunc_end0:
.L_simem_size_0:
called_computation.1_lowered:
.L_overlay_start_0:
0x88: {  	s0 =	sld [smem:$0x3FD9]  }
0x89: {  	s1 =	sld [smem:$0x3FFE];
	_ =	sdelay $0x3  }
0x8a: {  	s0 =	sadd.s32 s1, s0  }
0x8b: {  	[smem:$0x3FB6] =	sst s0  }
0x8c: {  	_ = 	snop  }
0x8d: {  	(tm) =	ssettm $0x1  }
0x8e: {  	s15 =	sld [smem:$0x3FFB];
	_ =	sdelay $0x3  }
0x8f: {  	_ =	strace s15  }
0x90: {  	s0 =	sld [smem:$0x3FFC];
	_ =	sdelay $0x3  }
0x91: {  	_ =	strace s0  }
0x92: {  	s0 =	sld [smem:$0x3FFD];
	_ =	sdelay $0x3  }
0x93: {  	_ =	strace s0  }
0x94: {  	_ =	strace $0x8FFFFFFF  }
0x95: {  	s16 =	sld [smem:$0x3FDB];
	_ =	sdelay $0x1  }
0x96: {  	s17 =	simm.s32 $_scs_section_size  }
0x97: {  	s2 =	simm.s32 $_size__tile_overlayer_lowered;
	s3 =	simm.s32 $_tile_overlayer_lowered  }
0x98: {  	s20 =	simm.s32 $0x1BFF;
	s19 =	sshll.u32 s3, $0x1;
	s0 =	sadd.s32 s17, s16  }
0x99: {  	s4 =	simm.s32 $0x0;
	s18 =	sshll.u32 s2, $0x1;
	s2 =	sadd.s32 s19, s0  }
0x9a: {  	[timem:s4], [sflag:s20] =	dma.local [hbm:s2], s18  }
0x9b: {  	_ =	swait.ge [sflag:s20], s18  }
0x9c: {  	s1 =	ssub.s32 $0x0, s18;
	[sflag:s20] =	ssyncset.done $0x0  }
0x9d: {  	[sflag:s20] =	ssyncadd.s32 s1;
	_ =	sdelay $0x1  }
0x9e: {  	s21 =	simm.s32 $0x1B8B  }
0x9f: {  	_ =	swait.ge [sflag:s21], $0x1  }
0xa0: {  	[sflag:s21] =	ssyncset.done $0x0  }
0xa1: {  	s23 =	simm.s32 $0x1B8E;
	s22 =	sld [smem:$0x3FFE];
	[sflag:s21] =	ssyncadd.s32 $0xFFFFFFFF  }
0xa2: {  	s24 =	simm.s32 $execute0_lowered;
	[smem:$0x3FD2] =	sst s23  }
0xa3: {  	s2 =	sshll.u32 s24, $0x1;
	_ =	strace $0x80000049;
	[dreg:$0x1] =	wrdreg $0xFFFFFFFF  }
0xa4: {  	s25 =	simm.s32 $_size_execute0_lowered;
	s0 =	sadd.s32 s0, s2;
	[dreg:$0x0] =	wrdreg $0x0  }
0xa5: {  	s2 =	sshll.u32 s25, $0x1;
	[dreg:$0x2] =	wrdreg s0  }
0xa6: {  	[dreg:$0x3] =	wrdreg s2  }
0xa7: {  	[dreg:$0x4] =	wrdreg $0xC0  }
0xa8: {  	_ =	task [dreg:s4], $0x5FFFF  }
0xa9: {  	[dreg:$0x1] =	wrdreg $0xFFFFFFFF  }
0xaa: {  	[dreg:$0x0] =	wrdreg $0x60  }
0xab: {  	[dreg:$0x2] =	wrdreg s22  }
0xac: {  	[dreg:$0x3] =	wrdreg $0x0  }
0xad: {  	[dreg:$0x4] =	wrdreg $0x94000  }
0xae: {  	[dreg:$0x5] =	wrdreg $0x9  }
0xaf: {  	_ =	task.clear_ibuf [dreg:s4], $0x6FFFF;
	_ =	strace $0x90000049  }
0xb0: {  	s26 =	simm.s32 $0x9;
	_ =	strace $0x8000004B  }
0xb1: {  	_ =	swait.ge [sflag:s26], $0x1  }
0xb2: {  	[sflag:s26] =	ssyncadd.s32 $0xFFFFFFFF  }
0xb3: {  	_ =	strace $0x9000004B  }
0xb4: {  	_ =	sfence  }
0xb5: {  	s28 =	sld [smem:$0x0];
	_ =	sdelay $0x1  }
0xb6: {  	s29 =	srdreg.scid  }
0xb7: {  	s30 =	sshll.u32 s29, $0xD;
	s31 =	sshrl.u32 s29, $0x2  }
0xb8: {  	s1 =	sand.u32 $0x1, s29;
	s2 =	sand.u32 $0x4000, s30;
	s0 =	sadd.s32 s31, s28  }
0xb9: {  	s1 =	sor.u32 s2, s1;
	s0 =	sshll.u32 s0, $0x11  }
0xba: {  	s0 =	sor.u32 s0, s1  }
0xbb: {  	s0 =	sadd.s32 $0x8F2B, s0  }
0xbc: {  	[sflag:s0] =	ssyncadd.remote.s32 $0x1  }
0xbd: {  	_ =	sfence.sel $0xFFFF  }
0xbe: {  	[dreg:$0x0] =	wrdreg $0xFFFFFFFF;
	(pc) =	sbr.abs _section_cstart, $3  }
0xbf: {  	[dreg:$0x1] =	wrdreg $0xFFFFFFFF  }
0xc0: {  	_ =	task.clear_ibuf [dreg:s4], $0x2FFFF;
	_ =	strace $0x9FFFFFFF  }
0xc1: {  	(tm) =	ssettm $0x7FFFFFFF  }
tec
execute0_lowered:
.L_overlay_start_1:
0x0: {  	(tag) =	ssettag $0x1  }
0x1: {  	s7 =	rddreg [dreg:$0x0]  }
0x2: {  	s2 =	rddreg [dreg:$0x1];
	s0 =	stileid.u32  }
0x3: {  	s6 =	rddreg [dreg:$0x2];
	s5 =	smul.u32 $0x25000, s0  }
0x4: {  	s1 =	rddreg [dreg:$0x3];
	s13 =	simm.s32 $0x0  }
0x5: {  	s11 =	simm.s32 $0x2;
	[smem:$0x7FF] =	sst s13;
	s8 =	sshrl.u32 s5, $0x1  }
0x6: {  	s3 =	sshll.u32 s0, $0x6;
	s9 =	sadd.s32 $0x31A200, s7;
	s4 =	sadd.s32 s8, s2  }
0x7: {  	_ =	strace $0x8000004A;
	s3 =	sor.u32 $0x1C02, s3;
	s4 =	sshrl.u32 s4, $0x3  }
0x8: {  	[spmem:s4], [sflag:s3] =	dma.local [hbm:s9], $0x2500  }
0x9: {  	s5 =	sshrl.u32 s5, $0x4;
	_ =	swait.ge [sflag:s11], $0x2500  }
0xa: {  	s28 =	sadd.s32 s5, s7;
	s8 =	sadd.s32 s8, s6;
	[sflag:s11] =	ssyncset.done $0x0  }
0xb: {  	s8 =	sshrl.u32 s8, $0x3;
	s9 =	sadd.s32 $0x31C800, s28;
	[sflag:s11] =	ssyncadd.s32 $0xFFFFDB00  }
0xc: {  	[spmem:s8], [sflag:s3] =	dma.local [hbm:s9], $0x2500  }
0xd: {  	_ =	swait.ge [sflag:s11], $0x2500  }
0xe: {  	s10 =	smul.u32 $0x5000, s0;
	[sflag:s11] =	ssyncset.done $0x0  }
0xf: {  	s8 =	sadd.s32 $0x52A00, s7;
	[sflag:s11] =	ssyncadd.s32 $0xFFFFDB00  }
0x10: {  	s14 =	simm.s32 $0x12800;
	s29 =	sadd.s32 s8, s10;
	[bflag:$0x0] =	sbarrier.arrive $0xFFFF  }
0x11: {  	[tilespmem:s14], [sflag:$0x2] =	stream.linear.gather [hbm4b:s29+s13], $0x5000, $0x38;
	[tilespmem:$0x1E800] =	vst v63  }
0x12: {  	_ =	swait.ge [sflag:s11], $0x5000  }
0x13: {  	s9 =	sadd.s32 $0x2A00, s7;
	[sflag:s11] =	ssyncset.done $0x0  }
0x14: {  	s12 =	simm.s32 $0x17800;
	s15 =	sadd.s32 s9, s10;
	[sflag:s11] =	ssyncadd.s32 $0xFFFFB000  }
0x15: {  	[tilespmem:s12], [sflag:$0x2] =	stream.linear.gather [hbm4b:s15+s13], $0x5000, $0x38;
	[tilespmem:$0x1E800] =	vst v63  }
0x16: {  	_ =	swait.ge [sflag:s11], $0x5000  }
0x17: {  	[sflag:s11] =	ssyncset.done $0x0  }
0x18: {  	s30 =	simm.s32 $0x1C800;
	s13 =	simm.s32 $0x200;
	[sflag:s11] =	ssyncadd.s32 $0xFFFFB000  }
0x19: {  	[tilespmem:s30], [sflag:$0x1] =	stream.indirect.gather [spmem:s6], $0x4, s14, s13, $0xb8;
	[tilespmem:$0x1E800] =	vst v63  }
0x1a: {  	s31 =	simm.s32 $0x0;
	s14 =	simm.s32 $0x1  }
0x1b: {  	s16 =	sand.u32 $0x1000, s31;
	_ =	swait.ge [sflag:s14], $0x800  }
0x1c: {  	s17 =	sxor.u32 $0x1000, s16;
	[sflag:s14] =	ssyncset.done $0x0  }
0x1d: {  	s17 =	sor.u32 $0x1C800, s17;
	s15 =	simm.s32 $0x12A00;
	[sflag:s14] =	ssyncadd.s32 $0xFFFFF800  }
0x1e: {  	[tilespmem:s17], [sflag:$0x1] =	stream.indirect.gather [spmem:s6], $0x4, s15, s13, $0xb8;
	[tilespmem:$0x1E800] =	vst v63  }
0x1f: {  	s16 =	sor.u32 $0x1C800, s16  }
0x20: {  	[spmem:s2] =	stream.indirect.scatter.add.bf16 [tilespmem:s16], [sflag:$0x2], $0x4, s12, s13, $0xb8;
	[tilespmem:$0x1E800] =	vst v63  }
0x21: {  	_ =	swait.ge [sflag:s11], $0x800  }
0x22: {  	s7 =	sadd.s32 $0x341800, s7;
	s16 =	simm.s32 $0x1;
	[sflag:s11] =	ssyncset.done $0x0  }
.LBB2_1:
0x23: {  	[sflag:s11] =	ssyncadd.s32 $0xFFFFF800;
	s12 =	sadd.s32 $0x200, s12;
	s15 =	sadd.s32 $0x200, s15  }
0x24: {  	s17 =	sshll.u32 s16, $0xC;
	p0 =	sne.s32 s16, $0x26;
	s16 =	sadd.s32 $0x1, s16  }
0x25: {  	s17 =	sand.u32 $0x1000, s17;
	_ =	swait.ge [sflag:s14], $0x800  }
0x26: {  	s18 =	sxor.u32 $0x1000, s17;
	[sflag:s14] =	ssyncset.done $0x0  }
0x27: {  	s18 =	sor.u32 $0x1C800, s18;
	[sflag:s14] =	ssyncadd.s32 $0xFFFFF800  }
0x28: {  	[tilespmem:s18], [sflag:$0x1] =	stream.indirect.gather [spmem:s6], $0x4, s15, s13, $0xb8;
	[tilespmem:$0x1E800] =	vst v63  }
.Ltmp0:
0x29: {  	_ = 	snop;
	(pc) =	sbr.rel @p0 .LBB2_1-.Ltmp0, $4  }
0x2a: {  	s17 =	sor.u32 $0x1C800, s17  }
0x2b: {  	[spmem:s2] =	stream.indirect.scatter.add.bf16 [tilespmem:s17], [sflag:$0x2], $0x4, s12, s13, $0xb8;
	[tilespmem:$0x1E800] =	vst v63  }
0x2c: {  	_ =	swait.ge [sflag:s11], $0x800  }
0x2d: {  	[sflag:s11] =	ssyncset.done $0x0  }
0x2e: {  	[sflag:s11] =	ssyncadd.s32 $0xFFFFF800;
	s11 =	simm.s32 $0x1  }
0x2f: {  	_ =	swait.ge [sflag:s11], $0x800  }
0x30: {  	s12 =	simm.s32 $0x200;
	[sflag:s11] =	ssyncset.done $0x0  }
0x31: {  	s13 =	simm.s32 $0x1C600;
	s14 =	simm.s32 $0x1D800;
	[sflag:s11] =	ssyncadd.s32 $0xFFFFF800  }
0x32: {  	[spmem:s2] =	stream.indirect.scatter.add.bf16 [tilespmem:s14], [sflag:$0x2], $0x4, s13, s12, $0xb8;
	[tilespmem:$0x1E800] =	vst v63  }
0x33: {  	s13 =	simm.s32 $0x2  }
0x34: {  	_ =	swait.ge [sflag:s13], $0x800  }
0x35: {  	s10 =	sor.u32 $0xA00, s10;
	s15 =	simm.s32 $0x0;
	[sflag:s13] =	ssyncset.done $0x0  }
0x36: {  	s16 =	simm.s32 $0x12800;
	s25 =	sadd.s32 s8, s10;
	[sflag:s13] =	ssyncadd.s32 $0xFFFFF800  }
0x37: {  	[tilespmem:s16], [sflag:$0x2] =	stream.linear.gather [hbm4b:s25+s15], $0x5000, $0x38;
	[tilespmem:$0x1E800] =	vst v63  }
0x38: {  	_ =	swait.ge [sflag:s13], $0x5000  }
0x39: {  	[sflag:s13] =	ssyncset.done $0x0  }
0x3a: {  	s26 =	sadd.s32 s9, s10;
	s10 =	simm.s32 $0x17800;
	[sflag:s13] =	ssyncadd.s32 $0xFFFFB000  }
0x3b: {  	[tilespmem:s10], [sflag:$0x2] =	stream.linear.gather [hbm4b:s26+s15], $0x5000, $0x38;
	[tilespmem:$0x1E800] =	vst v63  }
0x3c: {  	_ =	swait.ge [sflag:s13], $0x5000  }
0x3d: {  	[sflag:s13] =	ssyncset.done $0x0  }
0x3e: {  	s28 =	simm.s32 $0x1C800;
	s29 =	simm.s32 $0x0;
	[sflag:s13] =	ssyncadd.s32 $0xFFFFB000  }
0x3f: {  	[tilespmem:s28], [sflag:$0x1] =	stream.indirect.gather [spmem:s6], $0x4, s16, s12, $0xb8;
	[tilespmem:$0x1E800] =	vst v63  }
0x40: {  	s30 =	sand.u32 $0x1000, s29;
	_ =	swait.ge [sflag:s11], $0x800  }
0x41: {  	s31 =	sxor.u32 $0x1000, s30;
	[sflag:s11] =	ssyncset.done $0x0  }
0x42: {  	s14 =	simm.s32 $0x12A00;
	s16 =	sor.u32 $0x1C800, s31;
	[sflag:s11] =	ssyncadd.s32 $0xFFFFF800  }
0x43: {  	[tilespmem:s16], [sflag:$0x1] =	stream.indirect.gather [spmem:s6], $0x4, s14, s12, $0xb8;
	[tilespmem:$0x1E800] =	vst v63  }
0x44: {  	s15 =	sor.u32 $0x1C800, s30  }
0x45: {  	[spmem:s2] =	stream.indirect.scatter.add.bf16 [tilespmem:s15], [sflag:$0x2], $0x4, s10, s12, $0xb8;
	[tilespmem:$0x1E800] =	vst v63  }
0x46: {  	_ =	swait.ge [sflag:s13], $0x800  }
0x47: {  	s15 =	simm.s32 $0x1;
	[sflag:s13] =	ssyncset.done $0x0  }
.LBB2_3:
0x48: {  	[sflag:s13] =	ssyncadd.s32 $0xFFFFF800;
	s10 =	sadd.s32 $0x200, s10;
	s14 =	sadd.s32 $0x200, s14  }
0x49: {  	s16 =	sshll.u32 s15, $0xC;
	p0 =	sne.s32 s15, $0x26;
	s15 =	sadd.s32 $0x1, s15  }
0x4a: {  	s16 =	sand.u32 $0x1000, s16;
	_ =	swait.ge [sflag:s11], $0x800  }
0x4b: {  	s17 =	sxor.u32 $0x1000, s16;
	[sflag:s11] =	ssyncset.done $0x0  }
0x4c: {  	s17 =	sor.u32 $0x1C800, s17;
	[sflag:s11] =	ssyncadd.s32 $0xFFFFF800  }
0x4d: {  	[tilespmem:s17], [sflag:$0x1] =	stream.indirect.gather [spmem:s6], $0x4, s14, s12, $0xb8;
	[tilespmem:$0x1E800] =	vst v63  }
.Ltmp1:
0x4e: {  	_ = 	snop;
	(pc) =	sbr.rel @p0 .LBB2_3-.Ltmp1, $4  }
0x4f: {  	s16 =	sor.u32 $0x1C800, s16  }
0x50: {  	[spmem:s2] =	stream.indirect.scatter.add.bf16 [tilespmem:s16], [sflag:$0x2], $0x4, s10, s12, $0xb8;
	[tilespmem:$0x1E800] =	vst v63  }
0x51: {  	_ =	swait.ge [sflag:s13], $0x800  }
0x52: {  	[sflag:s13] =	ssyncset.done $0x0  }
0x53: {  	[sflag:s13] =	ssyncadd.s32 $0xFFFFF800;
	s11 =	simm.s32 $0x1  }
0x54: {  	s12 =	simm.s32 $0x200;
	_ =	swait.ge [sflag:s11], $0x800  }
0x55: {  	s10 =	simm.s32 $0x1C600;
	s24 =	simm.s32 $0x1D800;
	[sflag:s11] =	ssyncset.done $0x0  }
0x56: {  	s13 =	simm.s32 $0x2;
	s25 =	smul.u32 $0x28000, s0;
	[sflag:s11] =	ssyncadd.s32 $0xFFFFF800  }
0x57: {  	[spmem:s2] =	stream.indirect.scatter.add.bf16 [tilespmem:s24], [sflag:$0x2], $0x4, s10, s12, $0xb8;
	[tilespmem:$0x1E800] =	vst v63  }
0x58: {  	s10 =	sshrl.u32 s25, $0x3;
	_ =	swait.ge [sflag:s13], $0x800  }
0x59: {  	s16 =	simm.s32 $0x0;
	s14 =	sadd.s32 $0x1400, s10;
	[sflag:s13] =	ssyncset.done $0x0  }
0x5a: {  	s17 =	simm.s32 $0x12800;
	s15 =	sadd.s32 s8, s14;
	[sflag:s13] =	ssyncadd.s32 $0xFFFFF800  }
0x5b: {  	[tilespmem:s17], [sflag:$0x2] =	stream.linear.gather [hbm4b:s15+s16], $0x5000, $0x38;
	[tilespmem:$0x1E800] =	vst v63  }
0x5c: {  	_ =	swait.ge [sflag:s13], $0x5000  }
0x5d: {  	[sflag:s13] =	ssyncset.done $0x0  }
0x5e: {  	s26 =	sadd.s32 s9, s14;
	s14 =	simm.s32 $0x17800;
	[sflag:s13] =	ssyncadd.s32 $0xFFFFB000  }
0x5f: {  	[tilespmem:s14], [sflag:$0x2] =	stream.linear.gather [hbm4b:s26+s16], $0x5000, $0x38;
	[tilespmem:$0x1E800] =	vst v63  }
0x60: {  	_ =	swait.ge [sflag:s13], $0x5000  }
0x61: {  	[sflag:s13] =	ssyncset.done $0x0  }
0x62: {  	s28 =	simm.s32 $0x1C800;
	s29 =	simm.s32 $0x0;
	[sflag:s13] =	ssyncadd.s32 $0xFFFFB000  }
0x63: {  	[tilespmem:s28], [sflag:$0x1] =	stream.indirect.gather [spmem:s6], $0x4, s17, s12, $0xb8;
	[tilespmem:$0x1E800] =	vst v63  }
0x64: {  	s30 =	sand.u32 $0x1000, s29;
	_ =	swait.ge [sflag:s11], $0x800  }
0x65: {  	s31 =	sxor.u32 $0x1000, s30;
	[sflag:s11] =	ssyncset.done $0x0  }
0x66: {  	s15 =	simm.s32 $0x12A00;
	s17 =	sor.u32 $0x1C800, s31;
	[sflag:s11] =	ssyncadd.s32 $0xFFFFF800  }
0x67: {  	[tilespmem:s17], [sflag:$0x1] =	stream.indirect.gather [spmem:s6], $0x4, s15, s12, $0xb8;
	[tilespmem:$0x1E800] =	vst v63  }
0x68: {  	s16 =	sor.u32 $0x1C800, s30  }
0x69: {  	[spmem:s2] =	stream.indirect.scatter.add.bf16 [tilespmem:s16], [sflag:$0x2], $0x4, s14, s12, $0xb8;
	[tilespmem:$0x1E800] =	vst v63  }
0x6a: {  	_ =	swait.ge [sflag:s13], $0x800  }
0x6b: {  	s16 =	simm.s32 $0x1;
	[sflag:s13] =	ssyncset.done $0x0  }
.LBB2_5:
0x6c: {  	[sflag:s13] =	ssyncadd.s32 $0xFFFFF800;
	s14 =	sadd.s32 $0x200, s14;
	s15 =	sadd.s32 $0x200, s15  }
0x6d: {  	s17 =	sshll.u32 s16, $0xC;
	p0 =	sne.s32 s16, $0x26;
	s16 =	sadd.s32 $0x1, s16  }
0x6e: {  	s17 =	sand.u32 $0x1000, s17;
	_ =	swait.ge [sflag:s11], $0x800  }
0x6f: {  	s18 =	sxor.u32 $0x1000, s17;
	[sflag:s11] =	ssyncset.done $0x0  }
0x70: {  	s18 =	sor.u32 $0x1C800, s18;
	[sflag:s11] =	ssyncadd.s32 $0xFFFFF800  }
0x71: {  	[tilespmem:s18], [sflag:$0x1] =	stream.indirect.gather [spmem:s6], $0x4, s15, s12, $0xb8;
	[tilespmem:$0x1E800] =	vst v63  }
.Ltmp2:
0x72: {  	_ = 	snop;
	(pc) =	sbr.rel @p0 .LBB2_5-.Ltmp2, $4  }
0x73: {  	s17 =	sor.u32 $0x1C800, s17  }
0x74: {  	[spmem:s2] =	stream.indirect.scatter.add.bf16 [tilespmem:s17], [sflag:$0x2], $0x4, s14, s12, $0xb8;
	[tilespmem:$0x1E800] =	vst v63  }
0x75: {  	_ =	swait.ge [sflag:s13], $0x800  }
0x76: {  	[sflag:s13] =	ssyncset.done $0x0  }
0x77: {  	[sflag:s13] =	ssyncadd.s32 $0xFFFFF800;
	s11 =	simm.s32 $0x1  }
0x78: {  	_ =	swait.ge [sflag:s11], $0x800  }
0x79: {  	s12 =	simm.s32 $0x200;
	s24 =	simm.s32 $0x1C600;
	[sflag:s11] =	ssyncset.done $0x0  }
0x7a: {  	s14 =	simm.s32 $0x1D800;
	s13 =	simm.s32 $0x2;
	[sflag:s11] =	ssyncadd.s32 $0xFFFFF800  }
0x7b: {  	[spmem:s2] =	stream.indirect.scatter.add.bf16 [tilespmem:s14], [sflag:$0x2], $0x4, s24, s12, $0xb8;
	[tilespmem:$0x1E800] =	vst v63  }
0x7c: {  	_ =	swait.ge [sflag:s13], $0x800  }
0x7d: {  	s25 =	sadd.s32 $0x1E00, s10;
	s16 =	simm.s32 $0x0;
	[sflag:s13] =	ssyncset.done $0x0  }
0x7e: {  	s17 =	simm.s32 $0x12800;
	s15 =	sadd.s32 s8, s25;
	[sflag:s13] =	ssyncadd.s32 $0xFFFFF800  }
0x7f: {  	[tilespmem:s17], [sflag:$0x2] =	stream.linear.gather [hbm4b:s15+s16], $0x5000, $0x38;
	[tilespmem:$0x1E800] =	vst v63  }
0x80: {  	_ =	swait.ge [sflag:s13], $0x5000  }
0x81: {  	[sflag:s13] =	ssyncset.done $0x0  }
0x82: {  	s26 =	sadd.s32 s9, s25;
	s14 =	simm.s32 $0x17800;
	[sflag:s13] =	ssyncadd.s32 $0xFFFFB000  }
0x83: {  	[tilespmem:s14], [sflag:$0x2] =	stream.linear.gather [hbm4b:s26+s16], $0x5000, $0x38;
	[tilespmem:$0x1E800] =	vst v63  }
0x84: {  	_ =	swait.ge [sflag:s13], $0x5000  }
0x85: {  	[sflag:s13] =	ssyncset.done $0x0  }
0x86: {  	s28 =	simm.s32 $0x1C800;
	s29 =	simm.s32 $0x0;
	[sflag:s13] =	ssyncadd.s32 $0xFFFFB000  }
0x87: {  	[tilespmem:s28], [sflag:$0x1] =	stream.indirect.gather [spmem:s6], $0x4, s17, s12, $0xb8;
	[tilespmem:$0x1E800] =	vst v63  }
0x88: {  	s30 =	sand.u32 $0x1000, s29;
	_ =	swait.ge [sflag:s11], $0x800  }
0x89: {  	s31 =	sxor.u32 $0x1000, s30;
	[sflag:s11] =	ssyncset.done $0x0  }
0x8a: {  	s15 =	simm.s32 $0x12A00;
	s17 =	sor.u32 $0x1C800, s31;
	[sflag:s11] =	ssyncadd.s32 $0xFFFFF800  }
0x8b: {  	[tilespmem:s17], [sflag:$0x1] =	stream.indirect.gather [spmem:s6], $0x4, s15, s12, $0xb8;
	[tilespmem:$0x1E800] =	vst v63  }
0x8c: {  	s16 =	sor.u32 $0x1C800, s30  }
0x8d: {  	[spmem:s2] =	stream.indirect.scatter.add.bf16 [tilespmem:s16], [sflag:$0x2], $0x4, s14, s12, $0xb8;
	[tilespmem:$0x1E800] =	vst v63  }
0x8e: {  	_ =	swait.ge [sflag:s13], $0x800  }
0x8f: {  	s16 =	simm.s32 $0x1;
	[sflag:s13] =	ssyncset.done $0x0  }
.LBB2_7:
0x90: {  	[sflag:s13] =	ssyncadd.s32 $0xFFFFF800;
	s14 =	sadd.s32 $0x200, s14;
	s15 =	sadd.s32 $0x200, s15  }
0x91: {  	s17 =	sshll.u32 s16, $0xC;
	p0 =	sne.s32 s16, $0x26;
	s16 =	sadd.s32 $0x1, s16  }
0x92: {  	s17 =	sand.u32 $0x1000, s17;
	_ =	swait.ge [sflag:s11], $0x800  }
0x93: {  	s18 =	sxor.u32 $0x1000, s17;
	[sflag:s11] =	ssyncset.done $0x0  }
0x94: {  	s18 =	sor.u32 $0x1C800, s18;
	[sflag:s11] =	ssyncadd.s32 $0xFFFFF800  }
0x95: {  	[tilespmem:s18], [sflag:$0x1] =	stream.indirect.gather [spmem:s6], $0x4, s15, s12, $0xb8;
	[tilespmem:$0x1E800] =	vst v63  }
.Ltmp3:
0x96: {  	_ = 	snop;
	(pc) =	sbr.rel @p0 .LBB2_7-.Ltmp3, $4  }
0x97: {  	s17 =	sor.u32 $0x1C800, s17  }
0x98: {  	[spmem:s2] =	stream.indirect.scatter.add.bf16 [tilespmem:s17], [sflag:$0x2], $0x4, s14, s12, $0xb8;
	[tilespmem:$0x1E800] =	vst v63  }
0x99: {  	_ =	swait.ge [sflag:s13], $0x800  }
0x9a: {  	[sflag:s13] =	ssyncset.done $0x0  }
0x9b: {  	[sflag:s13] =	ssyncadd.s32 $0xFFFFF800;
	s11 =	simm.s32 $0x1  }
0x9c: {  	_ =	swait.ge [sflag:s11], $0x800  }
0x9d: {  	s12 =	simm.s32 $0x200;
	s24 =	simm.s32 $0x1C600;
	[sflag:s11] =	ssyncset.done $0x0  }
0x9e: {  	s14 =	simm.s32 $0x1D800;
	s13 =	simm.s32 $0x2;
	[sflag:s11] =	ssyncadd.s32 $0xFFFFF800  }
0x9f: {  	[spmem:s2] =	stream.indirect.scatter.add.bf16 [tilespmem:s14], [sflag:$0x2], $0x4, s24, s12, $0xb8;
	[tilespmem:$0x1E800] =	vst v63  }
0xa0: {  	_ =	swait.ge [sflag:s13], $0x800  }
0xa1: {  	s25 =	sadd.s32 $0x2800, s10;
	s16 =	simm.s32 $0x0;
	[sflag:s13] =	ssyncset.done $0x0  }
0xa2: {  	s17 =	simm.s32 $0x12800;
	s15 =	sadd.s32 s8, s25;
	[sflag:s13] =	ssyncadd.s32 $0xFFFFF800  }
0xa3: {  	[tilespmem:s17], [sflag:$0x2] =	stream.linear.gather [hbm4b:s15+s16], $0x5000, $0x38;
	[tilespmem:$0x1E800] =	vst v63  }
0xa4: {  	_ =	swait.ge [sflag:s13], $0x5000  }
0xa5: {  	[sflag:s13] =	ssyncset.done $0x0  }
0xa6: {  	s26 =	sadd.s32 s9, s25;
	s14 =	simm.s32 $0x17800;
	[sflag:s13] =	ssyncadd.s32 $0xFFFFB000  }
0xa7: {  	[tilespmem:s14], [sflag:$0x2] =	stream.linear.gather [hbm4b:s26+s16], $0x5000, $0x38;
	[tilespmem:$0x1E800] =	vst v63  }
0xa8: {  	_ =	swait.ge [sflag:s13], $0x5000  }
0xa9: {  	[sflag:s13] =	ssyncset.done $0x0  }
0xaa: {  	s28 =	simm.s32 $0x1C800;
	s29 =	simm.s32 $0x0;
	[sflag:s13] =	ssyncadd.s32 $0xFFFFB000  }
0xab: {  	[tilespmem:s28], [sflag:$0x1] =	stream.indirect.gather [spmem:s6], $0x4, s17, s12, $0xb8;
	[tilespmem:$0x1E800] =	vst v63  }
0xac: {  	s30 =	sand.u32 $0x1000, s29;
	_ =	swait.ge [sflag:s11], $0x800  }
0xad: {  	s31 =	sxor.u32 $0x1000, s30;
	[sflag:s11] =	ssyncset.done $0x0  }
0xae: {  	s15 =	simm.s32 $0x12A00;
	s17 =	sor.u32 $0x1C800, s31;
	[sflag:s11] =	ssyncadd.s32 $0xFFFFF800  }
0xaf: {  	[tilespmem:s17], [sflag:$0x1] =	stream.indirect.gather [spmem:s6], $0x4, s15, s12, $0xb8;
	[tilespmem:$0x1E800] =	vst v63  }
0xb0: {  	s16 =	sor.u32 $0x1C800, s30  }
0xb1: {  	[spmem:s2] =	stream.indirect.scatter.add.bf16 [tilespmem:s16], [sflag:$0x2], $0x4, s14, s12, $0xb8;
	[tilespmem:$0x1E800] =	vst v63  }
0xb2: {  	_ =	swait.ge [sflag:s13], $0x800  }
0xb3: {  	s16 =	simm.s32 $0x1;
	[sflag:s13] =	ssyncset.done $0x0  }
.LBB2_9:
0xb4: {  	[sflag:s13] =	ssyncadd.s32 $0xFFFFF800;
	s14 =	sadd.s32 $0x200, s14;
	s15 =	sadd.s32 $0x200, s15  }
0xb5: {  	s17 =	sshll.u32 s16, $0xC;
	p0 =	sne.s32 s16, $0x26;
	s16 =	sadd.s32 $0x1, s16  }
0xb6: {  	s17 =	sand.u32 $0x1000, s17;
	_ =	swait.ge [sflag:s11], $0x800  }
0xb7: {  	s18 =	sxor.u32 $0x1000, s17;
	[sflag:s11] =	ssyncset.done $0x0  }
0xb8: {  	s18 =	sor.u32 $0x1C800, s18;
	[sflag:s11] =	ssyncadd.s32 $0xFFFFF800  }
0xb9: {  	[tilespmem:s18], [sflag:$0x1] =	stream.indirect.gather [spmem:s6], $0x4, s15, s12, $0xb8;
	[tilespmem:$0x1E800] =	vst v63  }
.Ltmp4:
0xba: {  	_ = 	snop;
	(pc) =	sbr.rel @p0 .LBB2_9-.Ltmp4, $4  }
0xbb: {  	s17 =	sor.u32 $0x1C800, s17  }
0xbc: {  	[spmem:s2] =	stream.indirect.scatter.add.bf16 [tilespmem:s17], [sflag:$0x2], $0x4, s14, s12, $0xb8;
	[tilespmem:$0x1E800] =	vst v63  }
0xbd: {  	_ =	swait.ge [sflag:s13], $0x800  }
0xbe: {  	[sflag:s13] =	ssyncset.done $0x0  }
0xbf: {  	[sflag:s13] =	ssyncadd.s32 $0xFFFFF800;
	s11 =	simm.s32 $0x1  }
0xc0: {  	_ =	swait.ge [sflag:s11], $0x800  }
0xc1: {  	s12 =	simm.s32 $0x200;
	s24 =	simm.s32 $0x1C600;
	[sflag:s11] =	ssyncset.done $0x0  }
0xc2: {  	s14 =	simm.s32 $0x1D800;
	s13 =	simm.s32 $0x2;
	[sflag:s11] =	ssyncadd.s32 $0xFFFFF800  }
0xc3: {  	[spmem:s2] =	stream.indirect.scatter.add.bf16 [tilespmem:s14], [sflag:$0x2], $0x4, s24, s12, $0xb8;
	[tilespmem:$0x1E800] =	vst v63  }
0xc4: {  	_ =	swait.ge [sflag:s13], $0x800  }
0xc5: {  	s25 =	sadd.s32 $0x3200, s10;
	s16 =	simm.s32 $0x0;
	[sflag:s13] =	ssyncset.done $0x0  }
0xc6: {  	s17 =	simm.s32 $0x12800;
	s15 =	sadd.s32 s8, s25;
	[sflag:s13] =	ssyncadd.s32 $0xFFFFF800  }
0xc7: {  	[tilespmem:s17], [sflag:$0x2] =	stream.linear.gather [hbm4b:s15+s16], $0x5000, $0x38;
	[tilespmem:$0x1E800] =	vst v63  }
0xc8: {  	_ =	swait.ge [sflag:s13], $0x5000  }
0xc9: {  	[sflag:s13] =	ssyncset.done $0x0  }
0xca: {  	s26 =	sadd.s32 s9, s25;
	s14 =	simm.s32 $0x17800;
	[sflag:s13] =	ssyncadd.s32 $0xFFFFB000  }
0xcb: {  	[tilespmem:s14], [sflag:$0x2] =	stream.linear.gather [hbm4b:s26+s16], $0x5000, $0x38;
	[tilespmem:$0x1E800] =	vst v63  }
0xcc: {  	_ =	swait.ge [sflag:s13], $0x5000  }
0xcd: {  	[sflag:s13] =	ssyncset.done $0x0  }
0xce: {  	s28 =	simm.s32 $0x1C800;
	s29 =	simm.s32 $0x0;
	[sflag:s13] =	ssyncadd.s32 $0xFFFFB000  }
0xcf: {  	[tilespmem:s28], [sflag:$0x1] =	stream.indirect.gather [spmem:s6], $0x4, s17, s12, $0xb8;
	[tilespmem:$0x1E800] =	vst v63  }
0xd0: {  	s30 =	sand.u32 $0x1000, s29;
	_ =	swait.ge [sflag:s11], $0x800  }
0xd1: {  	s31 =	sxor.u32 $0x1000, s30;
	[sflag:s11] =	ssyncset.done $0x0  }
0xd2: {  	s15 =	simm.s32 $0x12A00;
	s17 =	sor.u32 $0x1C800, s31;
	[sflag:s11] =	ssyncadd.s32 $0xFFFFF800  }
0xd3: {  	[tilespmem:s17], [sflag:$0x1] =	stream.indirect.gather [spmem:s6], $0x4, s15, s12, $0xb8;
	[tilespmem:$0x1E800] =	vst v63  }
0xd4: {  	s16 =	sor.u32 $0x1C800, s30  }
0xd5: {  	[spmem:s2] =	stream.indirect.scatter.add.bf16 [tilespmem:s16], [sflag:$0x2], $0x4, s14, s12, $0xb8;
	[tilespmem:$0x1E800] =	vst v63  }
0xd6: {  	_ =	swait.ge [sflag:s13], $0x800  }
0xd7: {  	s16 =	simm.s32 $0x1;
	[sflag:s13] =	ssyncset.done $0x0  }
.LBB2_11:
0xd8: {  	[sflag:s13] =	ssyncadd.s32 $0xFFFFF800;
	s14 =	sadd.s32 $0x200, s14;
	s15 =	sadd.s32 $0x200, s15  }
0xd9: {  	s17 =	sshll.u32 s16, $0xC;
	p0 =	sne.s32 s16, $0x26;
	s16 =	sadd.s32 $0x1, s16  }
0xda: {  	s17 =	sand.u32 $0x1000, s17;
	_ =	swait.ge [sflag:s11], $0x800  }
0xdb: {  	s18 =	sxor.u32 $0x1000, s17;
	[sflag:s11] =	ssyncset.done $0x0  }
0xdc: {  	s18 =	sor.u32 $0x1C800, s18;
	[sflag:s11] =	ssyncadd.s32 $0xFFFFF800  }
0xdd: {  	[tilespmem:s18], [sflag:$0x1] =	stream.indirect.gather [spmem:s6], $0x4, s15, s12, $0xb8;
	[tilespmem:$0x1E800] =	vst v63  }
.Ltmp5:
0xde: {  	_ = 	snop;
	(pc) =	sbr.rel @p0 .LBB2_11-.Ltmp5, $4  }
0xdf: {  	s17 =	sor.u32 $0x1C800, s17  }
0xe0: {  	[spmem:s2] =	stream.indirect.scatter.add.bf16 [tilespmem:s17], [sflag:$0x2], $0x4, s14, s12, $0xb8;
	[tilespmem:$0x1E800] =	vst v63  }
0xe1: {  	_ =	swait.ge [sflag:s13], $0x800  }
0xe2: {  	[sflag:s13] =	ssyncset.done $0x0  }
0xe3: {  	[sflag:s13] =	ssyncadd.s32 $0xFFFFF800;
	s11 =	simm.s32 $0x1  }
0xe4: {  	_ =	swait.ge [sflag:s11], $0x800  }
0xe5: {  	s12 =	simm.s32 $0x200;
	s24 =	simm.s32 $0x1C600;
	[sflag:s11] =	ssyncset.done $0x0  }
0xe6: {  	s14 =	simm.s32 $0x1D800;
	s13 =	simm.s32 $0x2;
	[sflag:s11] =	ssyncadd.s32 $0xFFFFF800  }
0xe7: {  	[spmem:s2] =	stream.indirect.scatter.add.bf16 [tilespmem:s14], [sflag:$0x2], $0x4, s24, s12, $0xb8;
	[tilespmem:$0x1E800] =	vst v63  }
0xe8: {  	_ =	swait.ge [sflag:s13], $0x800  }
0xe9: {  	s25 =	sadd.s32 $0x3C00, s10;
	s16 =	simm.s32 $0x0;
	[sflag:s13] =	ssyncset.done $0x0  }
0xea: {  	s17 =	simm.s32 $0x12800;
	s15 =	sadd.s32 s8, s25;
	[sflag:s13] =	ssyncadd.s32 $0xFFFFF800  }
0xeb: {  	[tilespmem:s17], [sflag:$0x2] =	stream.linear.gather [hbm4b:s15+s16], $0x5000, $0x38;
	[tilespmem:$0x1E800] =	vst v63  }
0xec: {  	_ =	swait.ge [sflag:s13], $0x5000  }
0xed: {  	[sflag:s13] =	ssyncset.done $0x0  }
0xee: {  	s26 =	sadd.s32 s9, s25;
	s14 =	simm.s32 $0x17800;
	[sflag:s13] =	ssyncadd.s32 $0xFFFFB000  }
0xef: {  	[tilespmem:s14], [sflag:$0x2] =	stream.linear.gather [hbm4b:s26+s16], $0x5000, $0x38;
	[tilespmem:$0x1E800] =	vst v63  }
0xf0: {  	_ =	swait.ge [sflag:s13], $0x5000  }
0xf1: {  	[sflag:s13] =	ssyncset.done $0x0  }
0xf2: {  	s28 =	simm.s32 $0x1C800;
	s29 =	simm.s32 $0x0;
	[sflag:s13] =	ssyncadd.s32 $0xFFFFB000  }
0xf3: {  	[tilespmem:s28], [sflag:$0x1] =	stream.indirect.gather [spmem:s6], $0x4, s17, s12, $0xb8;
	[tilespmem:$0x1E800] =	vst v63  }
0xf4: {  	s30 =	sand.u32 $0x1000, s29;
	_ =	swait.ge [sflag:s11], $0x800  }
0xf5: {  	s31 =	sxor.u32 $0x1000, s30;
	[sflag:s11] =	ssyncset.done $0x0  }
0xf6: {  	s15 =	simm.s32 $0x12A00;
	s17 =	sor.u32 $0x1C800, s31;
	[sflag:s11] =	ssyncadd.s32 $0xFFFFF800  }
0xf7: {  	[tilespmem:s17], [sflag:$0x1] =	stream.indirect.gather [spmem:s6], $0x4, s15, s12, $0xb8;
	[tilespmem:$0x1E800] =	vst v63  }
0xf8: {  	s16 =	sor.u32 $0x1C800, s30  }
0xf9: {  	[spmem:s2] =	stream.indirect.scatter.add.bf16 [tilespmem:s16], [sflag:$0x2], $0x4, s14, s12, $0xb8;
	[tilespmem:$0x1E800] =	vst v63  }
0xfa: {  	_ =	swait.ge [sflag:s13], $0x800  }
0xfb: {  	s16 =	simm.s32 $0x1;
	[sflag:s13] =	ssyncset.done $0x0  }
.LBB2_13:
0xfc: {  	[sflag:s13] =	ssyncadd.s32 $0xFFFFF800;
	s14 =	sadd.s32 $0x200, s14;
	s15 =	sadd.s32 $0x200, s15  }
0xfd: {  	s17 =	sshll.u32 s16, $0xC;
	p0 =	sne.s32 s16, $0x26;
	s16 =	sadd.s32 $0x1, s16  }
0xfe: {  	s17 =	sand.u32 $0x1000, s17;
	_ =	swait.ge [sflag:s11], $0x800  }
0xff: {  	s18 =	sxor.u32 $0x1000, s17;
	[sflag:s11] =	ssyncset.done $0x0  }
0x100: {  	s18 =	sor.u32 $0x1C800, s18;
	[sflag:s11] =	ssyncadd.s32 $0xFFFFF800  }
0x101: {  	[tilespmem:s18], [sflag:$0x1] =	stream.indirect.gather [spmem:s6], $0x4, s15, s12, $0xb8;
	[tilespmem:$0x1E800] =	vst v63  }
.Ltmp6:
0x102: {  	_ = 	snop;
	(pc) =	sbr.rel @p0 .LBB2_13-.Ltmp6, $4  }
0x103: {  	s17 =	sor.u32 $0x1C800, s17  }
0x104: {  	[spmem:s2] =	stream.indirect.scatter.add.bf16 [tilespmem:s17], [sflag:$0x2], $0x4, s14, s12, $0xb8;
	[tilespmem:$0x1E800] =	vst v63  }
0x105: {  	_ =	swait.ge [sflag:s13], $0x800  }
0x106: {  	[sflag:s13] =	ssyncset.done $0x0  }
0x107: {  	[sflag:s13] =	ssyncadd.s32 $0xFFFFF800;
	s11 =	simm.s32 $0x1  }
0x108: {  	_ =	swait.ge [sflag:s11], $0x800  }
0x109: {  	s12 =	simm.s32 $0x200;
	s25 =	simm.s32 $0x1C600;
	[sflag:s11] =	ssyncset.done $0x0  }
0x10a: {  	s14 =	simm.s32 $0x1D800;
	s13 =	simm.s32 $0x2;
	[sflag:s11] =	ssyncadd.s32 $0xFFFFF800  }
0x10b: {  	[spmem:s2] =	stream.indirect.scatter.add.bf16 [tilespmem:s14], [sflag:$0x2], $0x4, s25, s12, $0xb8;
	[tilespmem:$0x1E800] =	vst v63  }
0x10c: {  	_ =	swait.ge [sflag:s13], $0x800  }
0x10d: {  	s10 =	sadd.s32 $0x4600, s10;
	s26 =	simm.s32 $0x0;
	[sflag:s13] =	ssyncset.done $0x0  }
0x10e: {  	s15 =	simm.s32 $0x12800;
	s8 =	sadd.s32 s8, s10;
	[sflag:s13] =	ssyncadd.s32 $0xFFFFF800  }
0x10f: {  	[tilespmem:s15], [sflag:$0x2] =	stream.linear.gather [hbm4b:s8+s26], $0x5000, $0x38;
	[tilespmem:$0x1E800] =	vst v63  }
0x110: {  	_ =	swait.ge [sflag:s13], $0x5000  }
0x111: {  	[sflag:s13] =	ssyncset.done $0x0  }
0x112: {  	s9 =	sadd.s32 s9, s10;
	s8 =	simm.s32 $0x17800;
	[sflag:s13] =	ssyncadd.s32 $0xFFFFB000  }
0x113: {  	[tilespmem:s8], [sflag:$0x2] =	stream.linear.gather [hbm4b:s9+s26], $0x5000, $0x38;
	[tilespmem:$0x1E800] =	vst v63  }
0x114: {  	_ =	swait.ge [sflag:s13], $0x5000  }
0x115: {  	[sflag:s13] =	ssyncset.done $0x0  }
0x116: {  	s28 =	simm.s32 $0x1C800;
	s29 =	simm.s32 $0x0;
	[sflag:s13] =	ssyncadd.s32 $0xFFFFB000  }
0x117: {  	[tilespmem:s28], [sflag:$0x1] =	stream.indirect.gather [spmem:s6], $0x4, s15, s12, $0xb8;
	[tilespmem:$0x1E800] =	vst v63  }
0x118: {  	s30 =	sand.u32 $0x1000, s29;
	_ =	swait.ge [sflag:s11], $0x800  }
0x119: {  	s31 =	sxor.u32 $0x1000, s30;
	[sflag:s11] =	ssyncset.done $0x0  }
0x11a: {  	s14 =	sor.u32 $0x1C800, s31;
	s9 =	simm.s32 $0x12A00;
	[sflag:s11] =	ssyncadd.s32 $0xFFFFF800  }
0x11b: {  	[tilespmem:s14], [sflag:$0x1] =	stream.indirect.gather [spmem:s6], $0x4, s9, s12, $0xb8;
	[tilespmem:$0x1E800] =	vst v63  }
0x11c: {  	s10 =	sor.u32 $0x1C800, s30  }
0x11d: {  	[spmem:s2] =	stream.indirect.scatter.add.bf16 [tilespmem:s10], [sflag:$0x2], $0x4, s8, s12, $0xb8;
	[tilespmem:$0x1E800] =	vst v63  }
0x11e: {  	_ =	swait.ge [sflag:s13], $0x800  }
0x11f: {  	s10 =	simm.s32 $0x1;
	[sflag:s13] =	ssyncset.done $0x0  }
.LBB2_15:
0x120: {  	[sflag:s13] =	ssyncadd.s32 $0xFFFFF800;
	s8 =	sadd.s32 $0x200, s8;
	s9 =	sadd.s32 $0x200, s9  }
0x121: {  	s14 =	sshll.u32 s10, $0xC;
	p0 =	sne.s32 s10, $0x26;
	s10 =	sadd.s32 $0x1, s10  }
0x122: {  	s14 =	sand.u32 $0x1000, s14;
	_ =	swait.ge [sflag:s11], $0x800  }
0x123: {  	s15 =	sxor.u32 $0x1000, s14;
	[sflag:s11] =	ssyncset.done $0x0  }
0x124: {  	s15 =	sor.u32 $0x1C800, s15;
	[sflag:s11] =	ssyncadd.s32 $0xFFFFF800  }
0x125: {  	[tilespmem:s15], [sflag:$0x1] =	stream.indirect.gather [spmem:s6], $0x4, s9, s12, $0xb8;
	[tilespmem:$0x1E800] =	vst v63  }
.Ltmp7:
0x126: {  	_ = 	snop;
	(pc) =	sbr.rel @p0 .LBB2_15-.Ltmp7, $4  }
0x127: {  	s14 =	sor.u32 $0x1C800, s14  }
0x128: {  	[spmem:s2] =	stream.indirect.scatter.add.bf16 [tilespmem:s14], [sflag:$0x2], $0x4, s8, s12, $0xb8;
	[tilespmem:$0x1E800] =	vst v63  }
0x129: {  	_ =	swait.ge [sflag:s13], $0x800  }
0x12a: {  	[sflag:s13] =	ssyncset.done $0x0  }
0x12b: {  	[sflag:s13] =	ssyncadd.s32 $0xFFFFF800;
	s6 =	simm.s32 $0x1  }
0x12c: {  	_ =	swait.ge [sflag:s6], $0x800  }
0x12d: {  	s30 =	simm.s32 $0x200;
	s8 =	simm.s32 $0x1C600;
	[sflag:s6] =	ssyncset.done $0x0  }
0x12e: {  	s9 =	simm.s32 $0x1D800;
	s31 =	simm.s32 $0x2;
	[sflag:s6] =	ssyncadd.s32 $0xFFFFF800  }
0x12f: {  	[spmem:s2] =	stream.indirect.scatter.add.bf16 [tilespmem:s9], [sflag:$0x2], $0x4, s8, s30, $0xb8;
	[tilespmem:$0x1E800] =	vst v63  }
0x130: {  	_ =	swait.ge [sflag:s31], $0x800  }
0x131: {  	[sflag:s31] =	ssyncset.done $0x0  }
0x132: {  	[sflag:s31] =	ssyncadd.s32 $0xFFFFF800  }
0x133: {  	s5 =	sadd.s32 s7, s5;
	[bflag:$0x0] =	sbarrier.arrive $0xFFFF  }
0x134: {  	[hbm:s5], [sflag:s3] =	dma.local [spmem:s4], $0x2500  }
0x135: {  	_ =	swait.ge [sflag:s31], $0x2500  }
0x136: {  	[sflag:s31] =	ssyncset.done $0x0  }
0x137: {  	[sflag:s31] =	ssyncadd.s32 $0xFFFFDB00  }
0x138: {  	_ =	sfence.sel $0x180000  }
0x139: {  	[bflag:$0x0] =	sbarrier.arrive $0xFFFF  }
0x13a: {  	p0 =	sne.s32 s0, $0x0;
	_ =	strace $0x9000004A  }
0x13b: {  	s0 =	sadd.s32 @!p0 $0x100000, s1;
	[bflag:$0x2] =	sbarrier.arrive $0xFFFF  }
0x13c: {  	[sflag:s0] =	ssyncadd.tile.s32 @!p0 $0x1;
	_ =	shalt  }
.Lfunc_end2:
_tile_overlayer_lowered:
.L_overlay_start_2:
0x13d: {  	(tag) =	ssettag $0x2  }
0x13e: {  	s0 =	rddreg [dreg:$0x0];
	s2 =	stileid.u32  }
0x13f: {  	s1 =	rddreg [dreg:$0x1];
	p0 =	sne.s32 s2, $0x0  }
0x140: {  	s3 =	rddreg [dreg:$0x2];
	[bflag:$0x3] =	sbarrier.arrive $0xFFFF;
	s2 =	simm.s32 @!p0 $0x1C02  }
0x141: {  	[timem:s3], [sflag:s2] =	dma.local @!p0 [hbm:s0], s1  }
0x142: {  	s0 =	simm.s32 @!p0 $0x2  }
0x143: {  	_ =	swait.ge @!p0 [sflag:s0], s1  }
0x144: {  	s1 =	ssub.s32 @!p0 $0x0, s1;
	[sflag:s0] =	ssyncset.done @!p0 $0x0  }
0x145: {  	[sflag:s0] =	ssyncadd.s32 @!p0 s1  }
0x146: {  	[bflag:$0x3] =	sbarrier.arrive $0xFFFF  }
0x147: {  	_ =	shalt  }

</sc_bundles>
